<compile_context>
chip_gen: v7x
topology: tpu7x:2x2x1
jax: 0.10.2.dev20260603
libtpu: 0.0.44.dev20260713+nightly
codegen_flags: <defaults>
</compile_context>

<pallas_src>
import functools

import jax
import jax.numpy as jnp
from jax import lax
from jax.experimental import pallas as pl
from jax.experimental.pallas import tpu as pltpu
from jax.experimental.pallas import tpu_sc as plsc

_VOCAB = 100000
_D = 64
_SEQ = 200
_BATCH = 4096
_NC = 2
_NS = 16
_NW = _NC * _NS
_RPW = _BATCH // _NW
_CHUNK = (104, 96)
_OFF = (0, 104)
_CMAX = 104
_CPW = 2 * _RPW
_NS_RING = 8
_PF = 4
_LANES = 16


def _emb_body(ids_hbm, tok_hbm, pos_hbm, out_hbm, idx_all, pos_v, *bufs):
    rows = bufs[:_NS_RING]
    gsem = bufs[_NS_RING:2 * _NS_RING]
    ssem = bufs[2 * _NS_RING:3 * _NS_RING]

    wid = lax.axis_index("s") * _NC + lax.axis_index("c")
    base = wid * _RPW

    pltpu.sync_copy(pos_hbm.at[pl.ds(0, _SEQ)], pos_v)
    pltpu.sync_copy(ids_hbm.at[pl.ds(base, _RPW)], idx_all)

    def gather(r, h, b):
        n = _CHUNK[h]
        src = tok_hbm.at[idx_all.at[r, pl.ds(_OFF[h], n)]]
        return pltpu.make_async_copy(src, rows[b].at[pl.ds(0, n)], gsem[b])

    def scatter(r, h, b):
        n = _CHUNK[h]
        dst = out_hbm.at[base + r, pl.ds(_OFF[h], n), pl.ds(0, _D)]
        return pltpu.make_async_copy(rows[b].at[pl.ds(0, n)], dst, ssem[b])

    for b in range(_PF):
        gather(b // 2, b % 2, b).start()

    def outer(k, _):
        c0 = k * _NS_RING
        for b in range(_NS_RING):
            r = c0 // 2 + b // 2
            h = b % 2
            n = _CHUNK[h]

            b4 = (b + _PF) % _NS_RING
            cm = c0 + b - _PF
            cp = c0 + b + _PF
            rm = cm // 2
            rp = cp // 2

            @pl.when(cm >= 0)
            def _():
                scatter(rm, h, b4).wait()

            @pl.when(cp < _CPW)
            def _():
                gather(rp, h, b4).start()

            gather(r, h, b).wait()

            @plsc.parallel_loop(0, n, 1, unroll=4)
            def _add(i):
                for j in range(_D // _LANES):
                    v = pos_v[_OFF[h] + i, pl.ds(j * _LANES, _LANES)]
                    plsc.addupdate(rows[b].at[i, pl.ds(j * _LANES, _LANES)], v)

            scatter(r, h, b).start()
        return ()

    lax.fori_loop(0, _CPW // _NS_RING, outer, ())

    for b in range(_PF):
        c = _CPW - _PF + b
        scatter(c // 2, c % 2, c % _NS_RING).wait()


@jax.jit
def _emb_call(ids, token_embedding, position_embedding):
    mesh = plsc.VectorSubcoreMesh(
        core_axis_name="c", subcore_axis_name="s",
        num_cores=_NC, num_subcores=_NS,
    )
    fn = functools.partial(
        pl.kernel,
        out_type=jax.ShapeDtypeStruct((_BATCH, _SEQ, 2 * _D), jnp.float32),
        mesh=mesh,
        scratch_types=(
            [pltpu.VMEM((_RPW, _SEQ), jnp.int32),
             pltpu.VMEM((_SEQ, _D), jnp.float32)]
            + [pltpu.VMEM((_CMAX, _D), jnp.float32)] * _NS_RING
            + [pltpu.SemaphoreType.DMA] * (2 * _NS_RING)
        ),
        compiler_params=pltpu.CompilerParams(use_tc_tiling_on_sc=False),
    )(_emb_body)
    return fn(ids, token_embedding, position_embedding)


def kernel(input_ids, token_embedding, position_embedding):
    out128 = _emb_call(input_ids.astype(jnp.int32), token_embedding,
                       position_embedding)
    return out128[:, :, :_D]

# --- scband reference (transcript-rebuilt; emitter-appended) ---
"""Pipeline reference for scband-clipsym-text-embeddings-4148938408257 (READ-ONLY COPY).

The authoritative reference and input builder live on the scoring server;
editing this copy changes nothing except your own understanding.
"""

import jax, jax.numpy as jnp
import numpy as np

VOCAB = 100000
EMBED_DIM = 64
MAX_POS = 256
BATCH = 4096
SEQ = 200

def setup_inputs(seed: int = 0) -> dict:
    key = jax.random.key(seed)
    k1, k2, k3 = jax.random.split(key, 3)
    input_ids = jax.random.randint(k1, (BATCH, SEQ), 0, VOCAB, dtype=jnp.int64 if jax.config.jax_enable_x64 else jnp.int32)
    token_embedding = jax.random.normal(k2, (VOCAB, EMBED_DIM), dtype=jnp.float32) * 0.02
    position_embedding = jax.random.normal(k3, (MAX_POS, EMBED_DIM), dtype=jnp.float32) * 0.02
    return {"input_ids": input_ids, "token_embedding": token_embedding, "position_embedding": position_embedding}

def reference(input_ids, token_embedding, position_embedding):
    seq_length = input_ids.shape[-1]
    # position_ids buffer: arange(max_pos)[None, :] sliced to seq_length
    position_ids = jnp.arange(MAX_POS)[None, :][:, :seq_length]
    inputs_embeds = jnp.take(token_embedding, input_ids, axis=0)
    position_embeddings = jnp.take(position_embedding, position_ids, axis=0)
    embeddings = inputs_embeds + position_embeddings
    return embeddings

if __name__ == "__main__":
    import jax
    _d = setup_inputs()
    print(jax.jit(kernel)(*tuple(_d.values())))

</pallas_src>

<mosaic_0001>
#map = affine_map<(d0, d1) -> (0, 0)>
#map1 = affine_map<(d0, d1) -> (0, 0, 0)>
module attributes {stable_mosaic.version = 14 : i64} {
  func.func @_emb_body(%arg0: i32, %arg1: i32, %arg2: memref<4096x200xi32, #tpu.memory_space<hbm>>, %arg3: memref<100000x64xf32, #tpu.memory_space<hbm>>, %arg4: memref<256x64xf32, #tpu.memory_space<hbm>>, %arg5: memref<4096x200x128xf32, #tpu.memory_space<hbm>>, %arg6: memref<128x200xi32, #tpu.memory_space<vmem>>, %arg7: memref<200x64xf32, #tpu.memory_space<vmem>>, %arg8: memref<104x64xf32, #tpu.memory_space<vmem>>, %arg9: memref<104x64xf32, #tpu.memory_space<vmem>>, %arg10: memref<104x64xf32, #tpu.memory_space<vmem>>, %arg11: memref<104x64xf32, #tpu.memory_space<vmem>>, %arg12: memref<104x64xf32, #tpu.memory_space<vmem>>, %arg13: memref<104x64xf32, #tpu.memory_space<vmem>>, %arg14: memref<104x64xf32, #tpu.memory_space<vmem>>, %arg15: memref<104x64xf32, #tpu.memory_space<vmem>>, %arg16: memref<!tpu.dma_semaphore, #tpu.memory_space<semaphore_mem>>, %arg17: memref<!tpu.dma_semaphore, #tpu.memory_space<semaphore_mem>>, %arg18: memref<!tpu.dma_semaphore, #tpu.memory_space<semaphore_mem>>, %arg19: memref<!tpu.dma_semaphore, #tpu.memory_space<semaphore_mem>>, %arg20: memref<!tpu.dma_semaphore, #tpu.memory_space<semaphore_mem>>, %arg21: memref<!tpu.dma_semaphore, #tpu.memory_space<semaphore_mem>>, %arg22: memref<!tpu.dma_semaphore, #tpu.memory_space<semaphore_mem>>, %arg23: memref<!tpu.dma_semaphore, #tpu.memory_space<semaphore_mem>>, %arg24: memref<!tpu.dma_semaphore, #tpu.memory_space<semaphore_mem>>, %arg25: memref<!tpu.dma_semaphore, #tpu.memory_space<semaphore_mem>>, %arg26: memref<!tpu.dma_semaphore, #tpu.memory_space<semaphore_mem>>, %arg27: memref<!tpu.dma_semaphore, #tpu.memory_space<semaphore_mem>>, %arg28: memref<!tpu.dma_semaphore, #tpu.memory_space<semaphore_mem>>, %arg29: memref<!tpu.dma_semaphore, #tpu.memory_space<semaphore_mem>>, %arg30: memref<!tpu.dma_semaphore, #tpu.memory_space<semaphore_mem>>, %arg31: memref<!tpu.dma_semaphore, #tpu.memory_space<semaphore_mem>>) attributes {dimension_semantics = [#tpu.dimension_semantics<core_parallel>, #tpu.dimension_semantics<subcore_parallel>], iteration_bounds = array<i64: 2, 16>, scalar_prefetch = 0 : i64, scratch_operands = 26 : i64, tpu.core_type = #tpu.core_type<sc_vector_subcore>, window_params = [{transform_indices = #map}, {transform_indices = #map}, {transform_indices = #map}, {transform_indices = #map1}]} {
    %mul3A = arith.constant 2 : i32
    %mul3A_0 = arith.muli %arg1, %mul3A : i32
    %add3A = arith.addi %mul3A_0, %arg0 : i32
    %mul3A_1 = arith.constant 128 : i32
    %mul3A_2 = arith.muli %add3A, %mul3A_1 : i32
    "tpu.region"() ({
      %run_scoped3A = tpu.sem_alloc : memref<!tpu.dma_semaphore, #tpu.memory_space<semaphore_mem>>
      %dma_start3A_109 = arith.constant 0 : i32
      %dma_start3A_110 = arith.constant 0 : i32
      %dma_start3A_111 = tpu.memref_slice %arg4[%dma_start3A_109, %dma_start3A_110] : memref<256x64xf32, #tpu.memory_space<hbm>> -> memref<200x64xf32, #tpu.memory_space<hbm>>
      %dma_start3A_112 = arith.constant 0 : i32
      %dma_start3A_113 = arith.constant 0 : i32
      %dma_start3A_114 = tpu.memref_slice %arg4[%dma_start3A_112, %dma_start3A_113] : memref<256x64xf32, #tpu.memory_space<hbm>> -> memref<200x64xf32, #tpu.memory_space<hbm>>
      tpu.enqueue_dma source(%dma_start3A_114 : memref<200x64xf32, #tpu.memory_space<hbm>>) target(%arg7 : memref<200x64xf32, #tpu.memory_space<vmem>>) target_semaphore(%run_scoped3A : memref<!tpu.dma_semaphore, #tpu.memory_space<semaphore_mem>>)
      %dma_wait3A_115 = arith.constant 0 : i32
      %dma_wait3A_116 = arith.constant 0 : i32
      %dma_wait3A_117 = tpu.memref_slice %arg4[%dma_wait3A_115, %dma_wait3A_116] : memref<256x64xf32, #tpu.memory_space<hbm>> -> memref<200x64xf32, #tpu.memory_space<hbm>>
      %dma_wait3A_118 = arith.constant 0 : i32
      %dma_wait3A_119 = arith.constant 0 : i32
      %dma_wait3A_120 = tpu.memref_slice %arg4[%dma_wait3A_118, %dma_wait3A_119] : memref<256x64xf32, #tpu.memory_space<hbm>> -> memref<200x64xf32, #tpu.memory_space<hbm>>
      tpu.wait_dma2 semaphore(%run_scoped3A : memref<!tpu.dma_semaphore, #tpu.memory_space<semaphore_mem>>) src(%dma_wait3A_120 : memref<200x64xf32, #tpu.memory_space<hbm>>) dst(%arg7 : memref<200x64xf32, #tpu.memory_space<vmem>>)
      tpu.yield
    }) : () -> ()
    "tpu.region"() ({
      %run_scoped3A = tpu.sem_alloc : memref<!tpu.dma_semaphore, #tpu.memory_space<semaphore_mem>>
      %dma_start3A_109 = arith.constant 0 : i32
      %dma_start3A_110 = tpu.memref_slice %arg2[%mul3A_2, %dma_start3A_109] : memref<4096x200xi32, #tpu.memory_space<hbm>> -> memref<128x200xi32, #tpu.memory_space<hbm>>
      %dma_start3A_111 = arith.constant 0 : i32
      %dma_start3A_112 = tpu.memref_slice %arg2[%mul3A_2, %dma_start3A_111] : memref<4096x200xi32, #tpu.memory_space<hbm>> -> memref<128x200xi32, #tpu.memory_space<hbm>>
      tpu.enqueue_dma source(%dma_start3A_112 : memref<128x200xi32, #tpu.memory_space<hbm>>) target(%arg6 : memref<128x200xi32, #tpu.memory_space<vmem>>) target_semaphore(%run_scoped3A : memref<!tpu.dma_semaphore, #tpu.memory_space<semaphore_mem>>)
      %dma_wait3A_113 = arith.constant 0 : i32
      %dma_wait3A_114 = tpu.memref_slice %arg2[%mul3A_2, %dma_wait3A_113] : memref<4096x200xi32, #tpu.memory_space<hbm>> -> memref<128x200xi32, #tpu.memory_space<hbm>>
      %dma_wait3A_115 = arith.constant 0 : i32
      %dma_wait3A_116 = tpu.memref_slice %arg2[%mul3A_2, %dma_wait3A_115] : memref<4096x200xi32, #tpu.memory_space<hbm>> -> memref<128x200xi32, #tpu.memory_space<hbm>>
      tpu.wait_dma2 semaphore(%run_scoped3A : memref<!tpu.dma_semaphore, #tpu.memory_space<semaphore_mem>>) src(%dma_wait3A_116 : memref<128x200xi32, #tpu.memory_space<hbm>>) dst(%arg6 : memref<128x200xi32, #tpu.memory_space<vmem>>)
      tpu.yield
    }) : () -> ()
    %dma_start3A = arith.constant 0 : i32
    %dma_start3A_3 = arith.constant 0 : i32
    %dma_start3A_4 = arith.constant 0 : i32
    %dma_start3A_5 = tpu.memref_slice %arg8[%dma_start3A_3, %dma_start3A_4] : memref<104x64xf32, #tpu.memory_space<vmem>> -> memref<104x64xf32, #tpu.memory_space<vmem>>
    %dma_start3A_6 = arith.constant 0 : i32
    %dma_start3A_7 = tpu.memref_slice %arg6[%dma_start3A, %dma_start3A_6] : memref<128x200xi32, #tpu.memory_space<vmem>> -> memref<1x104xi32, #tpu.memory_space<vmem>>
    %dma_start3A_8 = tpu.memref_squeeze %dma_start3A_7 : memref<1x104xi32, #tpu.memory_space<vmem>> -> memref<104xi32, #tpu.memory_space<vmem>>
    %dma_start3A_9 = arith.constant 0 : i32
    %dma_start3A_10 = arith.constant 0 : i32
    %dma_start3A_11 = tpu.memref_slice %arg3[%dma_start3A_9, %dma_start3A_10] : memref<100000x64xf32, #tpu.memory_space<hbm>> -> memref<100000x64xf32, #tpu.memory_space<hbm>>
    tpu.enqueue_indirect_dma source(%dma_start3A_11 : memref<100000x64xf32, #tpu.memory_space<hbm>>) target(%dma_start3A_5 : memref<104x64xf32, #tpu.memory_space<vmem>>) offsets(%dma_start3A_8 : memref<104xi32, #tpu.memory_space<vmem>>) semaphore(%arg16 : memref<!tpu.dma_semaphore, #tpu.memory_space<semaphore_mem>>)
    %dma_start3A_12 = arith.constant 0 : i32
    %dma_start3A_13 = arith.constant 0 : i32
    %dma_start3A_14 = arith.constant 0 : i32
    %dma_start3A_15 = tpu.memref_slice %arg9[%dma_start3A_13, %dma_start3A_14] : memref<104x64xf32, #tpu.memory_space<vmem>> -> memref<96x64xf32, #tpu.memory_space<vmem>>
    %dma_start3A_16 = arith.constant 104 : i32
    %dma_start3A_17 = tpu.memref_slice %arg6[%dma_start3A_12, %dma_start3A_16] : memref<128x200xi32, #tpu.memory_space<vmem>> -> memref<1x96xi32, #tpu.memory_space<vmem>>
    %dma_start3A_18 = tpu.memref_squeeze %dma_start3A_17 : memref<1x96xi32, #tpu.memory_space<vmem>> -> memref<96xi32, #tpu.memory_space<vmem>>
    %dma_start3A_19 = arith.constant 0 : i32
    %dma_start3A_20 = arith.constant 0 : i32
    %dma_start3A_21 = tpu.memref_slice %arg3[%dma_start3A_19, %dma_start3A_20] : memref<100000x64xf32, #tpu.memory_space<hbm>> -> memref<100000x64xf32, #tpu.memory_space<hbm>>
    tpu.enqueue_indirect_dma source(%dma_start3A_21 : memref<100000x64xf32, #tpu.memory_space<hbm>>) target(%dma_start3A_15 : memref<96x64xf32, #tpu.memory_space<vmem>>) offsets(%dma_start3A_18 : memref<96xi32, #tpu.memory_space<vmem>>) semaphore(%arg17 : memref<!tpu.dma_semaphore, #tpu.memory_space<semaphore_mem>>)
    %dma_start3A_22 = arith.constant 1 : i32
    %dma_start3A_23 = arith.constant 0 : i32
    %dma_start3A_24 = arith.constant 0 : i32
    %dma_start3A_25 = tpu.memref_slice %arg10[%dma_start3A_23, %dma_start3A_24] : memref<104x64xf32, #tpu.memory_space<vmem>> -> memref<104x64xf32, #tpu.memory_space<vmem>>
    %dma_start3A_26 = arith.constant 0 : i32
    %dma_start3A_27 = tpu.memref_slice %arg6[%dma_start3A_22, %dma_start3A_26] : memref<128x200xi32, #tpu.memory_space<vmem>> -> memref<1x104xi32, #tpu.memory_space<vmem>>
    %dma_start3A_28 = tpu.memref_squeeze %dma_start3A_27 : memref<1x104xi32, #tpu.memory_space<vmem>> -> memref<104xi32, #tpu.memory_space<vmem>>
    %dma_start3A_29 = arith.constant 0 : i32
    %dma_start3A_30 = arith.constant 0 : i32
    %dma_start3A_31 = tpu.memref_slice %arg3[%dma_start3A_29, %dma_start3A_30] : memref<100000x64xf32, #tpu.memory_space<hbm>> -> memref<100000x64xf32, #tpu.memory_space<hbm>>
    tpu.enqueue_indirect_dma source(%dma_start3A_31 : memref<100000x64xf32, #tpu.memory_space<hbm>>) target(%dma_start3A_25 : memref<104x64xf32, #tpu.memory_space<vmem>>) offsets(%dma_start3A_28 : memref<104xi32, #tpu.memory_space<vmem>>) semaphore(%arg18 : memref<!tpu.dma_semaphore, #tpu.memory_space<semaphore_mem>>)
    %dma_start3A_32 = arith.constant 1 : i32
    %dma_start3A_33 = arith.constant 0 : i32
    %dma_start3A_34 = arith.constant 0 : i32
    %dma_start3A_35 = tpu.memref_slice %arg11[%dma_start3A_33, %dma_start3A_34] : memref<104x64xf32, #tpu.memory_space<vmem>> -> memref<96x64xf32, #tpu.memory_space<vmem>>
    %dma_start3A_36 = arith.constant 104 : i32
    %dma_start3A_37 = tpu.memref_slice %arg6[%dma_start3A_32, %dma_start3A_36] : memref<128x200xi32, #tpu.memory_space<vmem>> -> memref<1x96xi32, #tpu.memory_space<vmem>>
    %dma_start3A_38 = tpu.memref_squeeze %dma_start3A_37 : memref<1x96xi32, #tpu.memory_space<vmem>> -> memref<96xi32, #tpu.memory_space<vmem>>
    %dma_start3A_39 = arith.constant 0 : i32
    %dma_start3A_40 = arith.constant 0 : i32
    %dma_start3A_41 = tpu.memref_slice %arg3[%dma_start3A_39, %dma_start3A_40] : memref<100000x64xf32, #tpu.memory_space<hbm>> -> memref<100000x64xf32, #tpu.memory_space<hbm>>
    tpu.enqueue_indirect_dma source(%dma_start3A_41 : memref<100000x64xf32, #tpu.memory_space<hbm>>) target(%dma_start3A_35 : memref<96x64xf32, #tpu.memory_space<vmem>>) offsets(%dma_start3A_38 : memref<96xi32, #tpu.memory_space<vmem>>) semaphore(%arg19 : memref<!tpu.dma_semaphore, #tpu.memory_space<semaphore_mem>>)
    %scan3A = arith.constant 0 : i32
    %scan3A_42 = arith.constant 32 : i32
    %scan3A_43 = arith.addi %scan3A, %scan3A_42 : i32
    %scan3A_44 = arith.constant 1 : i32
    scf.for %scan3A_109 = %scan3A to %scan3A_43 step %scan3A_44  : i32 {
      %mul3A_110 = arith.constant 8 : i32
      %mul3A_111 = arith.muli %scan3A_109, %mul3A_110 : i32
      %jit3A = arith.constant 2 : i32
      %div3A = arith.divsi %mul3A_111, %jit3A : i32
      %sign3A = arith.constant 0 : i32
      %sign3A_112 = arith.cmpi sgt, %mul3A_111, %sign3A : i32
      %sign3A_113 = arith.extui %sign3A_112 : i1 to i32
      %sign3A_114 = arith.constant 0 : i32
      %sign3A_115 = arith.cmpi slt, %mul3A_111, %sign3A_114 : i32
      %sign3A_116 = arith.extui %sign3A_115 : i1 to i32
      %sign3A_117 = arith.subi %sign3A_113, %sign3A_116 : i32
      %sign3A_118 = arith.constant 0 : i32
      %sign3A_119 = arith.cmpi sgt, %jit3A, %sign3A_118 : i32
      %sign3A_120 = arith.extui %sign3A_119 : i1 to i32
      %sign3A_121 = arith.constant 0 : i32
      %sign3A_122 = arith.cmpi slt, %jit3A, %sign3A_121 : i32
      %sign3A_123 = arith.extui %sign3A_122 : i1 to i32
      %sign3A_124 = arith.subi %sign3A_120, %sign3A_123 : i32
      %ne3A = arith.cmpi ne, %sign3A_117, %sign3A_124 : i32
      %rem3A = arith.remsi %mul3A_111, %jit3A : i32
      %ne3A_125 = arith.constant 0 : i32
      %ne3A_126 = arith.cmpi ne, %rem3A, %ne3A_125 : i32
      %and3A = arith.andi %ne3A, %ne3A_126 : i1
      %sub3A = arith.constant 1 : i32
      %sub3A_127 = arith.subi %div3A, %sub3A : i32
      %select_n3A = arith.select %and3A, %sub3A_127, %div3A : i32
      %add3A_128 = arith.constant 0 : i32
      %add3A_129 = arith.addi %select_n3A, %add3A_128 : i32
      %add3A_130 = arith.constant 0 : i32
      %add3A_131 = arith.addi %mul3A_111, %add3A_130 : i32
      %sub3A_132 = arith.constant 4 : i32
      %sub3A_133 = arith.subi %add3A_131, %sub3A_132 : i32
      %add3A_134 = arith.constant 0 : i32
      %add3A_135 = arith.addi %mul3A_111, %add3A_134 : i32
      %add3A_136 = arith.constant 4 : i32
      %add3A_137 = arith.addi %add3A_135, %add3A_136 : i32
      %jit3A_138 = arith.constant 2 : i32
      %div3A_139 = arith.divsi %sub3A_133, %jit3A_138 : i32
      %sign3A_140 = arith.constant 0 : i32
      %sign3A_141 = arith.cmpi sgt, %sub3A_133, %sign3A_140 : i32
      %sign3A_142 = arith.extui %sign3A_141 : i1 to i32
      %sign3A_143 = arith.constant 0 : i32
      %sign3A_144 = arith.cmpi slt, %sub3A_133, %sign3A_143 : i32
      %sign3A_145 = arith.extui %sign3A_144 : i1 to i32
      %sign3A_146 = arith.subi %sign3A_142, %sign3A_145 : i32
      %sign3A_147 = arith.constant 0 : i32
      %sign3A_148 = arith.cmpi sgt, %jit3A_138, %sign3A_147 : i32
      %sign3A_149 = arith.extui %sign3A_148 : i1 to i32
      %sign3A_150 = arith.constant 0 : i32
      %sign3A_151 = arith.cmpi slt, %jit3A_138, %sign3A_150 : i32
      %sign3A_152 = arith.extui %sign3A_151 : i1 to i32
      %sign3A_153 = arith.subi %sign3A_149, %sign3A_152 : i32
      %ne3A_154 = arith.cmpi ne, %sign3A_146, %sign3A_153 : i32
      %rem3A_155 = arith.remsi %sub3A_133, %jit3A_138 : i32
      %ne3A_156 = arith.constant 0 : i32
      %ne3A_157 = arith.cmpi ne, %rem3A_155, %ne3A_156 : i32
      %and3A_158 = arith.andi %ne3A_154, %ne3A_157 : i1
      %sub3A_159 = arith.constant 1 : i32
      %sub3A_160 = arith.subi %div3A_139, %sub3A_159 : i32
      %select_n3A_161 = arith.select %and3A_158, %sub3A_160, %div3A_139 : i32
      %jit3A_162 = arith.constant 2 : i32
      %div3A_163 = arith.divsi %add3A_137, %jit3A_162 : i32
      %sign3A_164 = arith.constant 0 : i32
      %sign3A_165 = arith.cmpi sgt, %add3A_137, %sign3A_164 : i32
      %sign3A_166 = arith.extui %sign3A_165 : i1 to i32
      %sign3A_167 = arith.constant 0 : i32
      %sign3A_168 = arith.cmpi slt, %add3A_137, %sign3A_167 : i32
      %sign3A_169 = arith.extui %sign3A_168 : i1 to i32
      %sign3A_170 = arith.subi %sign3A_166, %sign3A_169 : i32
      %sign3A_171 = arith.constant 0 : i32
      %sign3A_172 = arith.cmpi sgt, %jit3A_162, %sign3A_171 : i32
      %sign3A_173 = arith.extui %sign3A_172 : i1 to i32
      %sign3A_174 = arith.constant 0 : i32
      %sign3A_175 = arith.cmpi slt, %jit3A_162, %sign3A_174 : i32
      %sign3A_176 = arith.extui %sign3A_175 : i1 to i32
      %sign3A_177 = arith.subi %sign3A_173, %sign3A_176 : i32
      %ne3A_178 = arith.cmpi ne, %sign3A_170, %sign3A_177 : i32
      %rem3A_179 = arith.remsi %add3A_137, %jit3A_162 : i32
      %ne3A_180 = arith.constant 0 : i32
      %ne3A_181 = arith.cmpi ne, %rem3A_179, %ne3A_180 : i32
      %and3A_182 = arith.andi %ne3A_178, %ne3A_181 : i1
      %sub3A_183 = arith.constant 1 : i32
      %sub3A_184 = arith.subi %div3A_163, %sub3A_183 : i32
      %select_n3A_185 = arith.select %and3A_182, %sub3A_184, %div3A_163 : i32
      %ge3A = arith.constant 0 : i32
      %ge3A_186 = arith.cmpi sge, %sub3A_133, %ge3A : i32
      %convert_element_type3A = arith.extui %ge3A_186 : i1 to i32
      %cond3A = arith.constant 0 : i32
      %cond3A_187 = arith.cmpi ne, %convert_element_type3A, %cond3A : i32
      scf.if %cond3A_187 {
        %add3A_1051 = arith.addi %mul3A_2, %select_n3A_161 : i32
        %dma_wait3A_1052 = arith.constant 0 : i32
        %dma_wait3A_1053 = arith.constant 0 : i32
        %dma_wait3A_1054 = tpu.memref_slice %arg12[%dma_wait3A_1052, %dma_wait3A_1053] : memref<104x64xf32, #tpu.memory_space<vmem>> -> memref<104x64xf32, #tpu.memory_space<vmem>>
        %dma_wait3A_1055 = arith.constant 0 : i32
        %dma_wait3A_1056 = arith.constant 0 : i32
        %dma_wait3A_1057 = tpu.memref_slice %arg5[%add3A_1051, %dma_wait3A_1055, %dma_wait3A_1056] : memref<4096x200x128xf32, #tpu.memory_space<hbm>> -> memref<1x104x64xf32, #tpu.memory_space<hbm>>
        %dma_wait3A_1058 = tpu.memref_squeeze %dma_wait3A_1057 : memref<1x104x64xf32, #tpu.memory_space<hbm>> -> memref<104x64xf32, #tpu.memory_space<hbm>>
        %dma_wait3A_1059 = arith.constant 0 : i32
        %dma_wait3A_1060 = arith.constant 0 : i32
        %dma_wait3A_1061 = tpu.memref_slice %arg5[%add3A_1051, %dma_wait3A_1059, %dma_wait3A_1060] : memref<4096x200x128xf32, #tpu.memory_space<hbm>> -> memref<1x104x64xf32, #tpu.memory_space<hbm>>
        %dma_wait3A_1062 = tpu.memref_squeeze %dma_wait3A_1061 : memref<1x104x64xf32, #tpu.memory_space<hbm>> -> memref<104x64xf32, #tpu.memory_space<hbm>>
        %dma_wait3A_1063 = arith.constant 0 : i32
        %dma_wait3A_1064 = arith.constant 0 : i32
        %dma_wait3A_1065 = tpu.memref_slice %arg12[%dma_wait3A_1063, %dma_wait3A_1064] : memref<104x64xf32, #tpu.memory_space<vmem>> -> memref<104x64xf32, #tpu.memory_space<vmem>>
        tpu.wait_dma2 semaphore(%arg28 : memref<!tpu.dma_semaphore, #tpu.memory_space<semaphore_mem>>) src(%dma_wait3A_1065 : memref<104x64xf32, #tpu.memory_space<vmem>>) dst(%dma_wait3A_1062 : memref<104x64xf32, #tpu.memory_space<hbm>>)
      } else {
      }
      %lt3A = arith.constant 256 : i32
      %lt3A_188 = arith.cmpi slt, %add3A_137, %lt3A : i32
      %convert_element_type3A_189 = arith.extui %lt3A_188 : i1 to i32
      %cond3A_190 = arith.constant 0 : i32
      %cond3A_191 = arith.cmpi ne, %convert_element_type3A_189, %cond3A_190 : i32
      scf.if %cond3A_191 {
        %dma_start3A_1051 = arith.constant 0 : i32
        %dma_start3A_1052 = arith.constant 0 : i32
        %dma_start3A_1053 = tpu.memref_slice %arg12[%dma_start3A_1051, %dma_start3A_1052] : memref<104x64xf32, #tpu.memory_space<vmem>> -> memref<104x64xf32, #tpu.memory_space<vmem>>
        %dma_start3A_1054 = arith.constant 0 : i32
        %dma_start3A_1055 = tpu.memref_slice %arg6[%select_n3A_185, %dma_start3A_1054] : memref<128x200xi32, #tpu.memory_space<vmem>> -> memref<1x104xi32, #tpu.memory_space<vmem>>
        %dma_start3A_1056 = tpu.memref_squeeze %dma_start3A_1055 : memref<1x104xi32, #tpu.memory_space<vmem>> -> memref<104xi32, #tpu.memory_space<vmem>>
        %dma_start3A_1057 = arith.constant 0 : i32
        %dma_start3A_1058 = arith.constant 0 : i32
        %dma_start3A_1059 = tpu.memref_slice %arg3[%dma_start3A_1057, %dma_start3A_1058] : memref<100000x64xf32, #tpu.memory_space<hbm>> -> memref<100000x64xf32, #tpu.memory_space<hbm>>
        tpu.enqueue_indirect_dma source(%dma_start3A_1059 : memref<100000x64xf32, #tpu.memory_space<hbm>>) target(%dma_start3A_1053 : memref<104x64xf32, #tpu.memory_space<vmem>>) offsets(%dma_start3A_1056 : memref<104xi32, #tpu.memory_space<vmem>>) semaphore(%arg20 : memref<!tpu.dma_semaphore, #tpu.memory_space<semaphore_mem>>)
      } else {
      }
      %dma_wait3A_192 = arith.constant 0 : i32
      %dma_wait3A_193 = arith.constant 0 : i32
      %dma_wait3A_194 = tpu.memref_slice %arg8[%dma_wait3A_192, %dma_wait3A_193] : memref<104x64xf32, #tpu.memory_space<vmem>> -> memref<104x64xf32, #tpu.memory_space<vmem>>
      %dma_wait3A_195 = arith.constant 0 : i32
      %dma_wait3A_196 = tpu.memref_slice %arg6[%add3A_129, %dma_wait3A_195] : memref<128x200xi32, #tpu.memory_space<vmem>> -> memref<1x104xi32, #tpu.memory_space<vmem>>
      %dma_wait3A_197 = tpu.memref_squeeze %dma_wait3A_196 : memref<1x104xi32, #tpu.memory_space<vmem>> -> memref<104xi32, #tpu.memory_space<vmem>>
      %dma_wait3A_198 = arith.constant 0 : i32
      %dma_wait3A_199 = arith.constant 0 : i32
      %dma_wait3A_200 = tpu.memref_slice %arg3[%dma_wait3A_198, %dma_wait3A_199] : memref<100000x64xf32, #tpu.memory_space<hbm>> -> memref<100000x64xf32, #tpu.memory_space<hbm>>
      tpu.wait_indirect_dma semaphore(%arg16 : memref<!tpu.dma_semaphore, #tpu.memory_space<semaphore_mem>>) src(%dma_wait3A_200 : memref<100000x64xf32, #tpu.memory_space<hbm>>) dst(%dma_wait3A_194 : memref<104x64xf32, #tpu.memory_space<vmem>>)
      %parallel_loop3A = arith.constant 0 : i32
      %parallel_loop3A_201 = arith.constant 104 : i32
      %parallel_loop3A_202 = arith.constant 1 : i32
      scf.for %parallel_loop3A_1051 = %parallel_loop3A to %parallel_loop3A_201 step %parallel_loop3A_202  : i32 {
        %parallel_loop3A_1052 = arith.constant 0 : i32
        %parallel_loop3A_1053 = arith.addi %parallel_loop3A_1052, %parallel_loop3A_1051 : i32
        %parallel_loop3A_1054 = arith.index_cast %parallel_loop3A_1053 : i32 to index
        %parallel_loop3A_1055 = arith.constant 0 : index
        %parallel_loop3A_1056 = tpu.vector_load %arg7[%parallel_loop3A_1054, %parallel_loop3A_1055] {strides = array<i32>} : memref<200x64xf32, #tpu.memory_space<vmem>>, vector<1x16xf32>,
        %parallel_loop3A_1057 = vector.shape_cast %parallel_loop3A_1056 : vector<1x16xf32> to vector<16xf32>
        %parallel_loop3A_1058 = arith.index_cast %parallel_loop3A_1051 : i32 to index
        %parallel_loop3A_1059 = arith.constant 0 : index
        %parallel_loop3A_1060 = tpu.vector_load %arg8[%parallel_loop3A_1058, %parallel_loop3A_1059] {strides = array<i32>} : memref<104x64xf32, #tpu.memory_space<vmem>>, vector<1x16xf32>,
        %parallel_loop3A_1061 = vector.shape_cast %parallel_loop3A_1060 : vector<1x16xf32> to vector<16xf32>
        %parallel_loop3A_1062 = vector.shape_cast %parallel_loop3A_1057 : vector<16xf32> to vector<1x16xf32>
        tpu.vector_store %arg8[%parallel_loop3A_1058, %parallel_loop3A_1059], %parallel_loop3A_1062 {add = true, strides = array<i32>} : memref<104x64xf32, #tpu.memory_space<vmem>>, vector<1x16xf32>,
        %parallel_loop3A_1063 = arith.constant 0 : i32
        %parallel_loop3A_1064 = arith.addi %parallel_loop3A_1063, %parallel_loop3A_1051 : i32
        %parallel_loop3A_1065 = arith.index_cast %parallel_loop3A_1064 : i32 to index
        %parallel_loop3A_1066 = arith.constant 16 : index
        %parallel_loop3A_1067 = tpu.vector_load %arg7[%parallel_loop3A_1065, %parallel_loop3A_1066] {strides = array<i32>} : memref<200x64xf32, #tpu.memory_space<vmem>>, vector<1x16xf32>,
        %parallel_loop3A_1068 = vector.shape_cast %parallel_loop3A_1067 : vector<1x16xf32> to vector<16xf32>
        %parallel_loop3A_1069 = arith.index_cast %parallel_loop3A_1051 : i32 to index
        %parallel_loop3A_1070 = arith.constant 16 : index
        %parallel_loop3A_1071 = tpu.vector_load %arg8[%parallel_loop3A_1069, %parallel_loop3A_1070] {strides = array<i32>} : memref<104x64xf32, #tpu.memory_space<vmem>>, vector<1x16xf32>,
        %parallel_loop3A_1072 = vector.shape_cast %parallel_loop3A_1071 : vector<1x16xf32> to vector<16xf32>
        %parallel_loop3A_1073 = vector.shape_cast %parallel_loop3A_1068 : vector<16xf32> to vector<1x16xf32>
        tpu.vector_store %arg8[%parallel_loop3A_1069, %parallel_loop3A_1070], %parallel_loop3A_1073 {add = true, strides = array<i32>} : memref<104x64xf32, #tpu.memory_space<vmem>>, vector<1x16xf32>,
        %parallel_loop3A_1074 = arith.constant 0 : i32
        %parallel_loop3A_1075 = arith.addi %parallel_loop3A_1074, %parallel_loop3A_1051 : i32
        %parallel_loop3A_1076 = arith.index_cast %parallel_loop3A_1075 : i32 to index
        %parallel_loop3A_1077 = arith.constant 32 : index
        %parallel_loop3A_1078 = tpu.vector_load %arg7[%parallel_loop3A_1076, %parallel_loop3A_1077] {strides = array<i32>} : memref<200x64xf32, #tpu.memory_space<vmem>>, vector<1x16xf32>,
        %parallel_loop3A_1079 = vector.shape_cast %parallel_loop3A_1078 : vector<1x16xf32> to vector<16xf32>
        %parallel_loop3A_1080 = arith.index_cast %parallel_loop3A_1051 : i32 to index
        %parallel_loop3A_1081 = arith.constant 32 : index
        %parallel_loop3A_1082 = tpu.vector_load %arg8[%parallel_loop3A_1080, %parallel_loop3A_1081] {strides = array<i32>} : memref<104x64xf32, #tpu.memory_space<vmem>>, vector<1x16xf32>,
        %parallel_loop3A_1083 = vector.shape_cast %parallel_loop3A_1082 : vector<1x16xf32> to vector<16xf32>
        %parallel_loop3A_1084 = vector.shape_cast %parallel_loop3A_1079 : vector<16xf32> to vector<1x16xf32>
        tpu.vector_store %arg8[%parallel_loop3A_1080, %parallel_loop3A_1081], %parallel_loop3A_1084 {add = true, strides = array<i32>} : memref<104x64xf32, #tpu.memory_space<vmem>>, vector<1x16xf32>,
        %parallel_loop3A_1085 = arith.constant 0 : i32
        %parallel_loop3A_1086 = arith.addi %parallel_loop3A_1085, %parallel_loop3A_1051 : i32
        %parallel_loop3A_1087 = arith.index_cast %parallel_loop3A_1086 : i32 to index
        %parallel_loop3A_1088 = arith.constant 48 : index
        %parallel_loop3A_1089 = tpu.vector_load %arg7[%parallel_loop3A_1087, %parallel_loop3A_1088] {strides = array<i32>} : memref<200x64xf32, #tpu.memory_space<vmem>>, vector<1x16xf32>,
        %parallel_loop3A_1090 = vector.shape_cast %parallel_loop3A_1089 : vector<1x16xf32> to vector<16xf32>
        %parallel_loop3A_1091 = arith.index_cast %parallel_loop3A_1051 : i32 to index
        %parallel_loop3A_1092 = arith.constant 48 : index
        %parallel_loop3A_1093 = tpu.vector_load %arg8[%parallel_loop3A_1091, %parallel_loop3A_1092] {strides = array<i32>} : memref<104x64xf32, #tpu.memory_space<vmem>>, vector<1x16xf32>,
        %parallel_loop3A_1094 = vector.shape_cast %parallel_loop3A_1093 : vector<1x16xf32> to vector<16xf32>
        %parallel_loop3A_1095 = vector.shape_cast %parallel_loop3A_1090 : vector<16xf32> to vector<1x16xf32>
        tpu.vector_store %arg8[%parallel_loop3A_1091, %parallel_loop3A_1092], %parallel_loop3A_1095 {add = true, strides = array<i32>} : memref<104x64xf32, #tpu.memory_space<vmem>>, vector<1x16xf32>,
      } {sc.loop_unroll_factor = 4 : i64, sc.parallel_access}
      %add3A_203 = arith.addi %mul3A_2, %add3A_129 : i32
      %dma_start3A_204 = arith.constant 0 : i32
      %dma_start3A_205 = arith.constant 0 : i32
      %dma_start3A_206 = tpu.memref_slice %arg8[%dma_start3A_204, %dma_start3A_205] : memref<104x64xf32, #tpu.memory_space<vmem>> -> memref<104x64xf32, #tpu.memory_space<vmem>>
      %dma_start3A_207 = arith.constant 0 : i32
      %dma_start3A_208 = arith.constant 0 : i32
      %dma_start3A_209 = tpu.memref_slice %arg5[%add3A_203, %dma_start3A_207, %dma_start3A_208] : memref<4096x200x128xf32, #tpu.memory_space<hbm>> -> memref<1x104x64xf32, #tpu.memory_space<hbm>>
      %dma_start3A_210 = tpu.memref_squeeze %dma_start3A_209 : memref<1x104x64xf32, #tpu.memory_space<hbm>> -> memref<104x64xf32, #tpu.memory_space<hbm>>
      %dma_start3A_211 = arith.constant 0 : i32
      %dma_start3A_212 = arith.constant 0 : i32
      %dma_start3A_213 = tpu.memref_slice %arg5[%add3A_203, %dma_start3A_211, %dma_start3A_212] : memref<4096x200x128xf32, #tpu.memory_space<hbm>> -> memref<1x104x64xf32, #tpu.memory_space<hbm>>
      %dma_start3A_214 = tpu.memref_squeeze %dma_start3A_213 : memref<1x104x64xf32, #tpu.memory_space<hbm>> -> memref<104x64xf32, #tpu.memory_space<hbm>>
      %dma_start3A_215 = arith.constant 0 : i32
      %dma_start3A_216 = arith.constant 0 : i32
      %dma_start3A_217 = tpu.memref_slice %arg8[%dma_start3A_215, %dma_start3A_216] : memref<104x64xf32, #tpu.memory_space<vmem>> -> memref<104x64xf32, #tpu.memory_space<vmem>>
      tpu.enqueue_dma source(%dma_start3A_217 : memref<104x64xf32, #tpu.memory_space<vmem>>) target(%dma_start3A_214 : memref<104x64xf32, #tpu.memory_space<hbm>>) target_semaphore(%arg24 : memref<!tpu.dma_semaphore, #tpu.memory_space<semaphore_mem>>)
      %jit3A_218 = arith.constant 2 : i32
      %div3A_219 = arith.divsi %mul3A_111, %jit3A_218 : i32
      %sign3A_220 = arith.constant 0 : i32
      %sign3A_221 = arith.cmpi sgt, %mul3A_111, %sign3A_220 : i32
      %sign3A_222 = arith.extui %sign3A_221 : i1 to i32
      %sign3A_223 = arith.constant 0 : i32
      %sign3A_224 = arith.cmpi slt, %mul3A_111, %sign3A_223 : i32
      %sign3A_225 = arith.extui %sign3A_224 : i1 to i32
      %sign3A_226 = arith.subi %sign3A_222, %sign3A_225 : i32
      %sign3A_227 = arith.constant 0 : i32
      %sign3A_228 = arith.cmpi sgt, %jit3A_218, %sign3A_227 : i32
      %sign3A_229 = arith.extui %sign3A_228 : i1 to i32
      %sign3A_230 = arith.constant 0 : i32
      %sign3A_231 = arith.cmpi slt, %jit3A_218, %sign3A_230 : i32
      %sign3A_232 = arith.extui %sign3A_231 : i1 to i32
      %sign3A_233 = arith.subi %sign3A_229, %sign3A_232 : i32
      %ne3A_234 = arith.cmpi ne, %sign3A_226, %sign3A_233 : i32
      %rem3A_235 = arith.remsi %mul3A_111, %jit3A_218 : i32
      %ne3A_236 = arith.constant 0 : i32
      %ne3A_237 = arith.cmpi ne, %rem3A_235, %ne3A_236 : i32
      %and3A_238 = arith.andi %ne3A_234, %ne3A_237 : i1
      %sub3A_239 = arith.constant 1 : i32
      %sub3A_240 = arith.subi %div3A_219, %sub3A_239 : i32
      %select_n3A_241 = arith.select %and3A_238, %sub3A_240, %div3A_219 : i32
      %add3A_242 = arith.constant 0 : i32
      %add3A_243 = arith.addi %select_n3A_241, %add3A_242 : i32
      %add3A_244 = arith.constant 1 : i32
      %add3A_245 = arith.addi %mul3A_111, %add3A_244 : i32
      %sub3A_246 = arith.constant 4 : i32
      %sub3A_247 = arith.subi %add3A_245, %sub3A_246 : i32
      %add3A_248 = arith.constant 1 : i32
      %add3A_249 = arith.addi %mul3A_111, %add3A_248 : i32
      %add3A_250 = arith.constant 4 : i32
      %add3A_251 = arith.addi %add3A_249, %add3A_250 : i32
      %jit3A_252 = arith.constant 2 : i32
      %div3A_253 = arith.divsi %sub3A_247, %jit3A_252 : i32
      %sign3A_254 = arith.constant 0 : i32
      %sign3A_255 = arith.cmpi sgt, %sub3A_247, %sign3A_254 : i32
      %sign3A_256 = arith.extui %sign3A_255 : i1 to i32
      %sign3A_257 = arith.constant 0 : i32
      %sign3A_258 = arith.cmpi slt, %sub3A_247, %sign3A_257 : i32
      %sign3A_259 = arith.extui %sign3A_258 : i1 to i32
      %sign3A_260 = arith.subi %sign3A_256, %sign3A_259 : i32
      %sign3A_261 = arith.constant 0 : i32
      %sign3A_262 = arith.cmpi sgt, %jit3A_252, %sign3A_261 : i32
      %sign3A_263 = arith.extui %sign3A_262 : i1 to i32
      %sign3A_264 = arith.constant 0 : i32
      %sign3A_265 = arith.cmpi slt, %jit3A_252, %sign3A_264 : i32
      %sign3A_266 = arith.extui %sign3A_265 : i1 to i32
      %sign3A_267 = arith.subi %sign3A_263, %sign3A_266 : i32
      %ne3A_268 = arith.cmpi ne, %sign3A_260, %sign3A_267 : i32
      %rem3A_269 = arith.remsi %sub3A_247, %jit3A_252 : i32
      %ne3A_270 = arith.constant 0 : i32
      %ne3A_271 = arith.cmpi ne, %rem3A_269, %ne3A_270 : i32
      %and3A_272 = arith.andi %ne3A_268, %ne3A_271 : i1
      %sub3A_273 = arith.constant 1 : i32
      %sub3A_274 = arith.subi %div3A_253, %sub3A_273 : i32
      %select_n3A_275 = arith.select %and3A_272, %sub3A_274, %div3A_253 : i32
      %jit3A_276 = arith.constant 2 : i32
      %div3A_277 = arith.divsi %add3A_251, %jit3A_276 : i32
      %sign3A_278 = arith.constant 0 : i32
      %sign3A_279 = arith.cmpi sgt, %add3A_251, %sign3A_278 : i32
      %sign3A_280 = arith.extui %sign3A_279 : i1 to i32
      %sign3A_281 = arith.constant 0 : i32
      %sign3A_282 = arith.cmpi slt, %add3A_251, %sign3A_281 : i32
      %sign3A_283 = arith.extui %sign3A_282 : i1 to i32
      %sign3A_284 = arith.subi %sign3A_280, %sign3A_283 : i32
      %sign3A_285 = arith.constant 0 : i32
      %sign3A_286 = arith.cmpi sgt, %jit3A_276, %sign3A_285 : i32
      %sign3A_287 = arith.extui %sign3A_286 : i1 to i32
      %sign3A_288 = arith.constant 0 : i32
      %sign3A_289 = arith.cmpi slt, %jit3A_276, %sign3A_288 : i32
      %sign3A_290 = arith.extui %sign3A_289 : i1 to i32
      %sign3A_291 = arith.subi %sign3A_287, %sign3A_290 : i32
      %ne3A_292 = arith.cmpi ne, %sign3A_284, %sign3A_291 : i32
      %rem3A_293 = arith.remsi %add3A_251, %jit3A_276 : i32
      %ne3A_294 = arith.constant 0 : i32
      %ne3A_295 = arith.cmpi ne, %rem3A_293, %ne3A_294 : i32
      %and3A_296 = arith.andi %ne3A_292, %ne3A_295 : i1
      %sub3A_297 = arith.constant 1 : i32
      %sub3A_298 = arith.subi %div3A_277, %sub3A_297 : i32
      %select_n3A_299 = arith.select %and3A_296, %sub3A_298, %div3A_277 : i32
      %ge3A_300 = arith.constant 0 : i32
      %ge3A_301 = arith.cmpi sge, %sub3A_247, %ge3A_300 : i32
      %convert_element_type3A_302 = arith.extui %ge3A_301 : i1 to i32
      %cond3A_303 = arith.constant 0 : i32
      %cond3A_304 = arith.cmpi ne, %convert_element_type3A_302, %cond3A_303 : i32
      scf.if %cond3A_304 {
        %add3A_1051 = arith.addi %mul3A_2, %select_n3A_275 : i32
        %dma_wait3A_1052 = arith.constant 0 : i32
        %dma_wait3A_1053 = arith.constant 0 : i32
        %dma_wait3A_1054 = tpu.memref_slice %arg13[%dma_wait3A_1052, %dma_wait3A_1053] : memref<104x64xf32, #tpu.memory_space<vmem>> -> memref<96x64xf32, #tpu.memory_space<vmem>>
        %dma_wait3A_1055 = arith.constant 104 : i32
        %dma_wait3A_1056 = arith.constant 0 : i32
        %dma_wait3A_1057 = tpu.memref_slice %arg5[%add3A_1051, %dma_wait3A_1055, %dma_wait3A_1056] : memref<4096x200x128xf32, #tpu.memory_space<hbm>> -> memref<1x96x64xf32, #tpu.memory_space<hbm>>
        %dma_wait3A_1058 = tpu.memref_squeeze %dma_wait3A_1057 : memref<1x96x64xf32, #tpu.memory_space<hbm>> -> memref<96x64xf32, #tpu.memory_space<hbm>>
        %dma_wait3A_1059 = arith.constant 104 : i32
        %dma_wait3A_1060 = arith.constant 0 : i32
        %dma_wait3A_1061 = tpu.memref_slice %arg5[%add3A_1051, %dma_wait3A_1059, %dma_wait3A_1060] : memref<4096x200x128xf32, #tpu.memory_space<hbm>> -> memref<1x96x64xf32, #tpu.memory_space<hbm>>
        %dma_wait3A_1062 = tpu.memref_squeeze %dma_wait3A_1061 : memref<1x96x64xf32, #tpu.memory_space<hbm>> -> memref<96x64xf32, #tpu.memory_space<hbm>>
        %dma_wait3A_1063 = arith.constant 0 : i32
        %dma_wait3A_1064 = arith.constant 0 : i32
        %dma_wait3A_1065 = tpu.memref_slice %arg13[%dma_wait3A_1063, %dma_wait3A_1064] : memref<104x64xf32, #tpu.memory_space<vmem>> -> memref<96x64xf32, #tpu.memory_space<vmem>>
        tpu.wait_dma2 semaphore(%arg29 : memref<!tpu.dma_semaphore, #tpu.memory_space<semaphore_mem>>) src(%dma_wait3A_1065 : memref<96x64xf32, #tpu.memory_space<vmem>>) dst(%dma_wait3A_1062 : memref<96x64xf32, #tpu.memory_space<hbm>>)
      } else {
      }
      %lt3A_305 = arith.constant 256 : i32
      %lt3A_306 = arith.cmpi slt, %add3A_251, %lt3A_305 : i32
      %convert_element_type3A_307 = arith.extui %lt3A_306 : i1 to i32
      %cond3A_308 = arith.constant 0 : i32
      %cond3A_309 = arith.cmpi ne, %convert_element_type3A_307, %cond3A_308 : i32
      scf.if %cond3A_309 {
        %dma_start3A_1051 = arith.constant 0 : i32
        %dma_start3A_1052 = arith.constant 0 : i32
        %dma_start3A_1053 = tpu.memref_slice %arg13[%dma_start3A_1051, %dma_start3A_1052] : memref<104x64xf32, #tpu.memory_space<vmem>> -> memref<96x64xf32, #tpu.memory_space<vmem>>
        %dma_start3A_1054 = arith.constant 104 : i32
        %dma_start3A_1055 = tpu.memref_slice %arg6[%select_n3A_299, %dma_start3A_1054] : memref<128x200xi32, #tpu.memory_space<vmem>> -> memref<1x96xi32, #tpu.memory_space<vmem>>
        %dma_start3A_1056 = tpu.memref_squeeze %dma_start3A_1055 : memref<1x96xi32, #tpu.memory_space<vmem>> -> memref<96xi32, #tpu.memory_space<vmem>>
        %dma_start3A_1057 = arith.constant 0 : i32
        %dma_start3A_1058 = arith.constant 0 : i32
        %dma_start3A_1059 = tpu.memref_slice %arg3[%dma_start3A_1057, %dma_start3A_1058] : memref<100000x64xf32, #tpu.memory_space<hbm>> -> memref<100000x64xf32, #tpu.memory_space<hbm>>
        tpu.enqueue_indirect_dma source(%dma_start3A_1059 : memref<100000x64xf32, #tpu.memory_space<hbm>>) target(%dma_start3A_1053 : memref<96x64xf32, #tpu.memory_space<vmem>>) offsets(%dma_start3A_1056 : memref<96xi32, #tpu.memory_space<vmem>>) semaphore(%arg21 : memref<!tpu.dma_semaphore, #tpu.memory_space<semaphore_mem>>)
      } else {
      }
      %dma_wait3A_310 = arith.constant 0 : i32
      %dma_wait3A_311 = arith.constant 0 : i32
      %dma_wait3A_312 = tpu.memref_slice %arg9[%dma_wait3A_310, %dma_wait3A_311] : memref<104x64xf32, #tpu.memory_space<vmem>> -> memref<96x64xf32, #tpu.memory_space<vmem>>
      %dma_wait3A_313 = arith.constant 104 : i32
      %dma_wait3A_314 = tpu.memref_slice %arg6[%add3A_243, %dma_wait3A_313] : memref<128x200xi32, #tpu.memory_space<vmem>> -> memref<1x96xi32, #tpu.memory_space<vmem>>
      %dma_wait3A_315 = tpu.memref_squeeze %dma_wait3A_314 : memref<1x96xi32, #tpu.memory_space<vmem>> -> memref<96xi32, #tpu.memory_space<vmem>>
      %dma_wait3A_316 = arith.constant 0 : i32
      %dma_wait3A_317 = arith.constant 0 : i32
      %dma_wait3A_318 = tpu.memref_slice %arg3[%dma_wait3A_316, %dma_wait3A_317] : memref<100000x64xf32, #tpu.memory_space<hbm>> -> memref<100000x64xf32, #tpu.memory_space<hbm>>
      tpu.wait_indirect_dma semaphore(%arg17 : memref<!tpu.dma_semaphore, #tpu.memory_space<semaphore_mem>>) src(%dma_wait3A_318 : memref<100000x64xf32, #tpu.memory_space<hbm>>) dst(%dma_wait3A_312 : memref<96x64xf32, #tpu.memory_space<vmem>>)
      %parallel_loop3A_319 = arith.constant 0 : i32
      %parallel_loop3A_320 = arith.constant 96 : i32
      %parallel_loop3A_321 = arith.constant 1 : i32
      scf.for %parallel_loop3A_1051 = %parallel_loop3A_319 to %parallel_loop3A_320 step %parallel_loop3A_321  : i32 {
        %parallel_loop3A_1052 = arith.constant 104 : i32
        %parallel_loop3A_1053 = arith.addi %parallel_loop3A_1052, %parallel_loop3A_1051 : i32
        %parallel_loop3A_1054 = arith.index_cast %parallel_loop3A_1053 : i32 to index
        %parallel_loop3A_1055 = arith.constant 0 : index
        %parallel_loop3A_1056 = tpu.vector_load %arg7[%parallel_loop3A_1054, %parallel_loop3A_1055] {strides = array<i32>} : memref<200x64xf32, #tpu.memory_space<vmem>>, vector<1x16xf32>,
        %parallel_loop3A_1057 = vector.shape_cast %parallel_loop3A_1056 : vector<1x16xf32> to vector<16xf32>
        %parallel_loop3A_1058 = arith.index_cast %parallel_loop3A_1051 : i32 to index
        %parallel_loop3A_1059 = arith.constant 0 : index
        %parallel_loop3A_1060 = tpu.vector_load %arg9[%parallel_loop3A_1058, %parallel_loop3A_1059] {strides = array<i32>} : memref<104x64xf32, #tpu.memory_space<vmem>>, vector<1x16xf32>,
        %parallel_loop3A_1061 = vector.shape_cast %parallel_loop3A_1060 : vector<1x16xf32> to vector<16xf32>
        %parallel_loop3A_1062 = vector.shape_cast %parallel_loop3A_1057 : vector<16xf32> to vector<1x16xf32>
        tpu.vector_store %arg9[%parallel_loop3A_1058, %parallel_loop3A_1059], %parallel_loop3A_1062 {add = true, strides = array<i32>} : memref<104x64xf32, #tpu.memory_space<vmem>>, vector<1x16xf32>,
        %parallel_loop3A_1063 = arith.constant 104 : i32
        %parallel_loop3A_1064 = arith.addi %parallel_loop3A_1063, %parallel_loop3A_1051 : i32
        %parallel_loop3A_1065 = arith.index_cast %parallel_loop3A_1064 : i32 to index
        %parallel_loop3A_1066 = arith.constant 16 : index
        %parallel_loop3A_1067 = tpu.vector_load %arg7[%parallel_loop3A_1065, %parallel_loop3A_1066] {strides = array<i32>} : memref<200x64xf32, #tpu.memory_space<vmem>>, vector<1x16xf32>,
        %parallel_loop3A_1068 = vector.shape_cast %parallel_loop3A_1067 : vector<1x16xf32> to vector<16xf32>
        %parallel_loop3A_1069 = arith.index_cast %parallel_loop3A_1051 : i32 to index
        %parallel_loop3A_1070 = arith.constant 16 : index
        %parallel_loop3A_1071 = tpu.vector_load %arg9[%parallel_loop3A_1069, %parallel_loop3A_1070] {strides = array<i32>} : memref<104x64xf32, #tpu.memory_space<vmem>>, vector<1x16xf32>,
        %parallel_loop3A_1072 = vector.shape_cast %parallel_loop3A_1071 : vector<1x16xf32> to vector<16xf32>
        %parallel_loop3A_1073 = vector.shape_cast %parallel_loop3A_1068 : vector<16xf32> to vector<1x16xf32>
        tpu.vector_store %arg9[%parallel_loop3A_1069, %parallel_loop3A_1070], %parallel_loop3A_1073 {add = true, strides = array<i32>} : memref<104x64xf32, #tpu.memory_space<vmem>>, vector<1x16xf32>,
        %parallel_loop3A_1074 = arith.constant 104 : i32
        %parallel_loop3A_1075 = arith.addi %parallel_loop3A_1074, %parallel_loop3A_1051 : i32
        %parallel_loop3A_1076 = arith.index_cast %parallel_loop3A_1075 : i32 to index
        %parallel_loop3A_1077 = arith.constant 32 : index
        %parallel_loop3A_1078 = tpu.vector_load %arg7[%parallel_loop3A_1076, %parallel_loop3A_1077] {strides = array<i32>} : memref<200x64xf32, #tpu.memory_space<vmem>>, vector<1x16xf32>,
        %parallel_loop3A_1079 = vector.shape_cast %parallel_loop3A_1078 : vector<1x16xf32> to vector<16xf32>
        %parallel_loop3A_1080 = arith.index_cast %parallel_loop3A_1051 : i32 to index
        %parallel_loop3A_1081 = arith.constant 32 : index
        %parallel_loop3A_1082 = tpu.vector_load %arg9[%parallel_loop3A_1080, %parallel_loop3A_1081] {strides = array<i32>} : memref<104x64xf32, #tpu.memory_space<vmem>>, vector<1x16xf32>,
        %parallel_loop3A_1083 = vector.shape_cast %parallel_loop3A_1082 : vector<1x16xf32> to vector<16xf32>
        %parallel_loop3A_1084 = vector.shape_cast %parallel_loop3A_1079 : vector<16xf32> to vector<1x16xf32>
        tpu.vector_store %arg9[%parallel_loop3A_1080, %parallel_loop3A_1081], %parallel_loop3A_1084 {add = true, strides = array<i32>} : memref<104x64xf32, #tpu.memory_space<vmem>>, vector<1x16xf32>,
        %parallel_loop3A_1085 = arith.constant 104 : i32
        %parallel_loop3A_1086 = arith.addi %parallel_loop3A_1085, %parallel_loop3A_1051 : i32
        %parallel_loop3A_1087 = arith.index_cast %parallel_loop3A_1086 : i32 to index
        %parallel_loop3A_1088 = arith.constant 48 : index
        %parallel_loop3A_1089 = tpu.vector_load %arg7[%parallel_loop3A_1087, %parallel_loop3A_1088] {strides = array<i32>} : memref<200x64xf32, #tpu.memory_space<vmem>>, vector<1x16xf32>,
        %parallel_loop3A_1090 = vector.shape_cast %parallel_loop3A_1089 : vector<1x16xf32> to vector<16xf32>
        %parallel_loop3A_1091 = arith.index_cast %parallel_loop3A_1051 : i32 to index
        %parallel_loop3A_1092 = arith.constant 48 : index
        %parallel_loop3A_1093 = tpu.vector_load %arg9[%parallel_loop3A_1091, %parallel_loop3A_1092] {strides = array<i32>} : memref<104x64xf32, #tpu.memory_space<vmem>>, vector<1x16xf32>,
        %parallel_loop3A_1094 = vector.shape_cast %parallel_loop3A_1093 : vector<1x16xf32> to vector<16xf32>
        %parallel_loop3A_1095 = vector.shape_cast %parallel_loop3A_1090 : vector<16xf32> to vector<1x16xf32>
        tpu.vector_store %arg9[%parallel_loop3A_1091, %parallel_loop3A_1092], %parallel_loop3A_1095 {add = true, strides = array<i32>} : memref<104x64xf32, #tpu.memory_space<vmem>>, vector<1x16xf32>,
      } {sc.loop_unroll_factor = 4 : i64, sc.parallel_access}
      %add3A_322 = arith.addi %mul3A_2, %add3A_243 : i32
      %dma_start3A_323 = arith.constant 0 : i32
      %dma_start3A_324 = arith.constant 0 : i32
      %dma_start3A_325 = tpu.memref_slice %arg9[%dma_start3A_323, %dma_start3A_324] : memref<104x64xf32, #tpu.memory_space<vmem>> -> memref<96x64xf32, #tpu.memory_space<vmem>>
      %dma_start3A_326 = arith.constant 104 : i32
      %dma_start3A_327 = arith.constant 0 : i32
      %dma_start3A_328 = tpu.memref_slice %arg5[%add3A_322, %dma_start3A_326, %dma_start3A_327] : memref<4096x200x128xf32, #tpu.memory_space<hbm>> -> memref<1x96x64xf32, #tpu.memory_space<hbm>>
      %dma_start3A_329 = tpu.memref_squeeze %dma_start3A_328 : memref<1x96x64xf32, #tpu.memory_space<hbm>> -> memref<96x64xf32, #tpu.memory_space<hbm>>
      %dma_start3A_330 = arith.constant 104 : i32
      %dma_start3A_331 = arith.constant 0 : i32
      %dma_start3A_332 = tpu.memref_slice %arg5[%add3A_322, %dma_start3A_330, %dma_start3A_331] : memref<4096x200x128xf32, #tpu.memory_space<hbm>> -> memref<1x96x64xf32, #tpu.memory_space<hbm>>
      %dma_start3A_333 = tpu.memref_squeeze %dma_start3A_332 : memref<1x96x64xf32, #tpu.memory_space<hbm>> -> memref<96x64xf32, #tpu.memory_space<hbm>>
      %dma_start3A_334 = arith.constant 0 : i32
      %dma_start3A_335 = arith.constant 0 : i32
      %dma_start3A_336 = tpu.memref_slice %arg9[%dma_start3A_334, %dma_start3A_335] : memref<104x64xf32, #tpu.memory_space<vmem>> -> memref<96x64xf32, #tpu.memory_space<vmem>>
      tpu.enqueue_dma source(%dma_start3A_336 : memref<96x64xf32, #tpu.memory_space<vmem>>) target(%dma_start3A_333 : memref<96x64xf32, #tpu.memory_space<hbm>>) target_semaphore(%arg25 : memref<!tpu.dma_semaphore, #tpu.memory_space<semaphore_mem>>)
      %jit3A_337 = arith.constant 2 : i32
      %div3A_338 = arith.divsi %mul3A_111, %jit3A_337 : i32
      %sign3A_339 = arith.constant 0 : i32
      %sign3A_340 = arith.cmpi sgt, %mul3A_111, %sign3A_339 : i32
      %sign3A_341 = arith.extui %sign3A_340 : i1 to i32
      %sign3A_342 = arith.constant 0 : i32
      %sign3A_343 = arith.cmpi slt, %mul3A_111, %sign3A_342 : i32
      %sign3A_344 = arith.extui %sign3A_343 : i1 to i32
      %sign3A_345 = arith.subi %sign3A_341, %sign3A_344 : i32
      %sign3A_346 = arith.constant 0 : i32
      %sign3A_347 = arith.cmpi sgt, %jit3A_337, %sign3A_346 : i32
      %sign3A_348 = arith.extui %sign3A_347 : i1 to i32
      %sign3A_349 = arith.constant 0 : i32
      %sign3A_350 = arith.cmpi slt, %jit3A_337, %sign3A_349 : i32
      %sign3A_351 = arith.extui %sign3A_350 : i1 to i32
      %sign3A_352 = arith.subi %sign3A_348, %sign3A_351 : i32
      %ne3A_353 = arith.cmpi ne, %sign3A_345, %sign3A_352 : i32
      %rem3A_354 = arith.remsi %mul3A_111, %jit3A_337 : i32
      %ne3A_355 = arith.constant 0 : i32
      %ne3A_356 = arith.cmpi ne, %rem3A_354, %ne3A_355 : i32
      %and3A_357 = arith.andi %ne3A_353, %ne3A_356 : i1
      %sub3A_358 = arith.constant 1 : i32
      %sub3A_359 = arith.subi %div3A_338, %sub3A_358 : i32
      %select_n3A_360 = arith.select %and3A_357, %sub3A_359, %div3A_338 : i32
      %add3A_361 = arith.constant 1 : i32
      %add3A_362 = arith.addi %select_n3A_360, %add3A_361 : i32
      %add3A_363 = arith.constant 2 : i32
      %add3A_364 = arith.addi %mul3A_111, %add3A_363 : i32
      %sub3A_365 = arith.constant 4 : i32
      %sub3A_366 = arith.subi %add3A_364, %sub3A_365 : i32
      %add3A_367 = arith.constant 2 : i32
      %add3A_368 = arith.addi %mul3A_111, %add3A_367 : i32
      %add3A_369 = arith.constant 4 : i32
      %add3A_370 = arith.addi %add3A_368, %add3A_369 : i32
      %jit3A_371 = arith.constant 2 : i32
      %div3A_372 = arith.divsi %sub3A_366, %jit3A_371 : i32
      %sign3A_373 = arith.constant 0 : i32
      %sign3A_374 = arith.cmpi sgt, %sub3A_366, %sign3A_373 : i32
      %sign3A_375 = arith.extui %sign3A_374 : i1 to i32
      %sign3A_376 = arith.constant 0 : i32
      %sign3A_377 = arith.cmpi slt, %sub3A_366, %sign3A_376 : i32
      %sign3A_378 = arith.extui %sign3A_377 : i1 to i32
      %sign3A_379 = arith.subi %sign3A_375, %sign3A_378 : i32
      %sign3A_380 = arith.constant 0 : i32
      %sign3A_381 = arith.cmpi sgt, %jit3A_371, %sign3A_380 : i32
      %sign3A_382 = arith.extui %sign3A_381 : i1 to i32
      %sign3A_383 = arith.constant 0 : i32
      %sign3A_384 = arith.cmpi slt, %jit3A_371, %sign3A_383 : i32
      %sign3A_385 = arith.extui %sign3A_384 : i1 to i32
      %sign3A_386 = arith.subi %sign3A_382, %sign3A_385 : i32
      %ne3A_387 = arith.cmpi ne, %sign3A_379, %sign3A_386 : i32
      %rem3A_388 = arith.remsi %sub3A_366, %jit3A_371 : i32
      %ne3A_389 = arith.constant 0 : i32
      %ne3A_390 = arith.cmpi ne, %rem3A_388, %ne3A_389 : i32
      %and3A_391 = arith.andi %ne3A_387, %ne3A_390 : i1
      %sub3A_392 = arith.constant 1 : i32
      %sub3A_393 = arith.subi %div3A_372, %sub3A_392 : i32
      %select_n3A_394 = arith.select %and3A_391, %sub3A_393, %div3A_372 : i32
      %jit3A_395 = arith.constant 2 : i32
      %div3A_396 = arith.divsi %add3A_370, %jit3A_395 : i32
      %sign3A_397 = arith.constant 0 : i32
      %sign3A_398 = arith.cmpi sgt, %add3A_370, %sign3A_397 : i32
      %sign3A_399 = arith.extui %sign3A_398 : i1 to i32
      %sign3A_400 = arith.constant 0 : i32
      %sign3A_401 = arith.cmpi slt, %add3A_370, %sign3A_400 : i32
      %sign3A_402 = arith.extui %sign3A_401 : i1 to i32
      %sign3A_403 = arith.subi %sign3A_399, %sign3A_402 : i32
      %sign3A_404 = arith.constant 0 : i32
      %sign3A_405 = arith.cmpi sgt, %jit3A_395, %sign3A_404 : i32
      %sign3A_406 = arith.extui %sign3A_405 : i1 to i32
      %sign3A_407 = arith.constant 0 : i32
      %sign3A_408 = arith.cmpi slt, %jit3A_395, %sign3A_407 : i32
      %sign3A_409 = arith.extui %sign3A_408 : i1 to i32
      %sign3A_410 = arith.subi %sign3A_406, %sign3A_409 : i32
      %ne3A_411 = arith.cmpi ne, %sign3A_403, %sign3A_410 : i32
      %rem3A_412 = arith.remsi %add3A_370, %jit3A_395 : i32
      %ne3A_413 = arith.constant 0 : i32
      %ne3A_414 = arith.cmpi ne, %rem3A_412, %ne3A_413 : i32
      %and3A_415 = arith.andi %ne3A_411, %ne3A_414 : i1
      %sub3A_416 = arith.constant 1 : i32
      %sub3A_417 = arith.subi %div3A_396, %sub3A_416 : i32
      %select_n3A_418 = arith.select %and3A_415, %sub3A_417, %div3A_396 : i32
      %ge3A_419 = arith.constant 0 : i32
      %ge3A_420 = arith.cmpi sge, %sub3A_366, %ge3A_419 : i32
      %convert_element_type3A_421 = arith.extui %ge3A_420 : i1 to i32
      %cond3A_422 = arith.constant 0 : i32
      %cond3A_423 = arith.cmpi ne, %convert_element_type3A_421, %cond3A_422 : i32
      scf.if %cond3A_423 {
        %add3A_1051 = arith.addi %mul3A_2, %select_n3A_394 : i32
        %dma_wait3A_1052 = arith.constant 0 : i32
        %dma_wait3A_1053 = arith.constant 0 : i32
        %dma_wait3A_1054 = tpu.memref_slice %arg14[%dma_wait3A_1052, %dma_wait3A_1053] : memref<104x64xf32, #tpu.memory_space<vmem>> -> memref<104x64xf32, #tpu.memory_space<vmem>>
        %dma_wait3A_1055 = arith.constant 0 : i32
        %dma_wait3A_1056 = arith.constant 0 : i32
        %dma_wait3A_1057 = tpu.memref_slice %arg5[%add3A_1051, %dma_wait3A_1055, %dma_wait3A_1056] : memref<4096x200x128xf32, #tpu.memory_space<hbm>> -> memref<1x104x64xf32, #tpu.memory_space<hbm>>
        %dma_wait3A_1058 = tpu.memref_squeeze %dma_wait3A_1057 : memref<1x104x64xf32, #tpu.memory_space<hbm>> -> memref<104x64xf32, #tpu.memory_space<hbm>>
        %dma_wait3A_1059 = arith.constant 0 : i32
        %dma_wait3A_1060 = arith.constant 0 : i32
        %dma_wait3A_1061 = tpu.memref_slice %arg5[%add3A_1051, %dma_wait3A_1059, %dma_wait3A_1060] : memref<4096x200x128xf32, #tpu.memory_space<hbm>> -> memref<1x104x64xf32, #tpu.memory_space<hbm>>
        %dma_wait3A_1062 = tpu.memref_squeeze %dma_wait3A_1061 : memref<1x104x64xf32, #tpu.memory_space<hbm>> -> memref<104x64xf32, #tpu.memory_space<hbm>>
        %dma_wait3A_1063 = arith.constant 0 : i32
        %dma_wait3A_1064 = arith.constant 0 : i32
        %dma_wait3A_1065 = tpu.memref_slice %arg14[%dma_wait3A_1063, %dma_wait3A_1064] : memref<104x64xf32, #tpu.memory_space<vmem>> -> memref<104x64xf32, #tpu.memory_space<vmem>>
        tpu.wait_dma2 semaphore(%arg30 : memref<!tpu.dma_semaphore, #tpu.memory_space<semaphore_mem>>) src(%dma_wait3A_1065 : memref<104x64xf32, #tpu.memory_space<vmem>>) dst(%dma_wait3A_1062 : memref<104x64xf32, #tpu.memory_space<hbm>>)
      } else {
      }
      %lt3A_424 = arith.constant 256 : i32
      %lt3A_425 = arith.cmpi slt, %add3A_370, %lt3A_424 : i32
      %convert_element_type3A_426 = arith.extui %lt3A_425 : i1 to i32
      %cond3A_427 = arith.constant 0 : i32
      %cond3A_428 = arith.cmpi ne, %convert_element_type3A_426, %cond3A_427 : i32
      scf.if %cond3A_428 {
        %dma_start3A_1051 = arith.constant 0 : i32
        %dma_start3A_1052 = arith.constant 0 : i32
        %dma_start3A_1053 = tpu.memref_slice %arg14[%dma_start3A_1051, %dma_start3A_1052] : memref<104x64xf32, #tpu.memory_space<vmem>> -> memref<104x64xf32, #tpu.memory_space<vmem>>
        %dma_start3A_1054 = arith.constant 0 : i32
        %dma_start3A_1055 = tpu.memref_slice %arg6[%select_n3A_418, %dma_start3A_1054] : memref<128x200xi32, #tpu.memory_space<vmem>> -> memref<1x104xi32, #tpu.memory_space<vmem>>
        %dma_start3A_1056 = tpu.memref_squeeze %dma_start3A_1055 : memref<1x104xi32, #tpu.memory_space<vmem>> -> memref<104xi32, #tpu.memory_space<vmem>>
        %dma_start3A_1057 = arith.constant 0 : i32
        %dma_start3A_1058 = arith.constant 0 : i32
        %dma_start3A_1059 = tpu.memref_slice %arg3[%dma_start3A_1057, %dma_start3A_1058] : memref<100000x64xf32, #tpu.memory_space<hbm>> -> memref<100000x64xf32, #tpu.memory_space<hbm>>
        tpu.enqueue_indirect_dma source(%dma_start3A_1059 : memref<100000x64xf32, #tpu.memory_space<hbm>>) target(%dma_start3A_1053 : memref<104x64xf32, #tpu.memory_space<vmem>>) offsets(%dma_start3A_1056 : memref<104xi32, #tpu.memory_space<vmem>>) semaphore(%arg22 : memref<!tpu.dma_semaphore, #tpu.memory_space<semaphore_mem>>)
      } else {
      }
      %dma_wait3A_429 = arith.constant 0 : i32
      %dma_wait3A_430 = arith.constant 0 : i32
      %dma_wait3A_431 = tpu.memref_slice %arg10[%dma_wait3A_429, %dma_wait3A_430] : memref<104x64xf32, #tpu.memory_space<vmem>> -> memref<104x64xf32, #tpu.memory_space<vmem>>
      %dma_wait3A_432 = arith.constant 0 : i32
      %dma_wait3A_433 = tpu.memref_slice %arg6[%add3A_362, %dma_wait3A_432] : memref<128x200xi32, #tpu.memory_space<vmem>> -> memref<1x104xi32, #tpu.memory_space<vmem>>
      %dma_wait3A_434 = tpu.memref_squeeze %dma_wait3A_433 : memref<1x104xi32, #tpu.memory_space<vmem>> -> memref<104xi32, #tpu.memory_space<vmem>>
      %dma_wait3A_435 = arith.constant 0 : i32
      %dma_wait3A_436 = arith.constant 0 : i32
      %dma_wait3A_437 = tpu.memref_slice %arg3[%dma_wait3A_435, %dma_wait3A_436] : memref<100000x64xf32, #tpu.memory_space<hbm>> -> memref<100000x64xf32, #tpu.memory_space<hbm>>
      tpu.wait_indirect_dma semaphore(%arg18 : memref<!tpu.dma_semaphore, #tpu.memory_space<semaphore_mem>>) src(%dma_wait3A_437 : memref<100000x64xf32, #tpu.memory_space<hbm>>) dst(%dma_wait3A_431 : memref<104x64xf32, #tpu.memory_space<vmem>>)
      %parallel_loop3A_438 = arith.constant 0 : i32
      %parallel_loop3A_439 = arith.constant 104 : i32
      %parallel_loop3A_440 = arith.constant 1 : i32
      scf.for %parallel_loop3A_1051 = %parallel_loop3A_438 to %parallel_loop3A_439 step %parallel_loop3A_440  : i32 {
        %parallel_loop3A_1052 = arith.constant 0 : i32
        %parallel_loop3A_1053 = arith.addi %parallel_loop3A_1052, %parallel_loop3A_1051 : i32
        %parallel_loop3A_1054 = arith.index_cast %parallel_loop3A_1053 : i32 to index
        %parallel_loop3A_1055 = arith.constant 0 : index
        %parallel_loop3A_1056 = tpu.vector_load %arg7[%parallel_loop3A_1054, %parallel_loop3A_1055] {strides = array<i32>} : memref<200x64xf32, #tpu.memory_space<vmem>>, vector<1x16xf32>,
        %parallel_loop3A_1057 = vector.shape_cast %parallel_loop3A_1056 : vector<1x16xf32> to vector<16xf32>
        %parallel_loop3A_1058 = arith.index_cast %parallel_loop3A_1051 : i32 to index
        %parallel_loop3A_1059 = arith.constant 0 : index
        %parallel_loop3A_1060 = tpu.vector_load %arg10[%parallel_loop3A_1058, %parallel_loop3A_1059] {strides = array<i32>} : memref<104x64xf32, #tpu.memory_space<vmem>>, vector<1x16xf32>,
        %parallel_loop3A_1061 = vector.shape_cast %parallel_loop3A_1060 : vector<1x16xf32> to vector<16xf32>
        %parallel_loop3A_1062 = vector.shape_cast %parallel_loop3A_1057 : vector<16xf32> to vector<1x16xf32>
        tpu.vector_store %arg10[%parallel_loop3A_1058, %parallel_loop3A_1059], %parallel_loop3A_1062 {add = true, strides = array<i32>} : memref<104x64xf32, #tpu.memory_space<vmem>>, vector<1x16xf32>,
        %parallel_loop3A_1063 = arith.constant 0 : i32
        %parallel_loop3A_1064 = arith.addi %parallel_loop3A_1063, %parallel_loop3A_1051 : i32
        %parallel_loop3A_1065 = arith.index_cast %parallel_loop3A_1064 : i32 to index
        %parallel_loop3A_1066 = arith.constant 16 : index
        %parallel_loop3A_1067 = tpu.vector_load %arg7[%parallel_loop3A_1065, %parallel_loop3A_1066] {strides = array<i32>} : memref<200x64xf32, #tpu.memory_space<vmem>>, vector<1x16xf32>,
        %parallel_loop3A_1068 = vector.shape_cast %parallel_loop3A_1067 : vector<1x16xf32> to vector<16xf32>
        %parallel_loop3A_1069 = arith.index_cast %parallel_loop3A_1051 : i32 to index
        %parallel_loop3A_1070 = arith.constant 16 : index
        %parallel_loop3A_1071 = tpu.vector_load %arg10[%parallel_loop3A_1069, %parallel_loop3A_1070] {strides = array<i32>} : memref<104x64xf32, #tpu.memory_space<vmem>>, vector<1x16xf32>,
        %parallel_loop3A_1072 = vector.shape_cast %parallel_loop3A_1071 : vector<1x16xf32> to vector<16xf32>
        %parallel_loop3A_1073 = vector.shape_cast %parallel_loop3A_1068 : vector<16xf32> to vector<1x16xf32>
        tpu.vector_store %arg10[%parallel_loop3A_1069, %parallel_loop3A_1070], %parallel_loop3A_1073 {add = true, strides = array<i32>} : memref<104x64xf32, #tpu.memory_space<vmem>>, vector<1x16xf32>,
        %parallel_loop3A_1074 = arith.constant 0 : i32
        %parallel_loop3A_1075 = arith.addi %parallel_loop3A_1074, %parallel_loop3A_1051 : i32
        %parallel_loop3A_1076 = arith.index_cast %parallel_loop3A_1075 : i32 to index
        %parallel_loop3A_1077 = arith.constant 32 : index
        %parallel_loop3A_1078 = tpu.vector_load %arg7[%parallel_loop3A_1076, %parallel_loop3A_1077] {strides = array<i32>} : memref<200x64xf32, #tpu.memory_space<vmem>>, vector<1x16xf32>,
        %parallel_loop3A_1079 = vector.shape_cast %parallel_loop3A_1078 : vector<1x16xf32> to vector<16xf32>
        %parallel_loop3A_1080 = arith.index_cast %parallel_loop3A_1051 : i32 to index
        %parallel_loop3A_1081 = arith.constant 32 : index
        %parallel_loop3A_1082 = tpu.vector_load %arg10[%parallel_loop3A_1080, %parallel_loop3A_1081] {strides = array<i32>} : memref<104x64xf32, #tpu.memory_space<vmem>>, vector<1x16xf32>,
        %parallel_loop3A_1083 = vector.shape_cast %parallel_loop3A_1082 : vector<1x16xf32> to vector<16xf32>
        %parallel_loop3A_1084 = vector.shape_cast %parallel_loop3A_1079 : vector<16xf32> to vector<1x16xf32>
        tpu.vector_store %arg10[%parallel_loop3A_1080, %parallel_loop3A_1081], %parallel_loop3A_1084 {add = true, strides = array<i32>} : memref<104x64xf32, #tpu.memory_space<vmem>>, vector<1x16xf32>,
        %parallel_loop3A_1085 = arith.constant 0 : i32
        %parallel_loop3A_1086 = arith.addi %parallel_loop3A_1085, %parallel_loop3A_1051 : i32
        %parallel_loop3A_1087 = arith.index_cast %parallel_loop3A_1086 : i32 to index
        %parallel_loop3A_1088 = arith.constant 48 : index
        %parallel_loop3A_1089 = tpu.vector_load %arg7[%parallel_loop3A_1087, %parallel_loop3A_1088] {strides = array<i32>} : memref<200x64xf32, #tpu.memory_space<vmem>>, vector<1x16xf32>,
        %parallel_loop3A_1090 = vector.shape_cast %parallel_loop3A_1089 : vector<1x16xf32> to vector<16xf32>
        %parallel_loop3A_1091 = arith.index_cast %parallel_loop3A_1051 : i32 to index
        %parallel_loop3A_1092 = arith.constant 48 : index
        %parallel_loop3A_1093 = tpu.vector_load %arg10[%parallel_loop3A_1091, %parallel_loop3A_1092] {strides = array<i32>} : memref<104x64xf32, #tpu.memory_space<vmem>>, vector<1x16xf32>,
        %parallel_loop3A_1094 = vector.shape_cast %parallel_loop3A_1093 : vector<1x16xf32> to vector<16xf32>
        %parallel_loop3A_1095 = vector.shape_cast %parallel_loop3A_1090 : vector<16xf32> to vector<1x16xf32>
        tpu.vector_store %arg10[%parallel_loop3A_1091, %parallel_loop3A_1092], %parallel_loop3A_1095 {add = true, strides = array<i32>} : memref<104x64xf32, #tpu.memory_space<vmem>>, vector<1x16xf32>,
      } {sc.loop_unroll_factor = 4 : i64, sc.parallel_access}
      %add3A_441 = arith.addi %mul3A_2, %add3A_362 : i32
      %dma_start3A_442 = arith.constant 0 : i32
      %dma_start3A_443 = arith.constant 0 : i32
      %dma_start3A_444 = tpu.memref_slice %arg10[%dma_start3A_442, %dma_start3A_443] : memref<104x64xf32, #tpu.memory_space<vmem>> -> memref<104x64xf32, #tpu.memory_space<vmem>>
      %dma_start3A_445 = arith.constant 0 : i32
      %dma_start3A_446 = arith.constant 0 : i32
      %dma_start3A_447 = tpu.memref_slice %arg5[%add3A_441, %dma_start3A_445, %dma_start3A_446] : memref<4096x200x128xf32, #tpu.memory_space<hbm>> -> memref<1x104x64xf32, #tpu.memory_space<hbm>>
      %dma_start3A_448 = tpu.memref_squeeze %dma_start3A_447 : memref<1x104x64xf32, #tpu.memory_space<hbm>> -> memref<104x64xf32, #tpu.memory_space<hbm>>
      %dma_start3A_449 = arith.constant 0 : i32
      %dma_start3A_450 = arith.constant 0 : i32
      %dma_start3A_451 = tpu.memref_slice %arg5[%add3A_441, %dma_start3A_449, %dma_start3A_450] : memref<4096x200x128xf32, #tpu.memory_space<hbm>> -> memref<1x104x64xf32, #tpu.memory_space<hbm>>
      %dma_start3A_452 = tpu.memref_squeeze %dma_start3A_451 : memref<1x104x64xf32, #tpu.memory_space<hbm>> -> memref<104x64xf32, #tpu.memory_space<hbm>>
      %dma_start3A_453 = arith.constant 0 : i32
      %dma_start3A_454 = arith.constant 0 : i32
      %dma_start3A_455 = tpu.memref_slice %arg10[%dma_start3A_453, %dma_start3A_454] : memref<104x64xf32, #tpu.memory_space<vmem>> -> memref<104x64xf32, #tpu.memory_space<vmem>>
      tpu.enqueue_dma source(%dma_start3A_455 : memref<104x64xf32, #tpu.memory_space<vmem>>) target(%dma_start3A_452 : memref<104x64xf32, #tpu.memory_space<hbm>>) target_semaphore(%arg26 : memref<!tpu.dma_semaphore, #tpu.memory_space<semaphore_mem>>)
      %jit3A_456 = arith.constant 2 : i32
      %div3A_457 = arith.divsi %mul3A_111, %jit3A_456 : i32
      %sign3A_458 = arith.constant 0 : i32
      %sign3A_459 = arith.cmpi sgt, %mul3A_111, %sign3A_458 : i32
      %sign3A_460 = arith.extui %sign3A_459 : i1 to i32
      %sign3A_461 = arith.constant 0 : i32
      %sign3A_462 = arith.cmpi slt, %mul3A_111, %sign3A_461 : i32
      %sign3A_463 = arith.extui %sign3A_462 : i1 to i32
      %sign3A_464 = arith.subi %sign3A_460, %sign3A_463 : i32
      %sign3A_465 = arith.constant 0 : i32
      %sign3A_466 = arith.cmpi sgt, %jit3A_456, %sign3A_465 : i32
      %sign3A_467 = arith.extui %sign3A_466 : i1 to i32
      %sign3A_468 = arith.constant 0 : i32
      %sign3A_469 = arith.cmpi slt, %jit3A_456, %sign3A_468 : i32
      %sign3A_470 = arith.extui %sign3A_469 : i1 to i32
      %sign3A_471 = arith.subi %sign3A_467, %sign3A_470 : i32
      %ne3A_472 = arith.cmpi ne, %sign3A_464, %sign3A_471 : i32
      %rem3A_473 = arith.remsi %mul3A_111, %jit3A_456 : i32
      %ne3A_474 = arith.constant 0 : i32
      %ne3A_475 = arith.cmpi ne, %rem3A_473, %ne3A_474 : i32
      %and3A_476 = arith.andi %ne3A_472, %ne3A_475 : i1
      %sub3A_477 = arith.constant 1 : i32
      %sub3A_478 = arith.subi %div3A_457, %sub3A_477 : i32
      %select_n3A_479 = arith.select %and3A_476, %sub3A_478, %div3A_457 : i32
      %add3A_480 = arith.constant 1 : i32
      %add3A_481 = arith.addi %select_n3A_479, %add3A_480 : i32
      %add3A_482 = arith.constant 3 : i32
      %add3A_483 = arith.addi %mul3A_111, %add3A_482 : i32
      %sub3A_484 = arith.constant 4 : i32
      %sub3A_485 = arith.subi %add3A_483, %sub3A_484 : i32
      %add3A_486 = arith.constant 3 : i32
      %add3A_487 = arith.addi %mul3A_111, %add3A_486 : i32
      %add3A_488 = arith.constant 4 : i32
      %add3A_489 = arith.addi %add3A_487, %add3A_488 : i32
      %jit3A_490 = arith.constant 2 : i32
      %div3A_491 = arith.divsi %sub3A_485, %jit3A_490 : i32
      %sign3A_492 = arith.constant 0 : i32
      %sign3A_493 = arith.cmpi sgt, %sub3A_485, %sign3A_492 : i32
      %sign3A_494 = arith.extui %sign3A_493 : i1 to i32
      %sign3A_495 = arith.constant 0 : i32
      %sign3A_496 = arith.cmpi slt, %sub3A_485, %sign3A_495 : i32
      %sign3A_497 = arith.extui %sign3A_496 : i1 to i32
      %sign3A_498 = arith.subi %sign3A_494, %sign3A_497 : i32
      %sign3A_499 = arith.constant 0 : i32
      %sign3A_500 = arith.cmpi sgt, %jit3A_490, %sign3A_499 : i32
      %sign3A_501 = arith.extui %sign3A_500 : i1 to i32
      %sign3A_502 = arith.constant 0 : i32
      %sign3A_503 = arith.cmpi slt, %jit3A_490, %sign3A_502 : i32
      %sign3A_504 = arith.extui %sign3A_503 : i1 to i32
      %sign3A_505 = arith.subi %sign3A_501, %sign3A_504 : i32
      %ne3A_506 = arith.cmpi ne, %sign3A_498, %sign3A_505 : i32
      %rem3A_507 = arith.remsi %sub3A_485, %jit3A_490 : i32
      %ne3A_508 = arith.constant 0 : i32
      %ne3A_509 = arith.cmpi ne, %rem3A_507, %ne3A_508 : i32
      %and3A_510 = arith.andi %ne3A_506, %ne3A_509 : i1
      %sub3A_511 = arith.constant 1 : i32
      %sub3A_512 = arith.subi %div3A_491, %sub3A_511 : i32
      %select_n3A_513 = arith.select %and3A_510, %sub3A_512, %div3A_491 : i32
      %jit3A_514 = arith.constant 2 : i32
      %div3A_515 = arith.divsi %add3A_489, %jit3A_514 : i32
      %sign3A_516 = arith.constant 0 : i32
      %sign3A_517 = arith.cmpi sgt, %add3A_489, %sign3A_516 : i32
      %sign3A_518 = arith.extui %sign3A_517 : i1 to i32
      %sign3A_519 = arith.constant 0 : i32
      %sign3A_520 = arith.cmpi slt, %add3A_489, %sign3A_519 : i32
      %sign3A_521 = arith.extui %sign3A_520 : i1 to i32
      %sign3A_522 = arith.subi %sign3A_518, %sign3A_521 : i32
      %sign3A_523 = arith.constant 0 : i32
      %sign3A_524 = arith.cmpi sgt, %jit3A_514, %sign3A_523 : i32
      %sign3A_525 = arith.extui %sign3A_524 : i1 to i32
      %sign3A_526 = arith.constant 0 : i32
      %sign3A_527 = arith.cmpi slt, %jit3A_514, %sign3A_526 : i32
      %sign3A_528 = arith.extui %sign3A_527 : i1 to i32
      %sign3A_529 = arith.subi %sign3A_525, %sign3A_528 : i32
      %ne3A_530 = arith.cmpi ne, %sign3A_522, %sign3A_529 : i32
      %rem3A_531 = arith.remsi %add3A_489, %jit3A_514 : i32
      %ne3A_532 = arith.constant 0 : i32
      %ne3A_533 = arith.cmpi ne, %rem3A_531, %ne3A_532 : i32
      %and3A_534 = arith.andi %ne3A_530, %ne3A_533 : i1
      %sub3A_535 = arith.constant 1 : i32
      %sub3A_536 = arith.subi %div3A_515, %sub3A_535 : i32
      %select_n3A_537 = arith.select %and3A_534, %sub3A_536, %div3A_515 : i32
      %ge3A_538 = arith.constant 0 : i32
      %ge3A_539 = arith.cmpi sge, %sub3A_485, %ge3A_538 : i32
      %convert_element_type3A_540 = arith.extui %ge3A_539 : i1 to i32
      %cond3A_541 = arith.constant 0 : i32
      %cond3A_542 = arith.cmpi ne, %convert_element_type3A_540, %cond3A_541 : i32
      scf.if %cond3A_542 {
        %add3A_1051 = arith.addi %mul3A_2, %select_n3A_513 : i32
        %dma_wait3A_1052 = arith.constant 0 : i32
        %dma_wait3A_1053 = arith.constant 0 : i32
        %dma_wait3A_1054 = tpu.memref_slice %arg15[%dma_wait3A_1052, %dma_wait3A_1053] : memref<104x64xf32, #tpu.memory_space<vmem>> -> memref<96x64xf32, #tpu.memory_space<vmem>>
        %dma_wait3A_1055 = arith.constant 104 : i32
        %dma_wait3A_1056 = arith.constant 0 : i32
        %dma_wait3A_1057 = tpu.memref_slice %arg5[%add3A_1051, %dma_wait3A_1055, %dma_wait3A_1056] : memref<4096x200x128xf32, #tpu.memory_space<hbm>> -> memref<1x96x64xf32, #tpu.memory_space<hbm>>
        %dma_wait3A_1058 = tpu.memref_squeeze %dma_wait3A_1057 : memref<1x96x64xf32, #tpu.memory_space<hbm>> -> memref<96x64xf32, #tpu.memory_space<hbm>>
        %dma_wait3A_1059 = arith.constant 104 : i32
        %dma_wait3A_1060 = arith.constant 0 : i32
        %dma_wait3A_1061 = tpu.memref_slice %arg5[%add3A_1051, %dma_wait3A_1059, %dma_wait3A_1060] : memref<4096x200x128xf32, #tpu.memory_space<hbm>> -> memref<1x96x64xf32, #tpu.memory_space<hbm>>
        %dma_wait3A_1062 = tpu.memref_squeeze %dma_wait3A_1061 : memref<1x96x64xf32, #tpu.memory_space<hbm>> -> memref<96x64xf32, #tpu.memory_space<hbm>>
        %dma_wait3A_1063 = arith.constant 0 : i32
        %dma_wait3A_1064 = arith.constant 0 : i32
        %dma_wait3A_1065 = tpu.memref_slice %arg15[%dma_wait3A_1063, %dma_wait3A_1064] : memref<104x64xf32, #tpu.memory_space<vmem>> -> memref<96x64xf32, #tpu.memory_space<vmem>>
        tpu.wait_dma2 semaphore(%arg31 : memref<!tpu.dma_semaphore, #tpu.memory_space<semaphore_mem>>) src(%dma_wait3A_1065 : memref<96x64xf32, #tpu.memory_space<vmem>>) dst(%dma_wait3A_1062 : memref<96x64xf32, #tpu.memory_space<hbm>>)
      } else {
      }
      %lt3A_543 = arith.constant 256 : i32
      %lt3A_544 = arith.cmpi slt, %add3A_489, %lt3A_543 : i32
      %convert_element_type3A_545 = arith.extui %lt3A_544 : i1 to i32
      %cond3A_546 = arith.constant 0 : i32
      %cond3A_547 = arith.cmpi ne, %convert_element_type3A_545, %cond3A_546 : i32
      scf.if %cond3A_547 {
        %dma_start3A_1051 = arith.constant 0 : i32
        %dma_start3A_1052 = arith.constant 0 : i32
        %dma_start3A_1053 = tpu.memref_slice %arg15[%dma_start3A_1051, %dma_start3A_1052] : memref<104x64xf32, #tpu.memory_space<vmem>> -> memref<96x64xf32, #tpu.memory_space<vmem>>
        %dma_start3A_1054 = arith.constant 104 : i32
        %dma_start3A_1055 = tpu.memref_slice %arg6[%select_n3A_537, %dma_start3A_1054] : memref<128x200xi32, #tpu.memory_space<vmem>> -> memref<1x96xi32, #tpu.memory_space<vmem>>
        %dma_start3A_1056 = tpu.memref_squeeze %dma_start3A_1055 : memref<1x96xi32, #tpu.memory_space<vmem>> -> memref<96xi32, #tpu.memory_space<vmem>>
        %dma_start3A_1057 = arith.constant 0 : i32
        %dma_start3A_1058 = arith.constant 0 : i32
        %dma_start3A_1059 = tpu.memref_slice %arg3[%dma_start3A_1057, %dma_start3A_1058] : memref<100000x64xf32, #tpu.memory_space<hbm>> -> memref<100000x64xf32, #tpu.memory_space<hbm>>
        tpu.enqueue_indirect_dma source(%dma_start3A_1059 : memref<100000x64xf32, #tpu.memory_space<hbm>>) target(%dma_start3A_1053 : memref<96x64xf32, #tpu.memory_space<vmem>>) offsets(%dma_start3A_1056 : memref<96xi32, #tpu.memory_space<vmem>>) semaphore(%arg23 : memref<!tpu.dma_semaphore, #tpu.memory_space<semaphore_mem>>)
      } else {
      }
      %dma_wait3A_548 = arith.constant 0 : i32
      %dma_wait3A_549 = arith.constant 0 : i32
      %dma_wait3A_550 = tpu.memref_slice %arg11[%dma_wait3A_548, %dma_wait3A_549] : memref<104x64xf32, #tpu.memory_space<vmem>> -> memref<96x64xf32, #tpu.memory_space<vmem>>
      %dma_wait3A_551 = arith.constant 104 : i32
      %dma_wait3A_552 = tpu.memref_slice %arg6[%add3A_481, %dma_wait3A_551] : memref<128x200xi32, #tpu.memory_space<vmem>> -> memref<1x96xi32, #tpu.memory_space<vmem>>
      %dma_wait3A_553 = tpu.memref_squeeze %dma_wait3A_552 : memref<1x96xi32, #tpu.memory_space<vmem>> -> memref<96xi32, #tpu.memory_space<vmem>>
      %dma_wait3A_554 = arith.constant 0 : i32
      %dma_wait3A_555 = arith.constant 0 : i32
      %dma_wait3A_556 = tpu.memref_slice %arg3[%dma_wait3A_554, %dma_wait3A_555] : memref<100000x64xf32, #tpu.memory_space<hbm>> -> memref<100000x64xf32, #tpu.memory_space<hbm>>
      tpu.wait_indirect_dma semaphore(%arg19 : memref<!tpu.dma_semaphore, #tpu.memory_space<semaphore_mem>>) src(%dma_wait3A_556 : memref<100000x64xf32, #tpu.memory_space<hbm>>) dst(%dma_wait3A_550 : memref<96x64xf32, #tpu.memory_space<vmem>>)
      %parallel_loop3A_557 = arith.constant 0 : i32
      %parallel_loop3A_558 = arith.constant 96 : i32
      %parallel_loop3A_559 = arith.constant 1 : i32
      scf.for %parallel_loop3A_1051 = %parallel_loop3A_557 to %parallel_loop3A_558 step %parallel_loop3A_559  : i32 {
        %parallel_loop3A_1052 = arith.constant 104 : i32
        %parallel_loop3A_1053 = arith.addi %parallel_loop3A_1052, %parallel_loop3A_1051 : i32
        %parallel_loop3A_1054 = arith.index_cast %parallel_loop3A_1053 : i32 to index
        %parallel_loop3A_1055 = arith.constant 0 : index
        %parallel_loop3A_1056 = tpu.vector_load %arg7[%parallel_loop3A_1054, %parallel_loop3A_1055] {strides = array<i32>} : memref<200x64xf32, #tpu.memory_space<vmem>>, vector<1x16xf32>,
        %parallel_loop3A_1057 = vector.shape_cast %parallel_loop3A_1056 : vector<1x16xf32> to vector<16xf32>
        %parallel_loop3A_1058 = arith.index_cast %parallel_loop3A_1051 : i32 to index
        %parallel_loop3A_1059 = arith.constant 0 : index
        %parallel_loop3A_1060 = tpu.vector_load %arg11[%parallel_loop3A_1058, %parallel_loop3A_1059] {strides = array<i32>} : memref<104x64xf32, #tpu.memory_space<vmem>>, vector<1x16xf32>,
        %parallel_loop3A_1061 = vector.shape_cast %parallel_loop3A_1060 : vector<1x16xf32> to vector<16xf32>
        %parallel_loop3A_1062 = vector.shape_cast %parallel_loop3A_1057 : vector<16xf32> to vector<1x16xf32>
        tpu.vector_store %arg11[%parallel_loop3A_1058, %parallel_loop3A_1059], %parallel_loop3A_1062 {add = true, strides = array<i32>} : memref<104x64xf32, #tpu.memory_space<vmem>>, vector<1x16xf32>,
        %parallel_loop3A_1063 = arith.constant 104 : i32
        %parallel_loop3A_1064 = arith.addi %parallel_loop3A_1063, %parallel_loop3A_1051 : i32
        %parallel_loop3A_1065 = arith.index_cast %parallel_loop3A_1064 : i32 to index
        %parallel_loop3A_1066 = arith.constant 16 : index
        %parallel_loop3A_1067 = tpu.vector_load %arg7[%parallel_loop3A_1065, %parallel_loop3A_1066] {strides = array<i32>} : memref<200x64xf32, #tpu.memory_space<vmem>>, vector<1x16xf32>,
        %parallel_loop3A_1068 = vector.shape_cast %parallel_loop3A_1067 : vector<1x16xf32> to vector<16xf32>
        %parallel_loop3A_1069 = arith.index_cast %parallel_loop3A_1051 : i32 to index
        %parallel_loop3A_1070 = arith.constant 16 : index
        %parallel_loop3A_1071 = tpu.vector_load %arg11[%parallel_loop3A_1069, %parallel_loop3A_1070] {strides = array<i32>} : memref<104x64xf32, #tpu.memory_space<vmem>>, vector<1x16xf32>,
        %parallel_loop3A_1072 = vector.shape_cast %parallel_loop3A_1071 : vector<1x16xf32> to vector<16xf32>
        %parallel_loop3A_1073 = vector.shape_cast %parallel_loop3A_1068 : vector<16xf32> to vector<1x16xf32>
        tpu.vector_store %arg11[%parallel_loop3A_1069, %parallel_loop3A_1070], %parallel_loop3A_1073 {add = true, strides = array<i32>} : memref<104x64xf32, #tpu.memory_space<vmem>>, vector<1x16xf32>,
        %parallel_loop3A_1074 = arith.constant 104 : i32
        %parallel_loop3A_1075 = arith.addi %parallel_loop3A_1074, %parallel_loop3A_1051 : i32
        %parallel_loop3A_1076 = arith.index_cast %parallel_loop3A_1075 : i32 to index
        %parallel_loop3A_1077 = arith.constant 32 : index
        %parallel_loop3A_1078 = tpu.vector_load %arg7[%parallel_loop3A_1076, %parallel_loop3A_1077] {strides = array<i32>} : memref<200x64xf32, #tpu.memory_space<vmem>>, vector<1x16xf32>,
        %parallel_loop3A_1079 = vector.shape_cast %parallel_loop3A_1078 : vector<1x16xf32> to vector<16xf32>
        %parallel_loop3A_1080 = arith.index_cast %parallel_loop3A_1051 : i32 to index
        %parallel_loop3A_1081 = arith.constant 32 : index
        %parallel_loop3A_1082 = tpu.vector_load %arg11[%parallel_loop3A_1080, %parallel_loop3A_1081] {strides = array<i32>} : memref<104x64xf32, #tpu.memory_space<vmem>>, vector<1x16xf32>,
        %parallel_loop3A_1083 = vector.shape_cast %parallel_loop3A_1082 : vector<1x16xf32> to vector<16xf32>
        %parallel_loop3A_1084 = vector.shape_cast %parallel_loop3A_1079 : vector<16xf32> to vector<1x16xf32>
        tpu.vector_store %arg11[%parallel_loop3A_1080, %parallel_loop3A_1081], %parallel_loop3A_1084 {add = true, strides = array<i32>} : memref<104x64xf32, #tpu.memory_space<vmem>>, vector<1x16xf32>,
        %parallel_loop3A_1085 = arith.constant 104 : i32
        %parallel_loop3A_1086 = arith.addi %parallel_loop3A_1085, %parallel_loop3A_1051 : i32
        %parallel_loop3A_1087 = arith.index_cast %parallel_loop3A_1086 : i32 to index
        %parallel_loop3A_1088 = arith.constant 48 : index
        %parallel_loop3A_1089 = tpu.vector_load %arg7[%parallel_loop3A_1087, %parallel_loop3A_1088] {strides = array<i32>} : memref<200x64xf32, #tpu.memory_space<vmem>>, vector<1x16xf32>,
        %parallel_loop3A_1090 = vector.shape_cast %parallel_loop3A_1089 : vector<1x16xf32> to vector<16xf32>
        %parallel_loop3A_1091 = arith.index_cast %parallel_loop3A_1051 : i32 to index
        %parallel_loop3A_1092 = arith.constant 48 : index
        %parallel_loop3A_1093 = tpu.vector_load %arg11[%parallel_loop3A_1091, %parallel_loop3A_1092] {strides = array<i32>} : memref<104x64xf32, #tpu.memory_space<vmem>>, vector<1x16xf32>,
        %parallel_loop3A_1094 = vector.shape_cast %parallel_loop3A_1093 : vector<1x16xf32> to vector<16xf32>
        %parallel_loop3A_1095 = vector.shape_cast %parallel_loop3A_1090 : vector<16xf32> to vector<1x16xf32>
        tpu.vector_store %arg11[%parallel_loop3A_1091, %parallel_loop3A_1092], %parallel_loop3A_1095 {add = true, strides = array<i32>} : memref<104x64xf32, #tpu.memory_space<vmem>>, vector<1x16xf32>,
      } {sc.loop_unroll_factor = 4 : i64, sc.parallel_access}
      %add3A_560 = arith.addi %mul3A_2, %add3A_481 : i32
      %dma_start3A_561 = arith.constant 0 : i32
      %dma_start3A_562 = arith.constant 0 : i32
      %dma_start3A_563 = tpu.memref_slice %arg11[%dma_start3A_561, %dma_start3A_562] : memref<104x64xf32, #tpu.memory_space<vmem>> -> memref<96x64xf32, #tpu.memory_space<vmem>>
      %dma_start3A_564 = arith.constant 104 : i32
      %dma_start3A_565 = arith.constant 0 : i32
      %dma_start3A_566 = tpu.memref_slice %arg5[%add3A_560, %dma_start3A_564, %dma_start3A_565] : memref<4096x200x128xf32, #tpu.memory_space<hbm>> -> memref<1x96x64xf32, #tpu.memory_space<hbm>>
      %dma_start3A_567 = tpu.memref_squeeze %dma_start3A_566 : memref<1x96x64xf32, #tpu.memory_space<hbm>> -> memref<96x64xf32, #tpu.memory_space<hbm>>
      %dma_start3A_568 = arith.constant 104 : i32
      %dma_start3A_569 = arith.constant 0 : i32
      %dma_start3A_570 = tpu.memref_slice %arg5[%add3A_560, %dma_start3A_568, %dma_start3A_569] : memref<4096x200x128xf32, #tpu.memory_space<hbm>> -> memref<1x96x64xf32, #tpu.memory_space<hbm>>
      %dma_start3A_571 = tpu.memref_squeeze %dma_start3A_570 : memref<1x96x64xf32, #tpu.memory_space<hbm>> -> memref<96x64xf32, #tpu.memory_space<hbm>>
      %dma_start3A_572 = arith.constant 0 : i32
      %dma_start3A_573 = arith.constant 0 : i32
      %dma_start3A_574 = tpu.memref_slice %arg11[%dma_start3A_572, %dma_start3A_573] : memref<104x64xf32, #tpu.memory_space<vmem>> -> memref<96x64xf32, #tpu.memory_space<vmem>>
      tpu.enqueue_dma source(%dma_start3A_574 : memref<96x64xf32, #tpu.memory_space<vmem>>) target(%dma_start3A_571 : memref<96x64xf32, #tpu.memory_space<hbm>>) target_semaphore(%arg27 : memref<!tpu.dma_semaphore, #tpu.memory_space<semaphore_mem>>)
      %jit3A_575 = arith.constant 2 : i32
      %div3A_576 = arith.divsi %mul3A_111, %jit3A_575 : i32
      %sign3A_577 = arith.constant 0 : i32
      %sign3A_578 = arith.cmpi sgt, %mul3A_111, %sign3A_577 : i32
      %sign3A_579 = arith.extui %sign3A_578 : i1 to i32
      %sign3A_580 = arith.constant 0 : i32
      %sign3A_581 = arith.cmpi slt, %mul3A_111, %sign3A_580 : i32
      %sign3A_582 = arith.extui %sign3A_581 : i1 to i32
      %sign3A_583 = arith.subi %sign3A_579, %sign3A_582 : i32
      %sign3A_584 = arith.constant 0 : i32
      %sign3A_585 = arith.cmpi sgt, %jit3A_575, %sign3A_584 : i32
      %sign3A_586 = arith.extui %sign3A_585 : i1 to i32
      %sign3A_587 = arith.constant 0 : i32
      %sign3A_588 = arith.cmpi slt, %jit3A_575, %sign3A_587 : i32
      %sign3A_589 = arith.extui %sign3A_588 : i1 to i32
      %sign3A_590 = arith.subi %sign3A_586, %sign3A_589 : i32
      %ne3A_591 = arith.cmpi ne, %sign3A_583, %sign3A_590 : i32
      %rem3A_592 = arith.remsi %mul3A_111, %jit3A_575 : i32
      %ne3A_593 = arith.constant 0 : i32
      %ne3A_594 = arith.cmpi ne, %rem3A_592, %ne3A_593 : i32
      %and3A_595 = arith.andi %ne3A_591, %ne3A_594 : i1
      %sub3A_596 = arith.constant 1 : i32
      %sub3A_597 = arith.subi %div3A_576, %sub3A_596 : i32
      %select_n3A_598 = arith.select %and3A_595, %sub3A_597, %div3A_576 : i32
      %add3A_599 = arith.constant 2 : i32
      %add3A_600 = arith.addi %select_n3A_598, %add3A_599 : i32
      %add3A_601 = arith.constant 4 : i32
      %add3A_602 = arith.addi %mul3A_111, %add3A_601 : i32
      %sub3A_603 = arith.constant 4 : i32
      %sub3A_604 = arith.subi %add3A_602, %sub3A_603 : i32
      %add3A_605 = arith.constant 4 : i32
      %add3A_606 = arith.addi %mul3A_111, %add3A_605 : i32
      %add3A_607 = arith.constant 4 : i32
      %add3A_608 = arith.addi %add3A_606, %add3A_607 : i32
      %jit3A_609 = arith.constant 2 : i32
      %div3A_610 = arith.divsi %sub3A_604, %jit3A_609 : i32
      %sign3A_611 = arith.constant 0 : i32
      %sign3A_612 = arith.cmpi sgt, %sub3A_604, %sign3A_611 : i32
      %sign3A_613 = arith.extui %sign3A_612 : i1 to i32
      %sign3A_614 = arith.constant 0 : i32
      %sign3A_615 = arith.cmpi slt, %sub3A_604, %sign3A_614 : i32
      %sign3A_616 = arith.extui %sign3A_615 : i1 to i32
      %sign3A_617 = arith.subi %sign3A_613, %sign3A_616 : i32
      %sign3A_618 = arith.constant 0 : i32
      %sign3A_619 = arith.cmpi sgt, %jit3A_609, %sign3A_618 : i32
      %sign3A_620 = arith.extui %sign3A_619 : i1 to i32
      %sign3A_621 = arith.constant 0 : i32
      %sign3A_622 = arith.cmpi slt, %jit3A_609, %sign3A_621 : i32
      %sign3A_623 = arith.extui %sign3A_622 : i1 to i32
      %sign3A_624 = arith.subi %sign3A_620, %sign3A_623 : i32
      %ne3A_625 = arith.cmpi ne, %sign3A_617, %sign3A_624 : i32
      %rem3A_626 = arith.remsi %sub3A_604, %jit3A_609 : i32
      %ne3A_627 = arith.constant 0 : i32
      %ne3A_628 = arith.cmpi ne, %rem3A_626, %ne3A_627 : i32
      %and3A_629 = arith.andi %ne3A_625, %ne3A_628 : i1
      %sub3A_630 = arith.constant 1 : i32
      %sub3A_631 = arith.subi %div3A_610, %sub3A_630 : i32
      %select_n3A_632 = arith.select %and3A_629, %sub3A_631, %div3A_610 : i32
      %jit3A_633 = arith.constant 2 : i32
      %div3A_634 = arith.divsi %add3A_608, %jit3A_633 : i32
      %sign3A_635 = arith.constant 0 : i32
      %sign3A_636 = arith.cmpi sgt, %add3A_608, %sign3A_635 : i32
      %sign3A_637 = arith.extui %sign3A_636 : i1 to i32
      %sign3A_638 = arith.constant 0 : i32
      %sign3A_639 = arith.cmpi slt, %add3A_608, %sign3A_638 : i32
      %sign3A_640 = arith.extui %sign3A_639 : i1 to i32
      %sign3A_641 = arith.subi %sign3A_637, %sign3A_640 : i32
      %sign3A_642 = arith.constant 0 : i32
      %sign3A_643 = arith.cmpi sgt, %jit3A_633, %sign3A_642 : i32
      %sign3A_644 = arith.extui %sign3A_643 : i1 to i32
      %sign3A_645 = arith.constant 0 : i32
      %sign3A_646 = arith.cmpi slt, %jit3A_633, %sign3A_645 : i32
      %sign3A_647 = arith.extui %sign3A_646 : i1 to i32
      %sign3A_648 = arith.subi %sign3A_644, %sign3A_647 : i32
      %ne3A_649 = arith.cmpi ne, %sign3A_641, %sign3A_648 : i32
      %rem3A_650 = arith.remsi %add3A_608, %jit3A_633 : i32
      %ne3A_651 = arith.constant 0 : i32
      %ne3A_652 = arith.cmpi ne, %rem3A_650, %ne3A_651 : i32
      %and3A_653 = arith.andi %ne3A_649, %ne3A_652 : i1
      %sub3A_654 = arith.constant 1 : i32
      %sub3A_655 = arith.subi %div3A_634, %sub3A_654 : i32
      %select_n3A_656 = arith.select %and3A_653, %sub3A_655, %div3A_634 : i32
      %ge3A_657 = arith.constant 0 : i32
      %ge3A_658 = arith.cmpi sge, %sub3A_604, %ge3A_657 : i32
      %convert_element_type3A_659 = arith.extui %ge3A_658 : i1 to i32
      %cond3A_660 = arith.constant 0 : i32
      %cond3A_661 = arith.cmpi ne, %convert_element_type3A_659, %cond3A_660 : i32
      scf.if %cond3A_661 {
        %add3A_1051 = arith.addi %mul3A_2, %select_n3A_632 : i32
        %dma_wait3A_1052 = arith.constant 0 : i32
        %dma_wait3A_1053 = arith.constant 0 : i32
        %dma_wait3A_1054 = tpu.memref_slice %arg8[%dma_wait3A_1052, %dma_wait3A_1053] : memref<104x64xf32, #tpu.memory_space<vmem>> -> memref<104x64xf32, #tpu.memory_space<vmem>>
        %dma_wait3A_1055 = arith.constant 0 : i32
        %dma_wait3A_1056 = arith.constant 0 : i32
        %dma_wait3A_1057 = tpu.memref_slice %arg5[%add3A_1051, %dma_wait3A_1055, %dma_wait3A_1056] : memref<4096x200x128xf32, #tpu.memory_space<hbm>> -> memref<1x104x64xf32, #tpu.memory_space<hbm>>
        %dma_wait3A_1058 = tpu.memref_squeeze %dma_wait3A_1057 : memref<1x104x64xf32, #tpu.memory_space<hbm>> -> memref<104x64xf32, #tpu.memory_space<hbm>>
        %dma_wait3A_1059 = arith.constant 0 : i32
        %dma_wait3A_1060 = arith.constant 0 : i32
        %dma_wait3A_1061 = tpu.memref_slice %arg5[%add3A_1051, %dma_wait3A_1059, %dma_wait3A_1060] : memref<4096x200x128xf32, #tpu.memory_space<hbm>> -> memref<1x104x64xf32, #tpu.memory_space<hbm>>
        %dma_wait3A_1062 = tpu.memref_squeeze %dma_wait3A_1061 : memref<1x104x64xf32, #tpu.memory_space<hbm>> -> memref<104x64xf32, #tpu.memory_space<hbm>>
        %dma_wait3A_1063 = arith.constant 0 : i32
        %dma_wait3A_1064 = arith.constant 0 : i32
        %dma_wait3A_1065 = tpu.memref_slice %arg8[%dma_wait3A_1063, %dma_wait3A_1064] : memref<104x64xf32, #tpu.memory_space<vmem>> -> memref<104x64xf32, #tpu.memory_space<vmem>>
        tpu.wait_dma2 semaphore(%arg24 : memref<!tpu.dma_semaphore, #tpu.memory_space<semaphore_mem>>) src(%dma_wait3A_1065 : memref<104x64xf32, #tpu.memory_space<vmem>>) dst(%dma_wait3A_1062 : memref<104x64xf32, #tpu.memory_space<hbm>>)
      } else {
      }
      %lt3A_662 = arith.constant 256 : i32
      %lt3A_663 = arith.cmpi slt, %add3A_608, %lt3A_662 : i32
      %convert_element_type3A_664 = arith.extui %lt3A_663 : i1 to i32
      %cond3A_665 = arith.constant 0 : i32
      %cond3A_666 = arith.cmpi ne, %convert_element_type3A_664, %cond3A_665 : i32
      scf.if %cond3A_666 {
        %dma_start3A_1051 = arith.constant 0 : i32
        %dma_start3A_1052 = arith.constant 0 : i32
        %dma_start3A_1053 = tpu.memref_slice %arg8[%dma_start3A_1051, %dma_start3A_1052] : memref<104x64xf32, #tpu.memory_space<vmem>> -> memref<104x64xf32, #tpu.memory_space<vmem>>
        %dma_start3A_1054 = arith.constant 0 : i32
        %dma_start3A_1055 = tpu.memref_slice %arg6[%select_n3A_656, %dma_start3A_1054] : memref<128x200xi32, #tpu.memory_space<vmem>> -> memref<1x104xi32, #tpu.memory_space<vmem>>
        %dma_start3A_1056 = tpu.memref_squeeze %dma_start3A_1055 : memref<1x104xi32, #tpu.memory_space<vmem>> -> memref<104xi32, #tpu.memory_space<vmem>>
        %dma_start3A_1057 = arith.constant 0 : i32
        %dma_start3A_1058 = arith.constant 0 : i32
        %dma_start3A_1059 = tpu.memref_slice %arg3[%dma_start3A_1057, %dma_start3A_1058] : memref<100000x64xf32, #tpu.memory_space<hbm>> -> memref<100000x64xf32, #tpu.memory_space<hbm>>
        tpu.enqueue_indirect_dma source(%dma_start3A_1059 : memref<100000x64xf32, #tpu.memory_space<hbm>>) target(%dma_start3A_1053 : memref<104x64xf32, #tpu.memory_space<vmem>>) offsets(%dma_start3A_1056 : memref<104xi32, #tpu.memory_space<vmem>>) semaphore(%arg16 : memref<!tpu.dma_semaphore, #tpu.memory_space<semaphore_mem>>)
      } else {
      }
      %dma_wait3A_667 = arith.constant 0 : i32
      %dma_wait3A_668 = arith.constant 0 : i32
      %dma_wait3A_669 = tpu.memref_slice %arg12[%dma_wait3A_667, %dma_wait3A_668] : memref<104x64xf32, #tpu.memory_space<vmem>> -> memref<104x64xf32, #tpu.memory_space<vmem>>
      %dma_wait3A_670 = arith.constant 0 : i32
      %dma_wait3A_671 = tpu.memref_slice %arg6[%add3A_600, %dma_wait3A_670] : memref<128x200xi32, #tpu.memory_space<vmem>> -> memref<1x104xi32, #tpu.memory_space<vmem>>
      %dma_wait3A_672 = tpu.memref_squeeze %dma_wait3A_671 : memref<1x104xi32, #tpu.memory_space<vmem>> -> memref<104xi32, #tpu.memory_space<vmem>>
      %dma_wait3A_673 = arith.constant 0 : i32
      %dma_wait3A_674 = arith.constant 0 : i32
      %dma_wait3A_675 = tpu.memref_slice %arg3[%dma_wait3A_673, %dma_wait3A_674] : memref<100000x64xf32, #tpu.memory_space<hbm>> -> memref<100000x64xf32, #tpu.memory_space<hbm>>
      tpu.wait_indirect_dma semaphore(%arg20 : memref<!tpu.dma_semaphore, #tpu.memory_space<semaphore_mem>>) src(%dma_wait3A_675 : memref<100000x64xf32, #tpu.memory_space<hbm>>) dst(%dma_wait3A_669 : memref<104x64xf32, #tpu.memory_space<vmem>>)
      %parallel_loop3A_676 = arith.constant 0 : i32
      %parallel_loop3A_677 = arith.constant 104 : i32
      %parallel_loop3A_678 = arith.constant 1 : i32
      scf.for %parallel_loop3A_1051 = %parallel_loop3A_676 to %parallel_loop3A_677 step %parallel_loop3A_678  : i32 {
        %parallel_loop3A_1052 = arith.constant 0 : i32
        %parallel_loop3A_1053 = arith.addi %parallel_loop3A_1052, %parallel_loop3A_1051 : i32
        %parallel_loop3A_1054 = arith.index_cast %parallel_loop3A_1053 : i32 to index
        %parallel_loop3A_1055 = arith.constant 0 : index
        %parallel_loop3A_1056 = tpu.vector_load %arg7[%parallel_loop3A_1054, %parallel_loop3A_1055] {strides = array<i32>} : memref<200x64xf32, #tpu.memory_space<vmem>>, vector<1x16xf32>,
        %parallel_loop3A_1057 = vector.shape_cast %parallel_loop3A_1056 : vector<1x16xf32> to vector<16xf32>
        %parallel_loop3A_1058 = arith.index_cast %parallel_loop3A_1051 : i32 to index
        %parallel_loop3A_1059 = arith.constant 0 : index
        %parallel_loop3A_1060 = tpu.vector_load %arg12[%parallel_loop3A_1058, %parallel_loop3A_1059] {strides = array<i32>} : memref<104x64xf32, #tpu.memory_space<vmem>>, vector<1x16xf32>,
        %parallel_loop3A_1061 = vector.shape_cast %parallel_loop3A_1060 : vector<1x16xf32> to vector<16xf32>
        %parallel_loop3A_1062 = vector.shape_cast %parallel_loop3A_1057 : vector<16xf32> to vector<1x16xf32>
        tpu.vector_store %arg12[%parallel_loop3A_1058, %parallel_loop3A_1059], %parallel_loop3A_1062 {add = true, strides = array<i32>} : memref<104x64xf32, #tpu.memory_space<vmem>>, vector<1x16xf32>,
        %parallel_loop3A_1063 = arith.constant 0 : i32
        %parallel_loop3A_1064 = arith.addi %parallel_loop3A_1063, %parallel_loop3A_1051 : i32
        %parallel_loop3A_1065 = arith.index_cast %parallel_loop3A_1064 : i32 to index
        %parallel_loop3A_1066 = arith.constant 16 : index
        %parallel_loop3A_1067 = tpu.vector_load %arg7[%parallel_loop3A_1065, %parallel_loop3A_1066] {strides = array<i32>} : memref<200x64xf32, #tpu.memory_space<vmem>>, vector<1x16xf32>,
        %parallel_loop3A_1068 = vector.shape_cast %parallel_loop3A_1067 : vector<1x16xf32> to vector<16xf32>
        %parallel_loop3A_1069 = arith.index_cast %parallel_loop3A_1051 : i32 to index
        %parallel_loop3A_1070 = arith.constant 16 : index
        %parallel_loop3A_1071 = tpu.vector_load %arg12[%parallel_loop3A_1069, %parallel_loop3A_1070] {strides = array<i32>} : memref<104x64xf32, #tpu.memory_space<vmem>>, vector<1x16xf32>,
        %parallel_loop3A_1072 = vector.shape_cast %parallel_loop3A_1071 : vector<1x16xf32> to vector<16xf32>
        %parallel_loop3A_1073 = vector.shape_cast %parallel_loop3A_1068 : vector<16xf32> to vector<1x16xf32>
        tpu.vector_store %arg12[%parallel_loop3A_1069, %parallel_loop3A_1070], %parallel_loop3A_1073 {add = true, strides = array<i32>} : memref<104x64xf32, #tpu.memory_space<vmem>>, vector<1x16xf32>,
        %parallel_loop3A_1074 = arith.constant 0 : i32
        %parallel_loop3A_1075 = arith.addi %parallel_loop3A_1074, %parallel_loop3A_1051 : i32
        %parallel_loop3A_1076 = arith.index_cast %parallel_loop3A_1075 : i32 to index
        %parallel_loop3A_1077 = arith.constant 32 : index
        %parallel_loop3A_1078 = tpu.vector_load %arg7[%parallel_loop3A_1076, %parallel_loop3A_1077] {strides = array<i32>} : memref<200x64xf32, #tpu.memory_space<vmem>>, vector<1x16xf32>,
        %parallel_loop3A_1079 = vector.shape_cast %parallel_loop3A_1078 : vector<1x16xf32> to vector<16xf32>
        %parallel_loop3A_1080 = arith.index_cast %parallel_loop3A_1051 : i32 to index
        %parallel_loop3A_1081 = arith.constant 32 : index
        %parallel_loop3A_1082 = tpu.vector_load %arg12[%parallel_loop3A_1080, %parallel_loop3A_1081] {strides = array<i32>} : memref<104x64xf32, #tpu.memory_space<vmem>>, vector<1x16xf32>,
        %parallel_loop3A_1083 = vector.shape_cast %parallel_loop3A_1082 : vector<1x16xf32> to vector<16xf32>
        %parallel_loop3A_1084 = vector.shape_cast %parallel_loop3A_1079 : vector<16xf32> to vector<1x16xf32>
        tpu.vector_store %arg12[%parallel_loop3A_1080, %parallel_loop3A_1081], %parallel_loop3A_1084 {add = true, strides = array<i32>} : memref<104x64xf32, #tpu.memory_space<vmem>>, vector<1x16xf32>,
        %parallel_loop3A_1085 = arith.constant 0 : i32
        %parallel_loop3A_1086 = arith.addi %parallel_loop3A_1085, %parallel_loop3A_1051 : i32
        %parallel_loop3A_1087 = arith.index_cast %parallel_loop3A_1086 : i32 to index
        %parallel_loop3A_1088 = arith.constant 48 : index
        %parallel_loop3A_1089 = tpu.vector_load %arg7[%parallel_loop3A_1087, %parallel_loop3A_1088] {strides = array<i32>} : memref<200x64xf32, #tpu.memory_space<vmem>>, vector<1x16xf32>,
        %parallel_loop3A_1090 = vector.shape_cast %parallel_loop3A_1089 : vector<1x16xf32> to vector<16xf32>
        %parallel_loop3A_1091 = arith.index_cast %parallel_loop3A_1051 : i32 to index
        %parallel_loop3A_1092 = arith.constant 48 : index
        %parallel_loop3A_1093 = tpu.vector_load %arg12[%parallel_loop3A_1091, %parallel_loop3A_1092] {strides = array<i32>} : memref<104x64xf32, #tpu.memory_space<vmem>>, vector<1x16xf32>,
        %parallel_loop3A_1094 = vector.shape_cast %parallel_loop3A_1093 : vector<1x16xf32> to vector<16xf32>
        %parallel_loop3A_1095 = vector.shape_cast %parallel_loop3A_1090 : vector<16xf32> to vector<1x16xf32>
        tpu.vector_store %arg12[%parallel_loop3A_1091, %parallel_loop3A_1092], %parallel_loop3A_1095 {add = true, strides = array<i32>} : memref<104x64xf32, #tpu.memory_space<vmem>>, vector<1x16xf32>,
      } {sc.loop_unroll_factor = 4 : i64, sc.parallel_access}
      %add3A_679 = arith.addi %mul3A_2, %add3A_600 : i32
      %dma_start3A_680 = arith.constant 0 : i32
      %dma_start3A_681 = arith.constant 0 : i32
      %dma_start3A_682 = tpu.memref_slice %arg12[%dma_start3A_680, %dma_start3A_681] : memref<104x64xf32, #tpu.memory_space<vmem>> -> memref<104x64xf32, #tpu.memory_space<vmem>>
      %dma_start3A_683 = arith.constant 0 : i32
      %dma_start3A_684 = arith.constant 0 : i32
      %dma_start3A_685 = tpu.memref_slice %arg5[%add3A_679, %dma_start3A_683, %dma_start3A_684] : memref<4096x200x128xf32, #tpu.memory_space<hbm>> -> memref<1x104x64xf32, #tpu.memory_space<hbm>>
      %dma_start3A_686 = tpu.memref_squeeze %dma_start3A_685 : memref<1x104x64xf32, #tpu.memory_space<hbm>> -> memref<104x64xf32, #tpu.memory_space<hbm>>
      %dma_start3A_687 = arith.constant 0 : i32
      %dma_start3A_688 = arith.constant 0 : i32
      %dma_start3A_689 = tpu.memref_slice %arg5[%add3A_679, %dma_start3A_687, %dma_start3A_688] : memref<4096x200x128xf32, #tpu.memory_space<hbm>> -> memref<1x104x64xf32, #tpu.memory_space<hbm>>
      %dma_start3A_690 = tpu.memref_squeeze %dma_start3A_689 : memref<1x104x64xf32, #tpu.memory_space<hbm>> -> memref<104x64xf32, #tpu.memory_space<hbm>>
      %dma_start3A_691 = arith.constant 0 : i32
      %dma_start3A_692 = arith.constant 0 : i32
      %dma_start3A_693 = tpu.memref_slice %arg12[%dma_start3A_691, %dma_start3A_692] : memref<104x64xf32, #tpu.memory_space<vmem>> -> memref<104x64xf32, #tpu.memory_space<vmem>>
      tpu.enqueue_dma source(%dma_start3A_693 : memref<104x64xf32, #tpu.memory_space<vmem>>) target(%dma_start3A_690 : memref<104x64xf32, #tpu.memory_space<hbm>>) target_semaphore(%arg28 : memref<!tpu.dma_semaphore, #tpu.memory_space<semaphore_mem>>)
      %jit3A_694 = arith.constant 2 : i32
      %div3A_695 = arith.divsi %mul3A_111, %jit3A_694 : i32
      %sign3A_696 = arith.constant 0 : i32
      %sign3A_697 = arith.cmpi sgt, %mul3A_111, %sign3A_696 : i32
      %sign3A_698 = arith.extui %sign3A_697 : i1 to i32
      %sign3A_699 = arith.constant 0 : i32
      %sign3A_700 = arith.cmpi slt, %mul3A_111, %sign3A_699 : i32
      %sign3A_701 = arith.extui %sign3A_700 : i1 to i32
      %sign3A_702 = arith.subi %sign3A_698, %sign3A_701 : i32
      %sign3A_703 = arith.constant 0 : i32
      %sign3A_704 = arith.cmpi sgt, %jit3A_694, %sign3A_703 : i32
      %sign3A_705 = arith.extui %sign3A_704 : i1 to i32
      %sign3A_706 = arith.constant 0 : i32
      %sign3A_707 = arith.cmpi slt, %jit3A_694, %sign3A_706 : i32
      %sign3A_708 = arith.extui %sign3A_707 : i1 to i32
      %sign3A_709 = arith.subi %sign3A_705, %sign3A_708 : i32
      %ne3A_710 = arith.cmpi ne, %sign3A_702, %sign3A_709 : i32
      %rem3A_711 = arith.remsi %mul3A_111, %jit3A_694 : i32
      %ne3A_712 = arith.constant 0 : i32
      %ne3A_713 = arith.cmpi ne, %rem3A_711, %ne3A_712 : i32
      %and3A_714 = arith.andi %ne3A_710, %ne3A_713 : i1
      %sub3A_715 = arith.constant 1 : i32
      %sub3A_716 = arith.subi %div3A_695, %sub3A_715 : i32
      %select_n3A_717 = arith.select %and3A_714, %sub3A_716, %div3A_695 : i32
      %add3A_718 = arith.constant 2 : i32
      %add3A_719 = arith.addi %select_n3A_717, %add3A_718 : i32
      %add3A_720 = arith.constant 5 : i32
      %add3A_721 = arith.addi %mul3A_111, %add3A_720 : i32
      %sub3A_722 = arith.constant 4 : i32
      %sub3A_723 = arith.subi %add3A_721, %sub3A_722 : i32
      %add3A_724 = arith.constant 5 : i32
      %add3A_725 = arith.addi %mul3A_111, %add3A_724 : i32
      %add3A_726 = arith.constant 4 : i32
      %add3A_727 = arith.addi %add3A_725, %add3A_726 : i32
      %jit3A_728 = arith.constant 2 : i32
      %div3A_729 = arith.divsi %sub3A_723, %jit3A_728 : i32
      %sign3A_730 = arith.constant 0 : i32
      %sign3A_731 = arith.cmpi sgt, %sub3A_723, %sign3A_730 : i32
      %sign3A_732 = arith.extui %sign3A_731 : i1 to i32
      %sign3A_733 = arith.constant 0 : i32
      %sign3A_734 = arith.cmpi slt, %sub3A_723, %sign3A_733 : i32
      %sign3A_735 = arith.extui %sign3A_734 : i1 to i32
      %sign3A_736 = arith.subi %sign3A_732, %sign3A_735 : i32
      %sign3A_737 = arith.constant 0 : i32
      %sign3A_738 = arith.cmpi sgt, %jit3A_728, %sign3A_737 : i32
      %sign3A_739 = arith.extui %sign3A_738 : i1 to i32
      %sign3A_740 = arith.constant 0 : i32
      %sign3A_741 = arith.cmpi slt, %jit3A_728, %sign3A_740 : i32
      %sign3A_742 = arith.extui %sign3A_741 : i1 to i32
      %sign3A_743 = arith.subi %sign3A_739, %sign3A_742 : i32
      %ne3A_744 = arith.cmpi ne, %sign3A_736, %sign3A_743 : i32
      %rem3A_745 = arith.remsi %sub3A_723, %jit3A_728 : i32
      %ne3A_746 = arith.constant 0 : i32
      %ne3A_747 = arith.cmpi ne, %rem3A_745, %ne3A_746 : i32
      %and3A_748 = arith.andi %ne3A_744, %ne3A_747 : i1
      %sub3A_749 = arith.constant 1 : i32
      %sub3A_750 = arith.subi %div3A_729, %sub3A_749 : i32
      %select_n3A_751 = arith.select %and3A_748, %sub3A_750, %div3A_729 : i32
      %jit3A_752 = arith.constant 2 : i32
      %div3A_753 = arith.divsi %add3A_727, %jit3A_752 : i32
      %sign3A_754 = arith.constant 0 : i32
      %sign3A_755 = arith.cmpi sgt, %add3A_727, %sign3A_754 : i32
      %sign3A_756 = arith.extui %sign3A_755 : i1 to i32
      %sign3A_757 = arith.constant 0 : i32
      %sign3A_758 = arith.cmpi slt, %add3A_727, %sign3A_757 : i32
      %sign3A_759 = arith.extui %sign3A_758 : i1 to i32
      %sign3A_760 = arith.subi %sign3A_756, %sign3A_759 : i32
      %sign3A_761 = arith.constant 0 : i32
      %sign3A_762 = arith.cmpi sgt, %jit3A_752, %sign3A_761 : i32
      %sign3A_763 = arith.extui %sign3A_762 : i1 to i32
      %sign3A_764 = arith.constant 0 : i32
      %sign3A_765 = arith.cmpi slt, %jit3A_752, %sign3A_764 : i32
      %sign3A_766 = arith.extui %sign3A_765 : i1 to i32
      %sign3A_767 = arith.subi %sign3A_763, %sign3A_766 : i32
      %ne3A_768 = arith.cmpi ne, %sign3A_760, %sign3A_767 : i32
      %rem3A_769 = arith.remsi %add3A_727, %jit3A_752 : i32
      %ne3A_770 = arith.constant 0 : i32
      %ne3A_771 = arith.cmpi ne, %rem3A_769, %ne3A_770 : i32
      %and3A_772 = arith.andi %ne3A_768, %ne3A_771 : i1
      %sub3A_773 = arith.constant 1 : i32
      %sub3A_774 = arith.subi %div3A_753, %sub3A_773 : i32
      %select_n3A_775 = arith.select %and3A_772, %sub3A_774, %div3A_753 : i32
      %ge3A_776 = arith.constant 0 : i32
      %ge3A_777 = arith.cmpi sge, %sub3A_723, %ge3A_776 : i32
      %convert_element_type3A_778 = arith.extui %ge3A_777 : i1 to i32
      %cond3A_779 = arith.constant 0 : i32
      %cond3A_780 = arith.cmpi ne, %convert_element_type3A_778, %cond3A_779 : i32
      scf.if %cond3A_780 {
        %add3A_1051 = arith.addi %mul3A_2, %select_n3A_751 : i32
        %dma_wait3A_1052 = arith.constant 0 : i32
        %dma_wait3A_1053 = arith.constant 0 : i32
        %dma_wait3A_1054 = tpu.memref_slice %arg9[%dma_wait3A_1052, %dma_wait3A_1053] : memref<104x64xf32, #tpu.memory_space<vmem>> -> memref<96x64xf32, #tpu.memory_space<vmem>>
        %dma_wait3A_1055 = arith.constant 104 : i32
        %dma_wait3A_1056 = arith.constant 0 : i32
        %dma_wait3A_1057 = tpu.memref_slice %arg5[%add3A_1051, %dma_wait3A_1055, %dma_wait3A_1056] : memref<4096x200x128xf32, #tpu.memory_space<hbm>> -> memref<1x96x64xf32, #tpu.memory_space<hbm>>
        %dma_wait3A_1058 = tpu.memref_squeeze %dma_wait3A_1057 : memref<1x96x64xf32, #tpu.memory_space<hbm>> -> memref<96x64xf32, #tpu.memory_space<hbm>>
        %dma_wait3A_1059 = arith.constant 104 : i32
        %dma_wait3A_1060 = arith.constant 0 : i32
        %dma_wait3A_1061 = tpu.memref_slice %arg5[%add3A_1051, %dma_wait3A_1059, %dma_wait3A_1060] : memref<4096x200x128xf32, #tpu.memory_space<hbm>> -> memref<1x96x64xf32, #tpu.memory_space<hbm>>
        %dma_wait3A_1062 = tpu.memref_squeeze %dma_wait3A_1061 : memref<1x96x64xf32, #tpu.memory_space<hbm>> -> memref<96x64xf32, #tpu.memory_space<hbm>>
        %dma_wait3A_1063 = arith.constant 0 : i32
        %dma_wait3A_1064 = arith.constant 0 : i32
        %dma_wait3A_1065 = tpu.memref_slice %arg9[%dma_wait3A_1063, %dma_wait3A_1064] : memref<104x64xf32, #tpu.memory_space<vmem>> -> memref<96x64xf32, #tpu.memory_space<vmem>>
        tpu.wait_dma2 semaphore(%arg25 : memref<!tpu.dma_semaphore, #tpu.memory_space<semaphore_mem>>) src(%dma_wait3A_1065 : memref<96x64xf32, #tpu.memory_space<vmem>>) dst(%dma_wait3A_1062 : memref<96x64xf32, #tpu.memory_space<hbm>>)
      } else {
      }
      %lt3A_781 = arith.constant 256 : i32
      %lt3A_782 = arith.cmpi slt, %add3A_727, %lt3A_781 : i32
      %convert_element_type3A_783 = arith.extui %lt3A_782 : i1 to i32
      %cond3A_784 = arith.constant 0 : i32
      %cond3A_785 = arith.cmpi ne, %convert_element_type3A_783, %cond3A_784 : i32
      scf.if %cond3A_785 {
        %dma_start3A_1051 = arith.constant 0 : i32
        %dma_start3A_1052 = arith.constant 0 : i32
        %dma_start3A_1053 = tpu.memref_slice %arg9[%dma_start3A_1051, %dma_start3A_1052] : memref<104x64xf32, #tpu.memory_space<vmem>> -> memref<96x64xf32, #tpu.memory_space<vmem>>
        %dma_start3A_1054 = arith.constant 104 : i32
        %dma_start3A_1055 = tpu.memref_slice %arg6[%select_n3A_775, %dma_start3A_1054] : memref<128x200xi32, #tpu.memory_space<vmem>> -> memref<1x96xi32, #tpu.memory_space<vmem>>
        %dma_start3A_1056 = tpu.memref_squeeze %dma_start3A_1055 : memref<1x96xi32, #tpu.memory_space<vmem>> -> memref<96xi32, #tpu.memory_space<vmem>>
        %dma_start3A_1057 = arith.constant 0 : i32
        %dma_start3A_1058 = arith.constant 0 : i32
        %dma_start3A_1059 = tpu.memref_slice %arg3[%dma_start3A_1057, %dma_start3A_1058] : memref<100000x64xf32, #tpu.memory_space<hbm>> -> memref<100000x64xf32, #tpu.memory_space<hbm>>
        tpu.enqueue_indirect_dma source(%dma_start3A_1059 : memref<100000x64xf32, #tpu.memory_space<hbm>>) target(%dma_start3A_1053 : memref<96x64xf32, #tpu.memory_space<vmem>>) offsets(%dma_start3A_1056 : memref<96xi32, #tpu.memory_space<vmem>>) semaphore(%arg17 : memref<!tpu.dma_semaphore, #tpu.memory_space<semaphore_mem>>)
      } else {
      }
      %dma_wait3A_786 = arith.constant 0 : i32
      %dma_wait3A_787 = arith.constant 0 : i32
      %dma_wait3A_788 = tpu.memref_slice %arg13[%dma_wait3A_786, %dma_wait3A_787] : memref<104x64xf32, #tpu.memory_space<vmem>> -> memref<96x64xf32, #tpu.memory_space<vmem>>
      %dma_wait3A_789 = arith.constant 104 : i32
      %dma_wait3A_790 = tpu.memref_slice %arg6[%add3A_719, %dma_wait3A_789] : memref<128x200xi32, #tpu.memory_space<vmem>> -> memref<1x96xi32, #tpu.memory_space<vmem>>
      %dma_wait3A_791 = tpu.memref_squeeze %dma_wait3A_790 : memref<1x96xi32, #tpu.memory_space<vmem>> -> memref<96xi32, #tpu.memory_space<vmem>>
      %dma_wait3A_792 = arith.constant 0 : i32
      %dma_wait3A_793 = arith.constant 0 : i32
      %dma_wait3A_794 = tpu.memref_slice %arg3[%dma_wait3A_792, %dma_wait3A_793] : memref<100000x64xf32, #tpu.memory_space<hbm>> -> memref<100000x64xf32, #tpu.memory_space<hbm>>
      tpu.wait_indirect_dma semaphore(%arg21 : memref<!tpu.dma_semaphore, #tpu.memory_space<semaphore_mem>>) src(%dma_wait3A_794 : memref<100000x64xf32, #tpu.memory_space<hbm>>) dst(%dma_wait3A_788 : memref<96x64xf32, #tpu.memory_space<vmem>>)
      %parallel_loop3A_795 = arith.constant 0 : i32
      %parallel_loop3A_796 = arith.constant 96 : i32
      %parallel_loop3A_797 = arith.constant 1 : i32
      scf.for %parallel_loop3A_1051 = %parallel_loop3A_795 to %parallel_loop3A_796 step %parallel_loop3A_797  : i32 {
        %parallel_loop3A_1052 = arith.constant 104 : i32
        %parallel_loop3A_1053 = arith.addi %parallel_loop3A_1052, %parallel_loop3A_1051 : i32
        %parallel_loop3A_1054 = arith.index_cast %parallel_loop3A_1053 : i32 to index
        %parallel_loop3A_1055 = arith.constant 0 : index
        %parallel_loop3A_1056 = tpu.vector_load %arg7[%parallel_loop3A_1054, %parallel_loop3A_1055] {strides = array<i32>} : memref<200x64xf32, #tpu.memory_space<vmem>>, vector<1x16xf32>,
        %parallel_loop3A_1057 = vector.shape_cast %parallel_loop3A_1056 : vector<1x16xf32> to vector<16xf32>
        %parallel_loop3A_1058 = arith.index_cast %parallel_loop3A_1051 : i32 to index
        %parallel_loop3A_1059 = arith.constant 0 : index
        %parallel_loop3A_1060 = tpu.vector_load %arg13[%parallel_loop3A_1058, %parallel_loop3A_1059] {strides = array<i32>} : memref<104x64xf32, #tpu.memory_space<vmem>>, vector<1x16xf32>,
        %parallel_loop3A_1061 = vector.shape_cast %parallel_loop3A_1060 : vector<1x16xf32> to vector<16xf32>
        %parallel_loop3A_1062 = vector.shape_cast %parallel_loop3A_1057 : vector<16xf32> to vector<1x16xf32>
        tpu.vector_store %arg13[%parallel_loop3A_1058, %parallel_loop3A_1059], %parallel_loop3A_1062 {add = true, strides = array<i32>} : memref<104x64xf32, #tpu.memory_space<vmem>>, vector<1x16xf32>,
        %parallel_loop3A_1063 = arith.constant 104 : i32
        %parallel_loop3A_1064 = arith.addi %parallel_loop3A_1063, %parallel_loop3A_1051 : i32
        %parallel_loop3A_1065 = arith.index_cast %parallel_loop3A_1064 : i32 to index
        %parallel_loop3A_1066 = arith.constant 16 : index
        %parallel_loop3A_1067 = tpu.vector_load %arg7[%parallel_loop3A_1065, %parallel_loop3A_1066] {strides = array<i32>} : memref<200x64xf32, #tpu.memory_space<vmem>>, vector<1x16xf32>,
        %parallel_loop3A_1068 = vector.shape_cast %parallel_loop3A_1067 : vector<1x16xf32> to vector<16xf32>
        %parallel_loop3A_1069 = arith.index_cast %parallel_loop3A_1051 : i32 to index
        %parallel_loop3A_1070 = arith.constant 16 : index
        %parallel_loop3A_1071 = tpu.vector_load %arg13[%parallel_loop3A_1069, %parallel_loop3A_1070] {strides = array<i32>} : memref<104x64xf32, #tpu.memory_space<vmem>>, vector<1x16xf32>,
        %parallel_loop3A_1072 = vector.shape_cast %parallel_loop3A_1071 : vector<1x16xf32> to vector<16xf32>
        %parallel_loop3A_1073 = vector.shape_cast %parallel_loop3A_1068 : vector<16xf32> to vector<1x16xf32>
        tpu.vector_store %arg13[%parallel_loop3A_1069, %parallel_loop3A_1070], %parallel_loop3A_1073 {add = true, strides = array<i32>} : memref<104x64xf32, #tpu.memory_space<vmem>>, vector<1x16xf32>,
        %parallel_loop3A_1074 = arith.constant 104 : i32
        %parallel_loop3A_1075 = arith.addi %parallel_loop3A_1074, %parallel_loop3A_1051 : i32
        %parallel_loop3A_1076 = arith.index_cast %parallel_loop3A_1075 : i32 to index
        %parallel_loop3A_1077 = arith.constant 32 : index
        %parallel_loop3A_1078 = tpu.vector_load %arg7[%parallel_loop3A_1076, %parallel_loop3A_1077] {strides = array<i32>} : memref<200x64xf32, #tpu.memory_space<vmem>>, vector<1x16xf32>,
        %parallel_loop3A_1079 = vector.shape_cast %parallel_loop3A_1078 : vector<1x16xf32> to vector<16xf32>
        %parallel_loop3A_1080 = arith.index_cast %parallel_loop3A_1051 : i32 to index
        %parallel_loop3A_1081 = arith.constant 32 : index
        %parallel_loop3A_1082 = tpu.vector_load %arg13[%parallel_loop3A_1080, %parallel_loop3A_1081] {strides = array<i32>} : memref<104x64xf32, #tpu.memory_space<vmem>>, vector<1x16xf32>,
        %parallel_loop3A_1083 = vector.shape_cast %parallel_loop3A_1082 : vector<1x16xf32> to vector<16xf32>
        %parallel_loop3A_1084 = vector.shape_cast %parallel_loop3A_1079 : vector<16xf32> to vector<1x16xf32>
        tpu.vector_store %arg13[%parallel_loop3A_1080, %parallel_loop3A_1081], %parallel_loop3A_1084 {add = true, strides = array<i32>} : memref<104x64xf32, #tpu.memory_space<vmem>>, vector<1x16xf32>,
        %parallel_loop3A_1085 = arith.constant 104 : i32
        %parallel_loop3A_1086 = arith.addi %parallel_loop3A_1085, %parallel_loop3A_1051 : i32
        %parallel_loop3A_1087 = arith.index_cast %parallel_loop3A_1086 : i32 to index
        %parallel_loop3A_1088 = arith.constant 48 : index
        %parallel_loop3A_1089 = tpu.vector_load %arg7[%parallel_loop3A_1087, %parallel_loop3A_1088] {strides = array<i32>} : memref<200x64xf32, #tpu.memory_space<vmem>>, vector<1x16xf32>,
        %parallel_loop3A_1090 = vector.shape_cast %parallel_loop3A_1089 : vector<1x16xf32> to vector<16xf32>
        %parallel_loop3A_1091 = arith.index_cast %parallel_loop3A_1051 : i32 to index
        %parallel_loop3A_1092 = arith.constant 48 : index
        %parallel_loop3A_1093 = tpu.vector_load %arg13[%parallel_loop3A_1091, %parallel_loop3A_1092] {strides = array<i32>} : memref<104x64xf32, #tpu.memory_space<vmem>>, vector<1x16xf32>,
        %parallel_loop3A_1094 = vector.shape_cast %parallel_loop3A_1093 : vector<1x16xf32> to vector<16xf32>
        %parallel_loop3A_1095 = vector.shape_cast %parallel_loop3A_1090 : vector<16xf32> to vector<1x16xf32>
        tpu.vector_store %arg13[%parallel_loop3A_1091, %parallel_loop3A_1092], %parallel_loop3A_1095 {add = true, strides = array<i32>} : memref<104x64xf32, #tpu.memory_space<vmem>>, vector<1x16xf32>,
      } {sc.loop_unroll_factor = 4 : i64, sc.parallel_access}
      %add3A_798 = arith.addi %mul3A_2, %add3A_719 : i32
      %dma_start3A_799 = arith.constant 0 : i32
      %dma_start3A_800 = arith.constant 0 : i32
      %dma_start3A_801 = tpu.memref_slice %arg13[%dma_start3A_799, %dma_start3A_800] : memref<104x64xf32, #tpu.memory_space<vmem>> -> memref<96x64xf32, #tpu.memory_space<vmem>>
      %dma_start3A_802 = arith.constant 104 : i32
      %dma_start3A_803 = arith.constant 0 : i32
      %dma_start3A_804 = tpu.memref_slice %arg5[%add3A_798, %dma_start3A_802, %dma_start3A_803] : memref<4096x200x128xf32, #tpu.memory_space<hbm>> -> memref<1x96x64xf32, #tpu.memory_space<hbm>>
      %dma_start3A_805 = tpu.memref_squeeze %dma_start3A_804 : memref<1x96x64xf32, #tpu.memory_space<hbm>> -> memref<96x64xf32, #tpu.memory_space<hbm>>
      %dma_start3A_806 = arith.constant 104 : i32
      %dma_start3A_807 = arith.constant 0 : i32
      %dma_start3A_808 = tpu.memref_slice %arg5[%add3A_798, %dma_start3A_806, %dma_start3A_807] : memref<4096x200x128xf32, #tpu.memory_space<hbm>> -> memref<1x96x64xf32, #tpu.memory_space<hbm>>
      %dma_start3A_809 = tpu.memref_squeeze %dma_start3A_808 : memref<1x96x64xf32, #tpu.memory_space<hbm>> -> memref<96x64xf32, #tpu.memory_space<hbm>>
      %dma_start3A_810 = arith.constant 0 : i32
      %dma_start3A_811 = arith.constant 0 : i32
      %dma_start3A_812 = tpu.memref_slice %arg13[%dma_start3A_810, %dma_start3A_811] : memref<104x64xf32, #tpu.memory_space<vmem>> -> memref<96x64xf32, #tpu.memory_space<vmem>>
      tpu.enqueue_dma source(%dma_start3A_812 : memref<96x64xf32, #tpu.memory_space<vmem>>) target(%dma_start3A_809 : memref<96x64xf32, #tpu.memory_space<hbm>>) target_semaphore(%arg29 : memref<!tpu.dma_semaphore, #tpu.memory_space<semaphore_mem>>)
      %jit3A_813 = arith.constant 2 : i32
      %div3A_814 = arith.divsi %mul3A_111, %jit3A_813 : i32
      %sign3A_815 = arith.constant 0 : i32
      %sign3A_816 = arith.cmpi sgt, %mul3A_111, %sign3A_815 : i32
      %sign3A_817 = arith.extui %sign3A_816 : i1 to i32
      %sign3A_818 = arith.constant 0 : i32
      %sign3A_819 = arith.cmpi slt, %mul3A_111, %sign3A_818 : i32
      %sign3A_820 = arith.extui %sign3A_819 : i1 to i32
      %sign3A_821 = arith.subi %sign3A_817, %sign3A_820 : i32
      %sign3A_822 = arith.constant 0 : i32
      %sign3A_823 = arith.cmpi sgt, %jit3A_813, %sign3A_822 : i32
      %sign3A_824 = arith.extui %sign3A_823 : i1 to i32
      %sign3A_825 = arith.constant 0 : i32
      %sign3A_826 = arith.cmpi slt, %jit3A_813, %sign3A_825 : i32
      %sign3A_827 = arith.extui %sign3A_826 : i1 to i32
      %sign3A_828 = arith.subi %sign3A_824, %sign3A_827 : i32
      %ne3A_829 = arith.cmpi ne, %sign3A_821, %sign3A_828 : i32
      %rem3A_830 = arith.remsi %mul3A_111, %jit3A_813 : i32
      %ne3A_831 = arith.constant 0 : i32
      %ne3A_832 = arith.cmpi ne, %rem3A_830, %ne3A_831 : i32
      %and3A_833 = arith.andi %ne3A_829, %ne3A_832 : i1
      %sub3A_834 = arith.constant 1 : i32
      %sub3A_835 = arith.subi %div3A_814, %sub3A_834 : i32
      %select_n3A_836 = arith.select %and3A_833, %sub3A_835, %div3A_814 : i32
      %add3A_837 = arith.constant 3 : i32
      %add3A_838 = arith.addi %select_n3A_836, %add3A_837 : i32
      %add3A_839 = arith.constant 6 : i32
      %add3A_840 = arith.addi %mul3A_111, %add3A_839 : i32
      %sub3A_841 = arith.constant 4 : i32
      %sub3A_842 = arith.subi %add3A_840, %sub3A_841 : i32
      %add3A_843 = arith.constant 6 : i32
      %add3A_844 = arith.addi %mul3A_111, %add3A_843 : i32
      %add3A_845 = arith.constant 4 : i32
      %add3A_846 = arith.addi %add3A_844, %add3A_845 : i32
      %jit3A_847 = arith.constant 2 : i32
      %div3A_848 = arith.divsi %sub3A_842, %jit3A_847 : i32
      %sign3A_849 = arith.constant 0 : i32
      %sign3A_850 = arith.cmpi sgt, %sub3A_842, %sign3A_849 : i32
      %sign3A_851 = arith.extui %sign3A_850 : i1 to i32
      %sign3A_852 = arith.constant 0 : i32
      %sign3A_853 = arith.cmpi slt, %sub3A_842, %sign3A_852 : i32
      %sign3A_854 = arith.extui %sign3A_853 : i1 to i32
      %sign3A_855 = arith.subi %sign3A_851, %sign3A_854 : i32
      %sign3A_856 = arith.constant 0 : i32
      %sign3A_857 = arith.cmpi sgt, %jit3A_847, %sign3A_856 : i32
      %sign3A_858 = arith.extui %sign3A_857 : i1 to i32
      %sign3A_859 = arith.constant 0 : i32
      %sign3A_860 = arith.cmpi slt, %jit3A_847, %sign3A_859 : i32
      %sign3A_861 = arith.extui %sign3A_860 : i1 to i32
      %sign3A_862 = arith.subi %sign3A_858, %sign3A_861 : i32
      %ne3A_863 = arith.cmpi ne, %sign3A_855, %sign3A_862 : i32
      %rem3A_864 = arith.remsi %sub3A_842, %jit3A_847 : i32
      %ne3A_865 = arith.constant 0 : i32
      %ne3A_866 = arith.cmpi ne, %rem3A_864, %ne3A_865 : i32
      %and3A_867 = arith.andi %ne3A_863, %ne3A_866 : i1
      %sub3A_868 = arith.constant 1 : i32
      %sub3A_869 = arith.subi %div3A_848, %sub3A_868 : i32
      %select_n3A_870 = arith.select %and3A_867, %sub3A_869, %div3A_848 : i32
      %jit3A_871 = arith.constant 2 : i32
      %div3A_872 = arith.divsi %add3A_846, %jit3A_871 : i32
      %sign3A_873 = arith.constant 0 : i32
      %sign3A_874 = arith.cmpi sgt, %add3A_846, %sign3A_873 : i32
      %sign3A_875 = arith.extui %sign3A_874 : i1 to i32
      %sign3A_876 = arith.constant 0 : i32
      %sign3A_877 = arith.cmpi slt, %add3A_846, %sign3A_876 : i32
      %sign3A_878 = arith.extui %sign3A_877 : i1 to i32
      %sign3A_879 = arith.subi %sign3A_875, %sign3A_878 : i32
      %sign3A_880 = arith.constant 0 : i32
      %sign3A_881 = arith.cmpi sgt, %jit3A_871, %sign3A_880 : i32
      %sign3A_882 = arith.extui %sign3A_881 : i1 to i32
      %sign3A_883 = arith.constant 0 : i32
      %sign3A_884 = arith.cmpi slt, %jit3A_871, %sign3A_883 : i32
      %sign3A_885 = arith.extui %sign3A_884 : i1 to i32
      %sign3A_886 = arith.subi %sign3A_882, %sign3A_885 : i32
      %ne3A_887 = arith.cmpi ne, %sign3A_879, %sign3A_886 : i32
      %rem3A_888 = arith.remsi %add3A_846, %jit3A_871 : i32
      %ne3A_889 = arith.constant 0 : i32
      %ne3A_890 = arith.cmpi ne, %rem3A_888, %ne3A_889 : i32
      %and3A_891 = arith.andi %ne3A_887, %ne3A_890 : i1
      %sub3A_892 = arith.constant 1 : i32
      %sub3A_893 = arith.subi %div3A_872, %sub3A_892 : i32
      %select_n3A_894 = arith.select %and3A_891, %sub3A_893, %div3A_872 : i32
      %ge3A_895 = arith.constant 0 : i32
      %ge3A_896 = arith.cmpi sge, %sub3A_842, %ge3A_895 : i32
      %convert_element_type3A_897 = arith.extui %ge3A_896 : i1 to i32
      %cond3A_898 = arith.constant 0 : i32
      %cond3A_899 = arith.cmpi ne, %convert_element_type3A_897, %cond3A_898 : i32
      scf.if %cond3A_899 {
        %add3A_1051 = arith.addi %mul3A_2, %select_n3A_870 : i32
        %dma_wait3A_1052 = arith.constant 0 : i32
        %dma_wait3A_1053 = arith.constant 0 : i32
        %dma_wait3A_1054 = tpu.memref_slice %arg10[%dma_wait3A_1052, %dma_wait3A_1053] : memref<104x64xf32, #tpu.memory_space<vmem>> -> memref<104x64xf32, #tpu.memory_space<vmem>>
        %dma_wait3A_1055 = arith.constant 0 : i32
        %dma_wait3A_1056 = arith.constant 0 : i32
        %dma_wait3A_1057 = tpu.memref_slice %arg5[%add3A_1051, %dma_wait3A_1055, %dma_wait3A_1056] : memref<4096x200x128xf32, #tpu.memory_space<hbm>> -> memref<1x104x64xf32, #tpu.memory_space<hbm>>
        %dma_wait3A_1058 = tpu.memref_squeeze %dma_wait3A_1057 : memref<1x104x64xf32, #tpu.memory_space<hbm>> -> memref<104x64xf32, #tpu.memory_space<hbm>>
        %dma_wait3A_1059 = arith.constant 0 : i32
        %dma_wait3A_1060 = arith.constant 0 : i32
        %dma_wait3A_1061 = tpu.memref_slice %arg5[%add3A_1051, %dma_wait3A_1059, %dma_wait3A_1060] : memref<4096x200x128xf32, #tpu.memory_space<hbm>> -> memref<1x104x64xf32, #tpu.memory_space<hbm>>
        %dma_wait3A_1062 = tpu.memref_squeeze %dma_wait3A_1061 : memref<1x104x64xf32, #tpu.memory_space<hbm>> -> memref<104x64xf32, #tpu.memory_space<hbm>>
        %dma_wait3A_1063 = arith.constant 0 : i32
        %dma_wait3A_1064 = arith.constant 0 : i32
        %dma_wait3A_1065 = tpu.memref_slice %arg10[%dma_wait3A_1063, %dma_wait3A_1064] : memref<104x64xf32, #tpu.memory_space<vmem>> -> memref<104x64xf32, #tpu.memory_space<vmem>>
        tpu.wait_dma2 semaphore(%arg26 : memref<!tpu.dma_semaphore, #tpu.memory_space<semaphore_mem>>) src(%dma_wait3A_1065 : memref<104x64xf32, #tpu.memory_space<vmem>>) dst(%dma_wait3A_1062 : memref<104x64xf32, #tpu.memory_space<hbm>>)
      } else {
      }
      %lt3A_900 = arith.constant 256 : i32
      %lt3A_901 = arith.cmpi slt, %add3A_846, %lt3A_900 : i32
      %convert_element_type3A_902 = arith.extui %lt3A_901 : i1 to i32
      %cond3A_903 = arith.constant 0 : i32
      %cond3A_904 = arith.cmpi ne, %convert_element_type3A_902, %cond3A_903 : i32
      scf.if %cond3A_904 {
        %dma_start3A_1051 = arith.constant 0 : i32
        %dma_start3A_1052 = arith.constant 0 : i32
        %dma_start3A_1053 = tpu.memref_slice %arg10[%dma_start3A_1051, %dma_start3A_1052] : memref<104x64xf32, #tpu.memory_space<vmem>> -> memref<104x64xf32, #tpu.memory_space<vmem>>
        %dma_start3A_1054 = arith.constant 0 : i32
        %dma_start3A_1055 = tpu.memref_slice %arg6[%select_n3A_894, %dma_start3A_1054] : memref<128x200xi32, #tpu.memory_space<vmem>> -> memref<1x104xi32, #tpu.memory_space<vmem>>
        %dma_start3A_1056 = tpu.memref_squeeze %dma_start3A_1055 : memref<1x104xi32, #tpu.memory_space<vmem>> -> memref<104xi32, #tpu.memory_space<vmem>>
        %dma_start3A_1057 = arith.constant 0 : i32
        %dma_start3A_1058 = arith.constant 0 : i32
        %dma_start3A_1059 = tpu.memref_slice %arg3[%dma_start3A_1057, %dma_start3A_1058] : memref<100000x64xf32, #tpu.memory_space<hbm>> -> memref<100000x64xf32, #tpu.memory_space<hbm>>
        tpu.enqueue_indirect_dma source(%dma_start3A_1059 : memref<100000x64xf32, #tpu.memory_space<hbm>>) target(%dma_start3A_1053 : memref<104x64xf32, #tpu.memory_space<vmem>>) offsets(%dma_start3A_1056 : memref<104xi32, #tpu.memory_space<vmem>>) semaphore(%arg18 : memref<!tpu.dma_semaphore, #tpu.memory_space<semaphore_mem>>)
      } else {
      }
      %dma_wait3A_905 = arith.constant 0 : i32
      %dma_wait3A_906 = arith.constant 0 : i32
      %dma_wait3A_907 = tpu.memref_slice %arg14[%dma_wait3A_905, %dma_wait3A_906] : memref<104x64xf32, #tpu.memory_space<vmem>> -> memref<104x64xf32, #tpu.memory_space<vmem>>
      %dma_wait3A_908 = arith.constant 0 : i32
      %dma_wait3A_909 = tpu.memref_slice %arg6[%add3A_838, %dma_wait3A_908] : memref<128x200xi32, #tpu.memory_space<vmem>> -> memref<1x104xi32, #tpu.memory_space<vmem>>
      %dma_wait3A_910 = tpu.memref_squeeze %dma_wait3A_909 : memref<1x104xi32, #tpu.memory_space<vmem>> -> memref<104xi32, #tpu.memory_space<vmem>>
      %dma_wait3A_911 = arith.constant 0 : i32
      %dma_wait3A_912 = arith.constant 0 : i32
      %dma_wait3A_913 = tpu.memref_slice %arg3[%dma_wait3A_911, %dma_wait3A_912] : memref<100000x64xf32, #tpu.memory_space<hbm>> -> memref<100000x64xf32, #tpu.memory_space<hbm>>
      tpu.wait_indirect_dma semaphore(%arg22 : memref<!tpu.dma_semaphore, #tpu.memory_space<semaphore_mem>>) src(%dma_wait3A_913 : memref<100000x64xf32, #tpu.memory_space<hbm>>) dst(%dma_wait3A_907 : memref<104x64xf32, #tpu.memory_space<vmem>>)
      %parallel_loop3A_914 = arith.constant 0 : i32
      %parallel_loop3A_915 = arith.constant 104 : i32
      %parallel_loop3A_916 = arith.constant 1 : i32
      scf.for %parallel_loop3A_1051 = %parallel_loop3A_914 to %parallel_loop3A_915 step %parallel_loop3A_916  : i32 {
        %parallel_loop3A_1052 = arith.constant 0 : i32
        %parallel_loop3A_1053 = arith.addi %parallel_loop3A_1052, %parallel_loop3A_1051 : i32
        %parallel_loop3A_1054 = arith.index_cast %parallel_loop3A_1053 : i32 to index
        %parallel_loop3A_1055 = arith.constant 0 : index
        %parallel_loop3A_1056 = tpu.vector_load %arg7[%parallel_loop3A_1054, %parallel_loop3A_1055] {strides = array<i32>} : memref<200x64xf32, #tpu.memory_space<vmem>>, vector<1x16xf32>,
        %parallel_loop3A_1057 = vector.shape_cast %parallel_loop3A_1056 : vector<1x16xf32> to vector<16xf32>
        %parallel_loop3A_1058 = arith.index_cast %parallel_loop3A_1051 : i32 to index
        %parallel_loop3A_1059 = arith.constant 0 : index
        %parallel_loop3A_1060 = tpu.vector_load %arg14[%parallel_loop3A_1058, %parallel_loop3A_1059] {strides = array<i32>} : memref<104x64xf32, #tpu.memory_space<vmem>>, vector<1x16xf32>,
        %parallel_loop3A_1061 = vector.shape_cast %parallel_loop3A_1060 : vector<1x16xf32> to vector<16xf32>
        %parallel_loop3A_1062 = vector.shape_cast %parallel_loop3A_1057 : vector<16xf32> to vector<1x16xf32>
        tpu.vector_store %arg14[%parallel_loop3A_1058, %parallel_loop3A_1059], %parallel_loop3A_1062 {add = true, strides = array<i32>} : memref<104x64xf32, #tpu.memory_space<vmem>>, vector<1x16xf32>,
        %parallel_loop3A_1063 = arith.constant 0 : i32
        %parallel_loop3A_1064 = arith.addi %parallel_loop3A_1063, %parallel_loop3A_1051 : i32
        %parallel_loop3A_1065 = arith.index_cast %parallel_loop3A_1064 : i32 to index
        %parallel_loop3A_1066 = arith.constant 16 : index
        %parallel_loop3A_1067 = tpu.vector_load %arg7[%parallel_loop3A_1065, %parallel_loop3A_1066] {strides = array<i32>} : memref<200x64xf32, #tpu.memory_space<vmem>>, vector<1x16xf32>,
        %parallel_loop3A_1068 = vector.shape_cast %parallel_loop3A_1067 : vector<1x16xf32> to vector<16xf32>
        %parallel_loop3A_1069 = arith.index_cast %parallel_loop3A_1051 : i32 to index
        %parallel_loop3A_1070 = arith.constant 16 : index
        %parallel_loop3A_1071 = tpu.vector_load %arg14[%parallel_loop3A_1069, %parallel_loop3A_1070] {strides = array<i32>} : memref<104x64xf32, #tpu.memory_space<vmem>>, vector<1x16xf32>,
        %parallel_loop3A_1072 = vector.shape_cast %parallel_loop3A_1071 : vector<1x16xf32> to vector<16xf32>
        %parallel_loop3A_1073 = vector.shape_cast %parallel_loop3A_1068 : vector<16xf32> to vector<1x16xf32>
        tpu.vector_store %arg14[%parallel_loop3A_1069, %parallel_loop3A_1070], %parallel_loop3A_1073 {add = true, strides = array<i32>} : memref<104x64xf32, #tpu.memory_space<vmem>>, vector<1x16xf32>,
        %parallel_loop3A_1074 = arith.constant 0 : i32
        %parallel_loop3A_1075 = arith.addi %parallel_loop3A_1074, %parallel_loop3A_1051 : i32
        %parallel_loop3A_1076 = arith.index_cast %parallel_loop3A_1075 : i32 to index
        %parallel_loop3A_1077 = arith.constant 32 : index
        %parallel_loop3A_1078 = tpu.vector_load %arg7[%parallel_loop3A_1076, %parallel_loop3A_1077] {strides = array<i32>} : memref<200x64xf32, #tpu.memory_space<vmem>>, vector<1x16xf32>,
        %parallel_loop3A_1079 = vector.shape_cast %parallel_loop3A_1078 : vector<1x16xf32> to vector<16xf32>
        %parallel_loop3A_1080 = arith.index_cast %parallel_loop3A_1051 : i32 to index
        %parallel_loop3A_1081 = arith.constant 32 : index
        %parallel_loop3A_1082 = tpu.vector_load %arg14[%parallel_loop3A_1080, %parallel_loop3A_1081] {strides = array<i32>} : memref<104x64xf32, #tpu.memory_space<vmem>>, vector<1x16xf32>,
        %parallel_loop3A_1083 = vector.shape_cast %parallel_loop3A_1082 : vector<1x16xf32> to vector<16xf32>
        %parallel_loop3A_1084 = vector.shape_cast %parallel_loop3A_1079 : vector<16xf32> to vector<1x16xf32>
        tpu.vector_store %arg14[%parallel_loop3A_1080, %parallel_loop3A_1081], %parallel_loop3A_1084 {add = true, strides = array<i32>} : memref<104x64xf32, #tpu.memory_space<vmem>>, vector<1x16xf32>,
        %parallel_loop3A_1085 = arith.constant 0 : i32
        %parallel_loop3A_1086 = arith.addi %parallel_loop3A_1085, %parallel_loop3A_1051 : i32
        %parallel_loop3A_1087 = arith.index_cast %parallel_loop3A_1086 : i32 to index
        %parallel_loop3A_1088 = arith.constant 48 : index
        %parallel_loop3A_1089 = tpu.vector_load %arg7[%parallel_loop3A_1087, %parallel_loop3A_1088] {strides = array<i32>} : memref<200x64xf32, #tpu.memory_space<vmem>>, vector<1x16xf32>,
        %parallel_loop3A_1090 = vector.shape_cast %parallel_loop3A_1089 : vector<1x16xf32> to vector<16xf32>
        %parallel_loop3A_1091 = arith.index_cast %parallel_loop3A_1051 : i32 to index
        %parallel_loop3A_1092 = arith.constant 48 : index
        %parallel_loop3A_1093 = tpu.vector_load %arg14[%parallel_loop3A_1091, %parallel_loop3A_1092] {strides = array<i32>} : memref<104x64xf32, #tpu.memory_space<vmem>>, vector<1x16xf32>,
        %parallel_loop3A_1094 = vector.shape_cast %parallel_loop3A_1093 : vector<1x16xf32> to vector<16xf32>
        %parallel_loop3A_1095 = vector.shape_cast %parallel_loop3A_1090 : vector<16xf32> to vector<1x16xf32>
        tpu.vector_store %arg14[%parallel_loop3A_1091, %parallel_loop3A_1092], %parallel_loop3A_1095 {add = true, strides = array<i32>} : memref<104x64xf32, #tpu.memory_space<vmem>>, vector<1x16xf32>,
      } {sc.loop_unroll_factor = 4 : i64, sc.parallel_access}
      %add3A_917 = arith.addi %mul3A_2, %add3A_838 : i32
      %dma_start3A_918 = arith.constant 0 : i32
      %dma_start3A_919 = arith.constant 0 : i32
      %dma_start3A_920 = tpu.memref_slice %arg14[%dma_start3A_918, %dma_start3A_919] : memref<104x64xf32, #tpu.memory_space<vmem>> -> memref<104x64xf32, #tpu.memory_space<vmem>>
      %dma_start3A_921 = arith.constant 0 : i32
      %dma_start3A_922 = arith.constant 0 : i32
      %dma_start3A_923 = tpu.memref_slice %arg5[%add3A_917, %dma_start3A_921, %dma_start3A_922] : memref<4096x200x128xf32, #tpu.memory_space<hbm>> -> memref<1x104x64xf32, #tpu.memory_space<hbm>>
      %dma_start3A_924 = tpu.memref_squeeze %dma_start3A_923 : memref<1x104x64xf32, #tpu.memory_space<hbm>> -> memref<104x64xf32, #tpu.memory_space<hbm>>
      %dma_start3A_925 = arith.constant 0 : i32
      %dma_start3A_926 = arith.constant 0 : i32
      %dma_start3A_927 = tpu.memref_slice %arg5[%add3A_917, %dma_start3A_925, %dma_start3A_926] : memref<4096x200x128xf32, #tpu.memory_space<hbm>> -> memref<1x104x64xf32, #tpu.memory_space<hbm>>
      %dma_start3A_928 = tpu.memref_squeeze %dma_start3A_927 : memref<1x104x64xf32, #tpu.memory_space<hbm>> -> memref<104x64xf32, #tpu.memory_space<hbm>>
      %dma_start3A_929 = arith.constant 0 : i32
      %dma_start3A_930 = arith.constant 0 : i32
      %dma_start3A_931 = tpu.memref_slice %arg14[%dma_start3A_929, %dma_start3A_930] : memref<104x64xf32, #tpu.memory_space<vmem>> -> memref<104x64xf32, #tpu.memory_space<vmem>>
      tpu.enqueue_dma source(%dma_start3A_931 : memref<104x64xf32, #tpu.memory_space<vmem>>) target(%dma_start3A_928 : memref<104x64xf32, #tpu.memory_space<hbm>>) target_semaphore(%arg30 : memref<!tpu.dma_semaphore, #tpu.memory_space<semaphore_mem>>)
      %jit3A_932 = arith.constant 2 : i32
      %div3A_933 = arith.divsi %mul3A_111, %jit3A_932 : i32
      %sign3A_934 = arith.constant 0 : i32
      %sign3A_935 = arith.cmpi sgt, %mul3A_111, %sign3A_934 : i32
      %sign3A_936 = arith.extui %sign3A_935 : i1 to i32
      %sign3A_937 = arith.constant 0 : i32
      %sign3A_938 = arith.cmpi slt, %mul3A_111, %sign3A_937 : i32
      %sign3A_939 = arith.extui %sign3A_938 : i1 to i32
      %sign3A_940 = arith.subi %sign3A_936, %sign3A_939 : i32
      %sign3A_941 = arith.constant 0 : i32
      %sign3A_942 = arith.cmpi sgt, %jit3A_932, %sign3A_941 : i32
      %sign3A_943 = arith.extui %sign3A_942 : i1 to i32
      %sign3A_944 = arith.constant 0 : i32
      %sign3A_945 = arith.cmpi slt, %jit3A_932, %sign3A_944 : i32
      %sign3A_946 = arith.extui %sign3A_945 : i1 to i32
      %sign3A_947 = arith.subi %sign3A_943, %sign3A_946 : i32
      %ne3A_948 = arith.cmpi ne, %sign3A_940, %sign3A_947 : i32
      %rem3A_949 = arith.remsi %mul3A_111, %jit3A_932 : i32
      %ne3A_950 = arith.constant 0 : i32
      %ne3A_951 = arith.cmpi ne, %rem3A_949, %ne3A_950 : i32
      %and3A_952 = arith.andi %ne3A_948, %ne3A_951 : i1
      %sub3A_953 = arith.constant 1 : i32
      %sub3A_954 = arith.subi %div3A_933, %sub3A_953 : i32
      %select_n3A_955 = arith.select %and3A_952, %sub3A_954, %div3A_933 : i32
      %add3A_956 = arith.constant 3 : i32
      %add3A_957 = arith.addi %select_n3A_955, %add3A_956 : i32
      %add3A_958 = arith.constant 7 : i32
      %add3A_959 = arith.addi %mul3A_111, %add3A_958 : i32
      %sub3A_960 = arith.constant 4 : i32
      %sub3A_961 = arith.subi %add3A_959, %sub3A_960 : i32
      %add3A_962 = arith.constant 7 : i32
      %add3A_963 = arith.addi %mul3A_111, %add3A_962 : i32
      %add3A_964 = arith.constant 4 : i32
      %add3A_965 = arith.addi %add3A_963, %add3A_964 : i32
      %jit3A_966 = arith.constant 2 : i32
      %div3A_967 = arith.divsi %sub3A_961, %jit3A_966 : i32
      %sign3A_968 = arith.constant 0 : i32
      %sign3A_969 = arith.cmpi sgt, %sub3A_961, %sign3A_968 : i32
      %sign3A_970 = arith.extui %sign3A_969 : i1 to i32
      %sign3A_971 = arith.constant 0 : i32
      %sign3A_972 = arith.cmpi slt, %sub3A_961, %sign3A_971 : i32
      %sign3A_973 = arith.extui %sign3A_972 : i1 to i32
      %sign3A_974 = arith.subi %sign3A_970, %sign3A_973 : i32
      %sign3A_975 = arith.constant 0 : i32
      %sign3A_976 = arith.cmpi sgt, %jit3A_966, %sign3A_975 : i32
      %sign3A_977 = arith.extui %sign3A_976 : i1 to i32
      %sign3A_978 = arith.constant 0 : i32
      %sign3A_979 = arith.cmpi slt, %jit3A_966, %sign3A_978 : i32
      %sign3A_980 = arith.extui %sign3A_979 : i1 to i32
      %sign3A_981 = arith.subi %sign3A_977, %sign3A_980 : i32
      %ne3A_982 = arith.cmpi ne, %sign3A_974, %sign3A_981 : i32
      %rem3A_983 = arith.remsi %sub3A_961, %jit3A_966 : i32
      %ne3A_984 = arith.constant 0 : i32
      %ne3A_985 = arith.cmpi ne, %rem3A_983, %ne3A_984 : i32
      %and3A_986 = arith.andi %ne3A_982, %ne3A_985 : i1
      %sub3A_987 = arith.constant 1 : i32
      %sub3A_988 = arith.subi %div3A_967, %sub3A_987 : i32
      %select_n3A_989 = arith.select %and3A_986, %sub3A_988, %div3A_967 : i32
      %jit3A_990 = arith.constant 2 : i32
      %div3A_991 = arith.divsi %add3A_965, %jit3A_990 : i32
      %sign3A_992 = arith.constant 0 : i32
      %sign3A_993 = arith.cmpi sgt, %add3A_965, %sign3A_992 : i32
      %sign3A_994 = arith.extui %sign3A_993 : i1 to i32
      %sign3A_995 = arith.constant 0 : i32
      %sign3A_996 = arith.cmpi slt, %add3A_965, %sign3A_995 : i32
      %sign3A_997 = arith.extui %sign3A_996 : i1 to i32
      %sign3A_998 = arith.subi %sign3A_994, %sign3A_997 : i32
      %sign3A_999 = arith.constant 0 : i32
      %sign3A_1000 = arith.cmpi sgt, %jit3A_990, %sign3A_999 : i32
      %sign3A_1001 = arith.extui %sign3A_1000 : i1 to i32
      %sign3A_1002 = arith.constant 0 : i32
      %sign3A_1003 = arith.cmpi slt, %jit3A_990, %sign3A_1002 : i32
      %sign3A_1004 = arith.extui %sign3A_1003 : i1 to i32
      %sign3A_1005 = arith.subi %sign3A_1001, %sign3A_1004 : i32
      %ne3A_1006 = arith.cmpi ne, %sign3A_998, %sign3A_1005 : i32
      %rem3A_1007 = arith.remsi %add3A_965, %jit3A_990 : i32
      %ne3A_1008 = arith.constant 0 : i32
      %ne3A_1009 = arith.cmpi ne, %rem3A_1007, %ne3A_1008 : i32
      %and3A_1010 = arith.andi %ne3A_1006, %ne3A_1009 : i1
      %sub3A_1011 = arith.constant 1 : i32
      %sub3A_1012 = arith.subi %div3A_991, %sub3A_1011 : i32
      %select_n3A_1013 = arith.select %and3A_1010, %sub3A_1012, %div3A_991 : i32
      %ge3A_1014 = arith.constant 0 : i32
      %ge3A_1015 = arith.cmpi sge, %sub3A_961, %ge3A_1014 : i32
      %convert_element_type3A_1016 = arith.extui %ge3A_1015 : i1 to i32
      %cond3A_1017 = arith.constant 0 : i32
      %cond3A_1018 = arith.cmpi ne, %convert_element_type3A_1016, %cond3A_1017 : i32
      scf.if %cond3A_1018 {
        %add3A_1051 = arith.addi %mul3A_2, %select_n3A_989 : i32
        %dma_wait3A_1052 = arith.constant 0 : i32
        %dma_wait3A_1053 = arith.constant 0 : i32
        %dma_wait3A_1054 = tpu.memref_slice %arg11[%dma_wait3A_1052, %dma_wait3A_1053] : memref<104x64xf32, #tpu.memory_space<vmem>> -> memref<96x64xf32, #tpu.memory_space<vmem>>
        %dma_wait3A_1055 = arith.constant 104 : i32
        %dma_wait3A_1056 = arith.constant 0 : i32
        %dma_wait3A_1057 = tpu.memref_slice %arg5[%add3A_1051, %dma_wait3A_1055, %dma_wait3A_1056] : memref<4096x200x128xf32, #tpu.memory_space<hbm>> -> memref<1x96x64xf32, #tpu.memory_space<hbm>>
        %dma_wait3A_1058 = tpu.memref_squeeze %dma_wait3A_1057 : memref<1x96x64xf32, #tpu.memory_space<hbm>> -> memref<96x64xf32, #tpu.memory_space<hbm>>
        %dma_wait3A_1059 = arith.constant 104 : i32
        %dma_wait3A_1060 = arith.constant 0 : i32
        %dma_wait3A_1061 = tpu.memref_slice %arg5[%add3A_1051, %dma_wait3A_1059, %dma_wait3A_1060] : memref<4096x200x128xf32, #tpu.memory_space<hbm>> -> memref<1x96x64xf32, #tpu.memory_space<hbm>>
        %dma_wait3A_1062 = tpu.memref_squeeze %dma_wait3A_1061 : memref<1x96x64xf32, #tpu.memory_space<hbm>> -> memref<96x64xf32, #tpu.memory_space<hbm>>
        %dma_wait3A_1063 = arith.constant 0 : i32
        %dma_wait3A_1064 = arith.constant 0 : i32
        %dma_wait3A_1065 = tpu.memref_slice %arg11[%dma_wait3A_1063, %dma_wait3A_1064] : memref<104x64xf32, #tpu.memory_space<vmem>> -> memref<96x64xf32, #tpu.memory_space<vmem>>
        tpu.wait_dma2 semaphore(%arg27 : memref<!tpu.dma_semaphore, #tpu.memory_space<semaphore_mem>>) src(%dma_wait3A_1065 : memref<96x64xf32, #tpu.memory_space<vmem>>) dst(%dma_wait3A_1062 : memref<96x64xf32, #tpu.memory_space<hbm>>)
      } else {
      }
      %lt3A_1019 = arith.constant 256 : i32
      %lt3A_1020 = arith.cmpi slt, %add3A_965, %lt3A_1019 : i32
      %convert_element_type3A_1021 = arith.extui %lt3A_1020 : i1 to i32
      %cond3A_1022 = arith.constant 0 : i32
      %cond3A_1023 = arith.cmpi ne, %convert_element_type3A_1021, %cond3A_1022 : i32
      scf.if %cond3A_1023 {
        %dma_start3A_1051 = arith.constant 0 : i32
        %dma_start3A_1052 = arith.constant 0 : i32
        %dma_start3A_1053 = tpu.memref_slice %arg11[%dma_start3A_1051, %dma_start3A_1052] : memref<104x64xf32, #tpu.memory_space<vmem>> -> memref<96x64xf32, #tpu.memory_space<vmem>>
        %dma_start3A_1054 = arith.constant 104 : i32
        %dma_start3A_1055 = tpu.memref_slice %arg6[%select_n3A_1013, %dma_start3A_1054] : memref<128x200xi32, #tpu.memory_space<vmem>> -> memref<1x96xi32, #tpu.memory_space<vmem>>
        %dma_start3A_1056 = tpu.memref_squeeze %dma_start3A_1055 : memref<1x96xi32, #tpu.memory_space<vmem>> -> memref<96xi32, #tpu.memory_space<vmem>>
        %dma_start3A_1057 = arith.constant 0 : i32
        %dma_start3A_1058 = arith.constant 0 : i32
        %dma_start3A_1059 = tpu.memref_slice %arg3[%dma_start3A_1057, %dma_start3A_1058] : memref<100000x64xf32, #tpu.memory_space<hbm>> -> memref<100000x64xf32, #tpu.memory_space<hbm>>
        tpu.enqueue_indirect_dma source(%dma_start3A_1059 : memref<100000x64xf32, #tpu.memory_space<hbm>>) target(%dma_start3A_1053 : memref<96x64xf32, #tpu.memory_space<vmem>>) offsets(%dma_start3A_1056 : memref<96xi32, #tpu.memory_space<vmem>>) semaphore(%arg19 : memref<!tpu.dma_semaphore, #tpu.memory_space<semaphore_mem>>)
      } else {
      }
      %dma_wait3A_1024 = arith.constant 0 : i32
      %dma_wait3A_1025 = arith.constant 0 : i32
      %dma_wait3A_1026 = tpu.memref_slice %arg15[%dma_wait3A_1024, %dma_wait3A_1025] : memref<104x64xf32, #tpu.memory_space<vmem>> -> memref<96x64xf32, #tpu.memory_space<vmem>>
      %dma_wait3A_1027 = arith.constant 104 : i32
      %dma_wait3A_1028 = tpu.memref_slice %arg6[%add3A_957, %dma_wait3A_1027] : memref<128x200xi32, #tpu.memory_space<vmem>> -> memref<1x96xi32, #tpu.memory_space<vmem>>
      %dma_wait3A_1029 = tpu.memref_squeeze %dma_wait3A_1028 : memref<1x96xi32, #tpu.memory_space<vmem>> -> memref<96xi32, #tpu.memory_space<vmem>>
      %dma_wait3A_1030 = arith.constant 0 : i32
      %dma_wait3A_1031 = arith.constant 0 : i32
      %dma_wait3A_1032 = tpu.memref_slice %arg3[%dma_wait3A_1030, %dma_wait3A_1031] : memref<100000x64xf32, #tpu.memory_space<hbm>> -> memref<100000x64xf32, #tpu.memory_space<hbm>>
      tpu.wait_indirect_dma semaphore(%arg23 : memref<!tpu.dma_semaphore, #tpu.memory_space<semaphore_mem>>) src(%dma_wait3A_1032 : memref<100000x64xf32, #tpu.memory_space<hbm>>) dst(%dma_wait3A_1026 : memref<96x64xf32, #tpu.memory_space<vmem>>)
      %parallel_loop3A_1033 = arith.constant 0 : i32
      %parallel_loop3A_1034 = arith.constant 96 : i32
      %parallel_loop3A_1035 = arith.constant 1 : i32
      scf.for %parallel_loop3A_1051 = %parallel_loop3A_1033 to %parallel_loop3A_1034 step %parallel_loop3A_1035  : i32 {
        %parallel_loop3A_1052 = arith.constant 104 : i32
        %parallel_loop3A_1053 = arith.addi %parallel_loop3A_1052, %parallel_loop3A_1051 : i32
        %parallel_loop3A_1054 = arith.index_cast %parallel_loop3A_1053 : i32 to index
        %parallel_loop3A_1055 = arith.constant 0 : index
        %parallel_loop3A_1056 = tpu.vector_load %arg7[%parallel_loop3A_1054, %parallel_loop3A_1055] {strides = array<i32>} : memref<200x64xf32, #tpu.memory_space<vmem>>, vector<1x16xf32>,
        %parallel_loop3A_1057 = vector.shape_cast %parallel_loop3A_1056 : vector<1x16xf32> to vector<16xf32>
        %parallel_loop3A_1058 = arith.index_cast %parallel_loop3A_1051 : i32 to index
        %parallel_loop3A_1059 = arith.constant 0 : index
        %parallel_loop3A_1060 = tpu.vector_load %arg15[%parallel_loop3A_1058, %parallel_loop3A_1059] {strides = array<i32>} : memref<104x64xf32, #tpu.memory_space<vmem>>, vector<1x16xf32>,
        %parallel_loop3A_1061 = vector.shape_cast %parallel_loop3A_1060 : vector<1x16xf32> to vector<16xf32>
        %parallel_loop3A_1062 = vector.shape_cast %parallel_loop3A_1057 : vector<16xf32> to vector<1x16xf32>
        tpu.vector_store %arg15[%parallel_loop3A_1058, %parallel_loop3A_1059], %parallel_loop3A_1062 {add = true, strides = array<i32>} : memref<104x64xf32, #tpu.memory_space<vmem>>, vector<1x16xf32>,
        %parallel_loop3A_1063 = arith.constant 104 : i32
        %parallel_loop3A_1064 = arith.addi %parallel_loop3A_1063, %parallel_loop3A_1051 : i32
        %parallel_loop3A_1065 = arith.index_cast %parallel_loop3A_1064 : i32 to index
        %parallel_loop3A_1066 = arith.constant 16 : index
        %parallel_loop3A_1067 = tpu.vector_load %arg7[%parallel_loop3A_1065, %parallel_loop3A_1066] {strides = array<i32>} : memref<200x64xf32, #tpu.memory_space<vmem>>, vector<1x16xf32>,
        %parallel_loop3A_1068 = vector.shape_cast %parallel_loop3A_1067 : vector<1x16xf32> to vector<16xf32>
        %parallel_loop3A_1069 = arith.index_cast %parallel_loop3A_1051 : i32 to index
        %parallel_loop3A_1070 = arith.constant 16 : index
        %parallel_loop3A_1071 = tpu.vector_load %arg15[%parallel_loop3A_1069, %parallel_loop3A_1070] {strides = array<i32>} : memref<104x64xf32, #tpu.memory_space<vmem>>, vector<1x16xf32>,
        %parallel_loop3A_1072 = vector.shape_cast %parallel_loop3A_1071 : vector<1x16xf32> to vector<16xf32>
        %parallel_loop3A_1073 = vector.shape_cast %parallel_loop3A_1068 : vector<16xf32> to vector<1x16xf32>
        tpu.vector_store %arg15[%parallel_loop3A_1069, %parallel_loop3A_1070], %parallel_loop3A_1073 {add = true, strides = array<i32>} : memref<104x64xf32, #tpu.memory_space<vmem>>, vector<1x16xf32>,
        %parallel_loop3A_1074 = arith.constant 104 : i32
        %parallel_loop3A_1075 = arith.addi %parallel_loop3A_1074, %parallel_loop3A_1051 : i32
        %parallel_loop3A_1076 = arith.index_cast %parallel_loop3A_1075 : i32 to index
        %parallel_loop3A_1077 = arith.constant 32 : index
        %parallel_loop3A_1078 = tpu.vector_load %arg7[%parallel_loop3A_1076, %parallel_loop3A_1077] {strides = array<i32>} : memref<200x64xf32, #tpu.memory_space<vmem>>, vector<1x16xf32>,
        %parallel_loop3A_1079 = vector.shape_cast %parallel_loop3A_1078 : vector<1x16xf32> to vector<16xf32>
        %parallel_loop3A_1080 = arith.index_cast %parallel_loop3A_1051 : i32 to index
        %parallel_loop3A_1081 = arith.constant 32 : index
        %parallel_loop3A_1082 = tpu.vector_load %arg15[%parallel_loop3A_1080, %parallel_loop3A_1081] {strides = array<i32>} : memref<104x64xf32, #tpu.memory_space<vmem>>, vector<1x16xf32>,
        %parallel_loop3A_1083 = vector.shape_cast %parallel_loop3A_1082 : vector<1x16xf32> to vector<16xf32>
        %parallel_loop3A_1084 = vector.shape_cast %parallel_loop3A_1079 : vector<16xf32> to vector<1x16xf32>
        tpu.vector_store %arg15[%parallel_loop3A_1080, %parallel_loop3A_1081], %parallel_loop3A_1084 {add = true, strides = array<i32>} : memref<104x64xf32, #tpu.memory_space<vmem>>, vector<1x16xf32>,
        %parallel_loop3A_1085 = arith.constant 104 : i32
        %parallel_loop3A_1086 = arith.addi %parallel_loop3A_1085, %parallel_loop3A_1051 : i32
        %parallel_loop3A_1087 = arith.index_cast %parallel_loop3A_1086 : i32 to index
        %parallel_loop3A_1088 = arith.constant 48 : index
        %parallel_loop3A_1089 = tpu.vector_load %arg7[%parallel_loop3A_1087, %parallel_loop3A_1088] {strides = array<i32>} : memref<200x64xf32, #tpu.memory_space<vmem>>, vector<1x16xf32>,
        %parallel_loop3A_1090 = vector.shape_cast %parallel_loop3A_1089 : vector<1x16xf32> to vector<16xf32>
        %parallel_loop3A_1091 = arith.index_cast %parallel_loop3A_1051 : i32 to index
        %parallel_loop3A_1092 = arith.constant 48 : index
        %parallel_loop3A_1093 = tpu.vector_load %arg15[%parallel_loop3A_1091, %parallel_loop3A_1092] {strides = array<i32>} : memref<104x64xf32, #tpu.memory_space<vmem>>, vector<1x16xf32>,
        %parallel_loop3A_1094 = vector.shape_cast %parallel_loop3A_1093 : vector<1x16xf32> to vector<16xf32>
        %parallel_loop3A_1095 = vector.shape_cast %parallel_loop3A_1090 : vector<16xf32> to vector<1x16xf32>
        tpu.vector_store %arg15[%parallel_loop3A_1091, %parallel_loop3A_1092], %parallel_loop3A_1095 {add = true, strides = array<i32>} : memref<104x64xf32, #tpu.memory_space<vmem>>, vector<1x16xf32>,
      } {sc.loop_unroll_factor = 4 : i64, sc.parallel_access}
      %add3A_1036 = arith.addi %mul3A_2, %add3A_957 : i32
      %dma_start3A_1037 = arith.constant 0 : i32
      %dma_start3A_1038 = arith.constant 0 : i32
      %dma_start3A_1039 = tpu.memref_slice %arg15[%dma_start3A_1037, %dma_start3A_1038] : memref<104x64xf32, #tpu.memory_space<vmem>> -> memref<96x64xf32, #tpu.memory_space<vmem>>
      %dma_start3A_1040 = arith.constant 104 : i32
      %dma_start3A_1041 = arith.constant 0 : i32
      %dma_start3A_1042 = tpu.memref_slice %arg5[%add3A_1036, %dma_start3A_1040, %dma_start3A_1041] : memref<4096x200x128xf32, #tpu.memory_space<hbm>> -> memref<1x96x64xf32, #tpu.memory_space<hbm>>
      %dma_start3A_1043 = tpu.memref_squeeze %dma_start3A_1042 : memref<1x96x64xf32, #tpu.memory_space<hbm>> -> memref<96x64xf32, #tpu.memory_space<hbm>>
      %dma_start3A_1044 = arith.constant 104 : i32
      %dma_start3A_1045 = arith.constant 0 : i32
      %dma_start3A_1046 = tpu.memref_slice %arg5[%add3A_1036, %dma_start3A_1044, %dma_start3A_1045] : memref<4096x200x128xf32, #tpu.memory_space<hbm>> -> memref<1x96x64xf32, #tpu.memory_space<hbm>>
      %dma_start3A_1047 = tpu.memref_squeeze %dma_start3A_1046 : memref<1x96x64xf32, #tpu.memory_space<hbm>> -> memref<96x64xf32, #tpu.memory_space<hbm>>
      %dma_start3A_1048 = arith.constant 0 : i32
      %dma_start3A_1049 = arith.constant 0 : i32
      %dma_start3A_1050 = tpu.memref_slice %arg15[%dma_start3A_1048, %dma_start3A_1049] : memref<104x64xf32, #tpu.memory_space<vmem>> -> memref<96x64xf32, #tpu.memory_space<vmem>>
      tpu.enqueue_dma source(%dma_start3A_1050 : memref<96x64xf32, #tpu.memory_space<vmem>>) target(%dma_start3A_1047 : memref<96x64xf32, #tpu.memory_space<hbm>>) target_semaphore(%arg31 : memref<!tpu.dma_semaphore, #tpu.memory_space<semaphore_mem>>)
    }
    %scan3A_45 = arith.constant 32 : i32
    %add3A_46 = arith.constant 126 : i32
    %add3A_47 = arith.addi %mul3A_2, %add3A_46 : i32
    %dma_wait3A = arith.constant 0 : i32
    %dma_wait3A_48 = arith.constant 0 : i32
    %dma_wait3A_49 = tpu.memref_slice %arg12[%dma_wait3A, %dma_wait3A_48] : memref<104x64xf32, #tpu.memory_space<vmem>> -> memref<104x64xf32, #tpu.memory_space<vmem>>
    %dma_wait3A_50 = arith.constant 0 : i32
    %dma_wait3A_51 = arith.constant 0 : i32
    %dma_wait3A_52 = tpu.memref_slice %arg5[%add3A_47, %dma_wait3A_50, %dma_wait3A_51] : memref<4096x200x128xf32, #tpu.memory_space<hbm>> -> memref<1x104x64xf32, #tpu.memory_space<hbm>>
    %dma_wait3A_53 = tpu.memref_squeeze %dma_wait3A_52 : memref<1x104x64xf32, #tpu.memory_space<hbm>> -> memref<104x64xf32, #tpu.memory_space<hbm>>
    %dma_wait3A_54 = arith.constant 0 : i32
    %dma_wait3A_55 = arith.constant 0 : i32
    %dma_wait3A_56 = tpu.memref_slice %arg5[%add3A_47, %dma_wait3A_54, %dma_wait3A_55] : memref<4096x200x128xf32, #tpu.memory_space<hbm>> -> memref<1x104x64xf32, #tpu.memory_space<hbm>>
    %dma_wait3A_57 = tpu.memref_squeeze %dma_wait3A_56 : memref<1x104x64xf32, #tpu.memory_space<hbm>> -> memref<104x64xf32, #tpu.memory_space<hbm>>
    %dma_wait3A_58 = arith.constant 0 : i32
    %dma_wait3A_59 = arith.constant 0 : i32
    %dma_wait3A_60 = tpu.memref_slice %arg12[%dma_wait3A_58, %dma_wait3A_59] : memref<104x64xf32, #tpu.memory_space<vmem>> -> memref<104x64xf32, #tpu.memory_space<vmem>>
    tpu.wait_dma2 semaphore(%arg28 : memref<!tpu.dma_semaphore, #tpu.memory_space<semaphore_mem>>) src(%dma_wait3A_60 : memref<104x64xf32, #tpu.memory_space<vmem>>) dst(%dma_wait3A_57 : memref<104x64xf32, #tpu.memory_space<hbm>>)
    %add3A_61 = arith.constant 126 : i32
    %add3A_62 = arith.addi %mul3A_2, %add3A_61 : i32
    %dma_wait3A_63 = arith.constant 0 : i32
    %dma_wait3A_64 = arith.constant 0 : i32
    %dma_wait3A_65 = tpu.memref_slice %arg13[%dma_wait3A_63, %dma_wait3A_64] : memref<104x64xf32, #tpu.memory_space<vmem>> -> memref<96x64xf32, #tpu.memory_space<vmem>>
    %dma_wait3A_66 = arith.constant 104 : i32
    %dma_wait3A_67 = arith.constant 0 : i32
    %dma_wait3A_68 = tpu.memref_slice %arg5[%add3A_62, %dma_wait3A_66, %dma_wait3A_67] : memref<4096x200x128xf32, #tpu.memory_space<hbm>> -> memref<1x96x64xf32, #tpu.memory_space<hbm>>
    %dma_wait3A_69 = tpu.memref_squeeze %dma_wait3A_68 : memref<1x96x64xf32, #tpu.memory_space<hbm>> -> memref<96x64xf32, #tpu.memory_space<hbm>>
    %dma_wait3A_70 = arith.constant 104 : i32
    %dma_wait3A_71 = arith.constant 0 : i32
    %dma_wait3A_72 = tpu.memref_slice %arg5[%add3A_62, %dma_wait3A_70, %dma_wait3A_71] : memref<4096x200x128xf32, #tpu.memory_space<hbm>> -> memref<1x96x64xf32, #tpu.memory_space<hbm>>
    %dma_wait3A_73 = tpu.memref_squeeze %dma_wait3A_72 : memref<1x96x64xf32, #tpu.memory_space<hbm>> -> memref<96x64xf32, #tpu.memory_space<hbm>>
    %dma_wait3A_74 = arith.constant 0 : i32
    %dma_wait3A_75 = arith.constant 0 : i32
    %dma_wait3A_76 = tpu.memref_slice %arg13[%dma_wait3A_74, %dma_wait3A_75] : memref<104x64xf32, #tpu.memory_space<vmem>> -> memref<96x64xf32, #tpu.memory_space<vmem>>
    tpu.wait_dma2 semaphore(%arg29 : memref<!tpu.dma_semaphore, #tpu.memory_space<semaphore_mem>>) src(%dma_wait3A_76 : memref<96x64xf32, #tpu.memory_space<vmem>>) dst(%dma_wait3A_73 : memref<96x64xf32, #tpu.memory_space<hbm>>)
    %add3A_77 = arith.constant 127 : i32
    %add3A_78 = arith.addi %mul3A_2, %add3A_77 : i32
    %dma_wait3A_79 = arith.constant 0 : i32
    %dma_wait3A_80 = arith.constant 0 : i32
    %dma_wait3A_81 = tpu.memref_slice %arg14[%dma_wait3A_79, %dma_wait3A_80] : memref<104x64xf32, #tpu.memory_space<vmem>> -> memref<104x64xf32, #tpu.memory_space<vmem>>
    %dma_wait3A_82 = arith.constant 0 : i32
    %dma_wait3A_83 = arith.constant 0 : i32
    %dma_wait3A_84 = tpu.memref_slice %arg5[%add3A_78, %dma_wait3A_82, %dma_wait3A_83] : memref<4096x200x128xf32, #tpu.memory_space<hbm>> -> memref<1x104x64xf32, #tpu.memory_space<hbm>>
    %dma_wait3A_85 = tpu.memref_squeeze %dma_wait3A_84 : memref<1x104x64xf32, #tpu.memory_space<hbm>> -> memref<104x64xf32, #tpu.memory_space<hbm>>
    %dma_wait3A_86 = arith.constant 0 : i32
    %dma_wait3A_87 = arith.constant 0 : i32
    %dma_wait3A_88 = tpu.memref_slice %arg5[%add3A_78, %dma_wait3A_86, %dma_wait3A_87] : memref<4096x200x128xf32, #tpu.memory_space<hbm>> -> memref<1x104x64xf32, #tpu.memory_space<hbm>>
    %dma_wait3A_89 = tpu.memref_squeeze %dma_wait3A_88 : memref<1x104x64xf32, #tpu.memory_space<hbm>> -> memref<104x64xf32, #tpu.memory_space<hbm>>
    %dma_wait3A_90 = arith.constant 0 : i32
    %dma_wait3A_91 = arith.constant 0 : i32
    %dma_wait3A_92 = tpu.memref_slice %arg14[%dma_wait3A_90, %dma_wait3A_91] : memref<104x64xf32, #tpu.memory_space<vmem>> -> memref<104x64xf32, #tpu.memory_space<vmem>>
    tpu.wait_dma2 semaphore(%arg30 : memref<!tpu.dma_semaphore, #tpu.memory_space<semaphore_mem>>) src(%dma_wait3A_92 : memref<104x64xf32, #tpu.memory_space<vmem>>) dst(%dma_wait3A_89 : memref<104x64xf32, #tpu.memory_space<hbm>>)
    %add3A_93 = arith.constant 127 : i32
    %add3A_94 = arith.addi %mul3A_2, %add3A_93 : i32
    %dma_wait3A_95 = arith.constant 0 : i32
    %dma_wait3A_96 = arith.constant 0 : i32
    %dma_wait3A_97 = tpu.memref_slice %arg15[%dma_wait3A_95, %dma_wait3A_96] : memref<104x64xf32, #tpu.memory_space<vmem>> -> memref<96x64xf32, #tpu.memory_space<vmem>>
    %dma_wait3A_98 = arith.constant 104 : i32
    %dma_wait3A_99 = arith.constant 0 : i32
    %dma_wait3A_100 = tpu.memref_slice %arg5[%add3A_94, %dma_wait3A_98, %dma_wait3A_99] : memref<4096x200x128xf32, #tpu.memory_space<hbm>> -> memref<1x96x64xf32, #tpu.memory_space<hbm>>
    %dma_wait3A_101 = tpu.memref_squeeze %dma_wait3A_100 : memref<1x96x64xf32, #tpu.memory_space<hbm>> -> memref<96x64xf32, #tpu.memory_space<hbm>>
    %dma_wait3A_102 = arith.constant 104 : i32
    %dma_wait3A_103 = arith.constant 0 : i32
    %dma_wait3A_104 = tpu.memref_slice %arg5[%add3A_94, %dma_wait3A_102, %dma_wait3A_103] : memref<4096x200x128xf32, #tpu.memory_space<hbm>> -> memref<1x96x64xf32, #tpu.memory_space<hbm>>
    %dma_wait3A_105 = tpu.memref_squeeze %dma_wait3A_104 : memref<1x96x64xf32, #tpu.memory_space<hbm>> -> memref<96x64xf32, #tpu.memory_space<hbm>>
    %dma_wait3A_106 = arith.constant 0 : i32
    %dma_wait3A_107 = arith.constant 0 : i32
    %dma_wait3A_108 = tpu.memref_slice %arg15[%dma_wait3A_106, %dma_wait3A_107] : memref<104x64xf32, #tpu.memory_space<vmem>> -> memref<96x64xf32, #tpu.memory_space<vmem>>
    tpu.wait_dma2 semaphore(%arg31 : memref<!tpu.dma_semaphore, #tpu.memory_space<semaphore_mem>>) src(%dma_wait3A_108 : memref<96x64xf32, #tpu.memory_space<vmem>>) dst(%dma_wait3A_105 : memref<96x64xf32, #tpu.memory_space<hbm>>)
    return
  }
}

</mosaic_0001>

<sc_bundles>
// kernel: _emb_call.3.cloned.1.call-start
scs
__scs_entry_jumppad:
0x0: {  	(pc) =	sbr.rel $0x88, $3  }
0x1: {  	(tag) =	ssettag $0x0;
	lr =	simm.s32 $0x1  }
0x2: {  	[smem:$0x3F9E] =	sst lr;
	_ =	strace $0xD0000000  }
0x3: {  	_ = 	snop  }
0x4: {  	_ = 	snop  }
0x5: {  	_ = 	snop  }
0x6: {  	_ = 	snop  }
0x7: {  	_ = 	snop  }
__scs_overlays_trampoline_lowered:
0x8: {  	[smem:$0x3FAD] =	sst s0  }
0x9: {  	[smem:$0x3FAE] =	sst s1  }
0xa: {  	[smem:$0x3FAF] =	sst s2  }
0xb: {  	[smem:$0x3FB0] =	sst s3  }
0xc: {  	[smem:$0x3FB1] =	sst s4  }
0xd: {  	[smem:$0x3FB2] =	sst s5  }
0xe: {  	[smem:$0x3FB3] =	sst s6  }
0xf: {  	[smem:$0x3FB4] =	sst s7  }
0x10: {  	[smem:$0x3FB5] =	sst s8  }
0x11: {  	[smem:$0x3FB6] =	sst s9;
	s0 =	simm.s32 @!p0 $0x0  }
0x12: {  	s1 =	sld [smem:$0x3F9C];
	s0 =	simm.s32 @p0 $0x1  }
0x13: {  	[smem:$0x3FB7] =	sst s0;
	s0 =	simm.s32 @!p1 $0x0  }
0x14: {  	s2 =	sld [smem:$0x3F9B];
	s0 =	simm.s32 @p1 $0x1  }
0x15: {  	[smem:$0x3FB8] =	sst s0;
	s0 =	simm.s32 @!p2 $0x0  }
0x16: {  	s3 =	sld [smem:$0x3FDB];
	s0 =	simm.s32 @p2 $0x1  }
0x17: {  	s4 =	simm.s32 $0x1BF5;
	[smem:$0x3FBA] =	sst s0  }
0x18: {  	s0 =	sld [smem:$0x3F9D];
	_ =	swait.ge [sflag:s4], $0x0  }
0x19: {  	s7 =	sld [smem:$0x3F9E]  }
0x1a: {  	s8 =	sadd.s32 $0xFFFFE003, lr  }
0x1b: {  	s9 =	sadd.s32 $0xFFFFFEF7, lr;
	s5 =	simm.s32 $0xFFFFFFFF;
	p2 =	slt.u32 s8, $0xFFFFF086  }
0x1c: {  	p1 =	slt.u32 s9, $0xF7A;
	s5 =	simm.s32 @!p2 $0x0  }
0x1d: {  	s5 =	simm.s32 @p1 $0x1;
	p0 =	seq.s32 s7, s2  }
0x1e: {  	s7 =	smul.u32 @!p0 $0xF7A, s2;
	p2 =	seq.s32 @!p0 s5, $0x0  }
0x1f: {  	s9 =	smul.u32 $0xF7A, s1;
	s8 =	simm.s32 @!p0 $0x1BF5;
	p2 =	por !p2, p0  }
0x20: {  	[sflag:s8] =	ssyncset.s32 @!p0 $0xFFFFF086;
	s6 =	sadd.s32 @!p0 s3, s7;
	s7 =	simm.s32 @!p0 $0x108  }
0x21: {  	s3 =	sadd.s32 s3, s9;
	s6 =	sadd.s32 @!p0 $0x88, s6;
	s7 =	simm.s32 @p2 $0x1082  }
0x22: {  	[simem:s7], [sflag:s8] =	dma.local @!p0 [hbm:s6], $0xF7A  }
0x23: {  	s9 =	sor.u32 $0xD0000000, s2;
	s6 =	simm.s32 $0x108;
	_ =	swait.ge @!p0 [sflag:s8], $0x0  }
0x24: {  	s3 =	sadd.s32 $0x88, s3;
	s6 =	simm.s32 @!p1 $0x1082;
	[sflag:s4] =	ssyncset.s32 $0xFFFFF086  }
0x25: {  	[simem:s6], [sflag:s4] =	dma.local [hbm:s3], $0xF7A  }
0x26: {  	[smem:$0x3F9E] =	sst s1;
	(tag) =	ssettag s2;
	_ =	strace s9  }
0x27: {  	s1 =	sld [smem:$0x3FAE]  }
0x28: {  	s2 =	sld [smem:$0x3FAF]  }
0x29: {  	s4 =	sld [smem:$0x3FB1]  }
0x2a: {  	p0 =	seq.s32 s5, $0x0;
	s5 =	sld [smem:$0x3FB2]  }
0x2b: {  	s6 =	sld [smem:$0x3FB3]  }
0x2c: {  	s7 =	sld [smem:$0x3FB4]  }
0x2d: {  	s3 =	simm.s32 $0x108;
	s8 =	sld [smem:$0x3FB5]  }
0x2e: {  	s3 =	simm.s32 @!p0 $0x1082;
	s9 =	sld [smem:$0x3FB6]  }
0x2f: {  	lr =	sadd.s32 s0, s3;
	s0 =	sld [smem:$0x3FAD]  }
0x30: {  	s3 =	sld [smem:$0x3FB0]  }
0x31: {  	[smem:$0x3FB9] =	sst s10  }
0x32: {  	s10 =	sld [smem:$0x3FB7];
	_ =	sdelay $0x3  }
0x33: {  	p0 =	seq.s32 s10, $0x1;
	s10 =	sld [smem:$0x3FB9];
	_ =	sdelay $0x3  }
0x34: {  	[smem:$0x3FB9] =	sst s10  }
0x35: {  	s10 =	sld [smem:$0x3FB8];
	_ =	sdelay $0x3  }
0x36: {  	p1 =	seq.s32 s10, $0x1;
	s10 =	sld [smem:$0x3FB9];
	_ =	sdelay $0x3  }
0x37: {  	[smem:$0x3FB9] =	sst s10  }
0x38: {  	s10 =	sld [smem:$0x3FBA]  }
0x39: {  	_ = 	snop;
	(pc) =	sbr.ind lr, $3  }
0x3a: {  	_ = 	snop  }
0x3b: {  	_ = 	snop  }
0x3c: {  	p2 =	seq.s32 s10, $0x1;
	s10 =	sld [smem:$0x3FB9]  }
0x3d: {  	_ =	shalt  }
0x3e: {  	_ =	shalt  }
0x3f: {  	_ =	shalt  }
0x40: {  	_ =	shalt  }
0x41: {  	_ =	shalt  }
0x42: {  	_ =	shalt  }
0x43: {  	_ =	shalt  }
0x44: {  	_ =	shalt  }
0x45: {  	_ =	shalt  }
0x46: {  	_ =	shalt  }
0x47: {  	_ =	shalt  }
0x48: {  	_ =	shalt  }
0x49: {  	_ =	shalt  }
0x4a: {  	_ =	shalt  }
0x4b: {  	_ =	shalt  }
0x4c: {  	_ =	shalt  }
0x4d: {  	_ =	shalt  }
0x4e: {  	_ =	shalt  }
0x4f: {  	_ =	shalt  }
0x50: {  	_ =	shalt  }
0x51: {  	_ =	shalt  }
0x52: {  	_ =	shalt  }
0x53: {  	_ =	shalt  }
0x54: {  	_ =	shalt  }
0x55: {  	_ =	shalt  }
0x56: {  	_ =	shalt  }
0x57: {  	_ =	shalt  }
0x58: {  	_ =	shalt  }
0x59: {  	_ =	shalt  }
0x5a: {  	_ =	shalt  }
0x5b: {  	_ =	shalt  }
0x5c: {  	_ =	shalt  }
0x5d: {  	_ =	shalt  }
0x5e: {  	_ =	shalt  }
0x5f: {  	_ =	shalt  }
0x60: {  	_ =	shalt  }
0x61: {  	_ =	shalt  }
0x62: {  	_ =	shalt  }
0x63: {  	_ =	shalt  }
0x64: {  	_ =	shalt  }
0x65: {  	_ =	shalt  }
0x66: {  	_ =	shalt  }
0x67: {  	_ =	shalt  }
0x68: {  	_ =	shalt  }
0x69: {  	_ =	shalt  }
0x6a: {  	_ =	shalt  }
0x6b: {  	_ =	shalt  }
0x6c: {  	_ =	shalt  }
0x6d: {  	_ =	shalt  }
0x6e: {  	_ =	shalt  }
0x6f: {  	_ =	shalt  }
0x70: {  	_ =	shalt  }
0x71: {  	_ =	shalt  }
0x72: {  	_ =	shalt  }
0x73: {  	_ =	shalt  }
0x74: {  	_ =	shalt  }
0x75: {  	_ =	shalt  }
0x76: {  	_ =	shalt  }
0x77: {  	_ =	shalt  }
0x78: {  	_ =	shalt  }
0x79: {  	_ =	shalt  }
0x7a: {  	_ =	shalt  }
0x7b: {  	_ =	shalt  }
0x7c: {  	_ =	shalt  }
0x7d: {  	_ =	shalt  }
0x7e: {  	_ =	shalt  }
0x7f: {  	_ =	shalt  }
0x80: {  	_ =	shalt  }
0x81: {  	_ =	shalt  }
0x82: {  	_ =	shalt  }
0x83: {  	_ =	shalt  }
0x84: {  	_ =	shalt  }
0x85: {  	_ =	shalt  }
0x86: {  	_ =	shalt  }
0x87: {  	_ =	shalt  }
.Lfunc_end0:
.L_simem_size_0:
called_computation_lowered:
.L_overlay_start_0:
0x88: {  	s2 =	sld [smem:$0x3FD9]  }
0x89: {  	s3 =	sld [smem:$0x3FFE];
	_ =	sdelay $0x1  }
0x8a: {  	s1 =	srdreg.scid  }
0x8b: {  	s0 =	sand.u32 $0x1, s1  }
0x8c: {  	s17 =	sshll.u32 s0, $0xA;
	s2 =	sadd.s32 s3, s2  }
0x8d: {  	s2 =	sadd.s32 s2, s17  }
0x8e: {  	[smem:$0x3FC5] =	sst s2  }
0x8f: {  	_ = 	snop  }
0x90: {  	s2 =	sld [smem:$0x3FD0];
	(tm) =	ssettm $0x1  }
0x91: {  	s18 =	sld [smem:$0x3FFB];
	_ =	sdelay $0x3  }
0x92: {  	_ =	strace s18  }
0x93: {  	s3 =	sld [smem:$0x3FFC];
	_ =	sdelay $0x3  }
0x94: {  	_ =	strace s3  }
0x95: {  	s3 =	sld [smem:$0x3FFD];
	_ =	sdelay $0x3  }
0x96: {  	_ =	strace s3  }
0x97: {  	_ =	strace $0x8FFFFFFF  }
0x98: {  	s19 =	sld [smem:$0x3FDB];
	_ =	sdelay $0x1  }
0x99: {  	s4 =	simm.s32 $_scs_section_size  }
0x9a: {  	s5 =	simm.s32 $_size__tile_overlayer_lowered;
	s6 =	simm.s32 $_tile_overlayer_lowered  }
0x9b: {  	s22 =	simm.s32 $0x1BFF;
	s21 =	sshll.u32 s6, $0x1;
	s3 =	sadd.s32 s4, s19  }
0x9c: {  	s7 =	simm.s32 $0x0;
	s20 =	sshll.u32 s5, $0x1;
	s5 =	sadd.s32 s21, s3  }
0x9d: {  	[timem:s7], [sflag:s22] =	dma.local [hbm:s5], s20  }
0x9e: {  	_ =	swait.ge [sflag:s22], s20  }
0x9f: {  	s4 =	ssub.s32 $0x0, s20;
	[sflag:s22] =	ssyncset.done $0x0  }
0xa0: {  	[sflag:s22] =	ssyncadd.s32 s4;
	_ =	sdelay $0x1  }
0xa1: {  	s23 =	simm.s32 $0x1B8B  }
0xa2: {  	_ =	swait.ge [sflag:s23], $0x1  }
0xa3: {  	[sflag:s23] =	ssyncset.done $0x0  }
0xa4: {  	s25 =	simm.s32 $0x1B8E;
	s24 =	sld [smem:$0x3FFE];
	[sflag:s23] =	ssyncadd.s32 $0xFFFFFFFF  }
0xa5: {  	s26 =	simm.s32 $execute0_lowered;
	[smem:$0x3FD2] =	sst s25  }
0xa6: {  	s5 =	sshll.u32 s26, $0x1;
	_ =	strace $0x80000046;
	[dreg:$0x1] =	wrdreg $0xFFFFFFFF  }
0xa7: {  	s28 =	simm.s32 $_size_execute0_lowered;
	s3 =	sadd.s32 s3, s5;
	[dreg:$0x0] =	wrdreg $0x0  }
0xa8: {  	s5 =	sshll.u32 s28, $0x1;
	[dreg:$0x2] =	wrdreg s3  }
0xa9: {  	[dreg:$0x3] =	wrdreg s5  }
0xaa: {  	[dreg:$0x4] =	wrdreg $0xC0  }
0xab: {  	_ =	task [dreg:s7], $0x5FFFF  }
0xac: {  	[dreg:$0x1] =	wrdreg $0xFFFFFFFF  }
0xad: {  	[dreg:$0x0] =	wrdreg $0x60  }
0xae: {  	[dreg:$0x2] =	wrdreg s24  }
0xaf: {  	[dreg:$0x3] =	wrdreg s2  }
0xb0: {  	[dreg:$0x4] =	wrdreg $0x9  }
0xb1: {  	_ =	task.clear_ibuf [dreg:s7], $0x5FFFF;
	_ =	strace $0x90000046  }
0xb2: {  	s29 =	simm.s32 $0x9;
	_ =	strace $0x80000048  }
0xb3: {  	_ =	swait.ge [sflag:s29], $0x1  }
0xb4: {  	[sflag:s29] =	ssyncadd.s32 $0xFFFFFFFF  }
0xb5: {  	_ =	strace $0x90000048  }
0xb6: {  	_ =	sfence  }
0xb7: {  	s30 =	sld [smem:$0x0];
	_ =	sdelay $0x2  }
0xb8: {  	s31 =	sshll.u32 s1, $0xD;
	s1 =	sshrl.u32 s1, $0x2  }
0xb9: {  	s3 =	sand.u32 $0x4000, s31;
	s1 =	sadd.s32 s1, s30  }
0xba: {  	s0 =	sor.u32 s3, s0;
	s1 =	sshll.u32 s1, $0x11  }
0xbb: {  	s0 =	sor.u32 s1, s0  }
0xbc: {  	s0 =	sadd.s32 $0x8F2B, s0  }
0xbd: {  	[sflag:s0] =	ssyncadd.remote.s32 $0x1  }
0xbe: {  	_ =	sfence.sel $0xFFFF  }
0xbf: {  	[dreg:$0x0] =	wrdreg $0xFFFFFFFF;
	(pc) =	sbr.abs _section_cstart, $3  }
0xc0: {  	[dreg:$0x1] =	wrdreg $0xFFFFFFFF  }
0xc1: {  	_ =	task.clear_ibuf [dreg:s7], $0x2FFFF;
	_ =	strace $0x9FFFFFFF  }
0xc2: {  	(tm) =	ssettm $0x7FFFFFFF  }
0xc3: {  	_ =	shalt  }
tec
execute0_lowered:
.L_overlay_start_1:
0x0: {  	(tag) =	ssettag $0x1  }
0x1: {  	s0 =	srdreg.scid  }
0x2: {  	s1 =	rddreg [dreg:$0x0];
	s2 =	stileid.u32  }
0x3: {  	s5 =	simm.s32 $0x0;
	s11 =	simm.s32 $0x68;
	s13 =	simm.s32 $0x60  }
0x4: {  	s16 =	simm.s32 $0xCA00;
	s18 =	simm.s32 $0xE400;
	s19 =	simm.s32 $0xFE00  }
0x5: {  	s20 =	simm.s32 $0x1;
	s21 =	simm.s32 $0x40;
	s22 =	simm.s32 $0x80  }
0x6: {  	s23 =	simm.s32 $0x11800;
	s24 =	simm.s32 $0x2;
	s28 =	simm.s32 $0x14C00  }
0x7: {  	s29 =	simm.s32 $0x4;
	s30 =	simm.s32 $0x9;
	s31 =	simm.s32 $0x5  }
0x8: {  	s9 =	simm.s32 $0xB;
	s15 =	simm.s32 $0x7;
	s17 =	simm.s32 $0xC  }
0x9: {  	s6 =	simm.s32 $0x8;
	s7 =	simm.s32 $0x0;
	s0 =	sand.u32 $0x1, s0  }
0xa: {  	s2 =	sshll.u32 s2, $0x8;
	s3 =	sshll.u32 s0, $0x7;
	s0 =	ssub.s32 $0x2, s0  }
0xb: {  	[smem:$0x7FF] =	sst s5;
	s4 =	sor.u32 s3, s2;
	s25 =	sshrl.u32 s0, $0x1  }
0xc: {  	s5 =	sadd.s32 $0x19C00, s1;
	s2 =	smul.u32 $0x19, s4;
	s0 =	ssub.s32 s0, s25  }
0xd: {  	_ =	strace $0x80000047;
	s25 =	simm.s32 $0x13200;
	s0 =	smax.u32 s0, $0x1  }
0xe: {  	s2 =	sadd.s32 s2, s1;
	s1 =	sadd.s32 $0x400, s1;
	[dreg:$0x5] =	wrdreg s0  }
0xf: {  	s0 =	simm.s32 $0x6;
	[dreg:$0x3] =	wrdreg s1;
	s26 =	sadd.s32 $0xC00, s2  }
0x10: {  	s1 =	simm.s32 $0xA;
	[dreg:$0x4] =	wrdreg s26;
	s26 =	simm.s32 $0x3  }
.LBB2_1:
0x11: {  	[dreg:$0x6] =	wrdreg s7;
	s2 =	simm.s32 $0x0  }
0x12: {  	s3 =	rddreg [dreg:$0x3];
	s10 =	simm.s32 $0x6400;
	s12 =	simm.s32 $0x11  }
0x13: {  	[tilespmem:s10], [sflag:$0x11] =	stream.linear.gather [hbm4b:s3+s2], $0x3200, $0x38;
	[tilespmem:$0x16600] =	vst v63  }
0x14: {  	_ =	swait.ge [sflag:s12], $0x3200  }
0x15: {  	[sflag:s12] =	ssyncset.done $0x0  }
0x16: {  	s14 =	rddreg [dreg:$0x4];
	[sflag:s12] =	ssyncadd.s32 $0xFFFFCE00  }
0x17: {  	[tilespmem:s2], [sflag:$0x11] =	stream.linear.gather [hbm4b:s14+s2], $0x6400, $0x38;
	[tilespmem:$0x16600] =	vst v63  }
0x18: {  	_ =	swait.ge [sflag:s12], $0x6400  }
0x19: {  	[sflag:s12] =	ssyncset.done $0x0  }
0x1a: {  	s8 =	simm.s32 $0x9600;
	[sflag:s12] =	ssyncadd.s32 $0xFFFF9C00  }
0x1b: {  	[tilespmem:s8], [sflag:$0x1] =	stream.indirect.gather [hbm4b:s5+s11], $0x40, s2, s11, $0xb8;
	[tilespmem:$0x16600] =	vst v63  }
0x1c: {  	s10 =	simm.s32 $0xB000  }
0x1d: {  	[tilespmem:s10], [sflag:$0x2] =	stream.indirect.gather [hbm4b:s5+s13], $0x40, s11, s13, $0xb8;
	[tilespmem:$0x16600] =	vst v63  }
0x1e: {  	s12 =	simm.s32 $0xC8  }
0x1f: {  	[tilespmem:s16], [sflag:$0x3] =	stream.indirect.gather [hbm4b:s5+s11], $0x40, s12, s11, $0xb8;
	[tilespmem:$0x16600] =	vst v63  }
0x20: {  	s3 =	simm.s32 $0x0;
	s14 =	simm.s32 $0x130  }
0x21: {  	[tilespmem:s18], [sflag:$0x4] =	stream.indirect.gather [hbm4b:s5+s13], $0x40, s14, s13, $0xb8;
	[tilespmem:$0x16600] =	vst v63  }
.LBB2_2:
0x22: {  	p0 =	seq.s32 s3, $0x0  }
0x23: {  	s7 =	smul.u32 $0xC80, s3;
	s2 =	simm.s32 @!p0 $0xD  }
0x24: {  	_ =	swait.ge @!p0 [sflag:s2], $0x1A00  }
0x25: {  	s8 =	sshra.s32 s7, $0x2;
	[sflag:s2] =	ssyncset.done @!p0 $0x0  }
0x26: {  	s14 =	sadd.s32 $0x190, s8;
	[sflag:s2] =	ssyncadd.s32 @!p0 $0xFFFFE600  }
0x27: {  	[tilespmem:s19], [sflag:$0x5] =	stream.indirect.gather [hbm4b:s5+s11], $0x40, s14, s11, $0xb8;
	[tilespmem:$0x16600] =	vst v63  }
0x28: {  	_ =	swait.ge [sflag:s20], $0x1A00  }
0x29: {  	[sflag:s20] =	ssyncset.done $0x0  }
0x2a: {  	s7 =	simm.s32 $0x0;
	[sflag:s20] =	ssyncadd.s32 $0xFFFFE600  }
0x2b: {  	v0 =	vld [tilespmem:s7+$0x64F0]  }
0x2c: {  	v1 =	vld [tilespmem:s7+$0x6400]  }
0x2d: {  	v2 =	vld [tilespmem:s7+$0x6410]  }
0x2e: {  	v3 =	vld [tilespmem:s7+$0x6420]  }
0x2f: {  	v4 =	vld [tilespmem:s7+$0x6430]  }
0x30: {  	v5 =	vld [tilespmem:s7+$0x6440]  }
0x31: {  	v6 =	vld [tilespmem:s7+$0x6450]  }
0x32: {  	v7 =	vld [tilespmem:s7+$0x6460]  }
0x33: {  	v8 =	vld [tilespmem:s7+$0x6470]  }
0x34: {  	v9 =	vld [tilespmem:s7+$0x6480]  }
0x35: {  	v10 =	vld [tilespmem:s7+$0x6490]  }
0x36: {  	v11 =	vld [tilespmem:s7+$0x64A0]  }
0x37: {  	v12 =	vld [tilespmem:s7+$0x64B0]  }
0x38: {  	v13 =	vld [tilespmem:s7+$0x64C0]  }
0x39: {  	v14 =	vld [tilespmem:s7+$0x64D0]  }
0x3a: {  	[tilespmem:s7+$0x96F0] =	vst.add.f32.msk $0xffff, v0  }
0x3b: {  	v0 =	vld [tilespmem:s7+$0x64E0]  }
0x3c: {  	[tilespmem:s7+$0x9600] =	vst.add.f32.msk $0xffff, v1  }
0x3d: {  	[tilespmem:s7+$0x9610] =	vst.add.f32.msk $0xffff, v2  }
0x3e: {  	[tilespmem:s7+$0x9620] =	vst.add.f32.msk $0xffff, v3  }
0x3f: {  	[tilespmem:s7+$0x9630] =	vst.add.f32.msk $0xffff, v4  }
0x40: {  	[tilespmem:s7+$0x9640] =	vst.add.f32.msk $0xffff, v5  }
0x41: {  	[tilespmem:s7+$0x9650] =	vst.add.f32.msk $0xffff, v6  }
0x42: {  	[tilespmem:s7+$0x9660] =	vst.add.f32.msk $0xffff, v7  }
0x43: {  	[tilespmem:s7+$0x9670] =	vst.add.f32.msk $0xffff, v8  }
0x44: {  	[tilespmem:s7+$0x9680] =	vst.add.f32.msk $0xffff, v9  }
0x45: {  	[tilespmem:s7+$0x9690] =	vst.add.f32.msk $0xffff, v10  }
0x46: {  	[tilespmem:s7+$0x96A0] =	vst.add.f32.msk $0xffff, v11  }
0x47: {  	[tilespmem:s7+$0x96B0] =	vst.add.f32.msk $0xffff, v12  }
0x48: {  	s10 =	sshll.u32 s3, $0x3;
	[tilespmem:s7+$0x96C0] =	vst.add.f32.msk $0xffff, v13  }
0x49: {  	s12 =	simm.s32 $0x0;
	s2 =	sshll.u32 s3, $0x2;
	s14 =	simm.s32 $0x400;
	[tilespmem:s7+$0x96D0] =	vst.add.f32.msk $0xffff, v14  }
.LBB2_3:
0x4a: {  	s12 =	sadd.s32 $0x4, s12;
	[tilespmem:s7+$0x96E0] =	vst.add.f32.msk $0xffff, v0;
	s7 =	sshra.s32 s14, $0x2  }
0x4b: {  	v0 =	vld [tilespmem:s7+$0x64F0];
	p1 =	slt.u32 s12, $0x64  }
0x4c: {  	v1 =	vld [tilespmem:s7+$0x6400]  }
0x4d: {  	v2 =	vld [tilespmem:s7+$0x6410]  }
0x4e: {  	v3 =	vld [tilespmem:s7+$0x6420]  }
0x4f: {  	v4 =	vld [tilespmem:s7+$0x6430]  }
0x50: {  	[tilespmem:s7+$0x96F0] =	vst.add.f32.msk $0xffff, v0  }
0x51: {  	v5 =	vld [tilespmem:s7+$0x6440]  }
0x52: {  	v6 =	vld [tilespmem:s7+$0x6450]  }
0x53: {  	v7 =	vld [tilespmem:s7+$0x6460]  }
0x54: {  	v8 =	vld [tilespmem:s7+$0x6470]  }
0x55: {  	v9 =	vld [tilespmem:s7+$0x6480]  }
0x56: {  	v10 =	vld [tilespmem:s7+$0x6490]  }
0x57: {  	v11 =	vld [tilespmem:s7+$0x64A0]  }
0x58: {  	v12 =	vld [tilespmem:s7+$0x64B0]  }
0x59: {  	v13 =	vld [tilespmem:s7+$0x64C0]  }
0x5a: {  	v14 =	vld [tilespmem:s7+$0x64D0]  }
0x5b: {  	v0 =	vld [tilespmem:s7+$0x64E0]  }
0x5c: {  	[tilespmem:s7+$0x9600] =	vst.add.f32.msk $0xffff, v1  }
0x5d: {  	[tilespmem:s7+$0x9610] =	vst.add.f32.msk $0xffff, v2  }
0x5e: {  	[tilespmem:s7+$0x9620] =	vst.add.f32.msk $0xffff, v3  }
0x5f: {  	[tilespmem:s7+$0x9630] =	vst.add.f32.msk $0xffff, v4  }
0x60: {  	[tilespmem:s7+$0x9640] =	vst.add.f32.msk $0xffff, v5  }
0x61: {  	[tilespmem:s7+$0x9650] =	vst.add.f32.msk $0xffff, v6  }
0x62: {  	[tilespmem:s7+$0x9660] =	vst.add.f32.msk $0xffff, v7  }
0x63: {  	[tilespmem:s7+$0x9670] =	vst.add.f32.msk $0xffff, v8  }
0x64: {  	[tilespmem:s7+$0x9680] =	vst.add.f32.msk $0xffff, v9  }
.Ltmp0:
0x65: {  	[tilespmem:s7+$0x9690] =	vst.add.f32.msk $0xffff, v10;
	(pc) =	sbr.rel @p1 .LBB2_3-.Ltmp0, $4  }
0x66: {  	[tilespmem:s7+$0x96A0] =	vst.add.f32.msk $0xffff, v11  }
0x67: {  	[tilespmem:s7+$0x96B0] =	vst.add.f32.msk $0xffff, v12  }
0x68: {  	[tilespmem:s7+$0x96C0] =	vst.add.f32.msk $0xffff, v13  }
0x69: {  	s14 =	sadd.s32 $0x400, s14;
	[tilespmem:s7+$0x96D0] =	vst.add.f32.msk $0xffff, v14  }
0x6a: {  	s2 =	sor.u32 s4, s2  }
0x6b: {  	s2 =	smul.u32 $0x6400, s2;
	_ =	sdelay $0x1  }
0x6c: {  	s14 =	rddreg [dreg:$0x1];
	s2 =	sshrl.u32 s2, $0x3  }
0x6d: {  	[tilespmem:s7+$0x96E0] =	vst.add.f32.msk $0xffff, v0;
	s12 =	simm.s32 $0x9600;
	s7 =	sadd.s32 s14, s2;
	s2 =	simm.s32 @!p0 $0xE  }
0x6e: {  	[hbm4b:s7+s21] =	stream.strided.scatter [tilespmem:s12], [sflag:$0x9], $0x1A00, s22, s21, $0x38;
	[tilespmem:$0x16600] =	vst v63  }
0x6f: {  	_ =	swait.ge @!p0 [sflag:s2], $0x1800  }
0x70: {  	[sflag:s2] =	ssyncset.done @!p0 $0x0  }
0x71: {  	s14 =	sadd.s32 $0x1F8, s8;
	[sflag:s2] =	ssyncadd.s32 @!p0 $0xFFFFE800  }
0x72: {  	[tilespmem:s23], [sflag:$0x6] =	stream.indirect.gather [hbm4b:s5+s13], $0x40, s14, s13, $0xb8;
	[tilespmem:$0x16600] =	vst v63  }
0x73: {  	_ =	swait.ge [sflag:s24], $0x1800  }
0x74: {  	[sflag:s24] =	ssyncset.done $0x0  }
0x75: {  	s2 =	simm.s32 $0x0;
	[sflag:s24] =	ssyncadd.s32 $0xFFFFE800  }
0x76: {  	v0 =	vld [tilespmem:s2+$0x7EF0]  }
0x77: {  	v1 =	vld [tilespmem:s2+$0x7E00]  }
0x78: {  	v2 =	vld [tilespmem:s2+$0x7E10]  }
0x79: {  	v3 =	vld [tilespmem:s2+$0x7E20]  }
0x7a: {  	v4 =	vld [tilespmem:s2+$0x7E30]  }
0x7b: {  	v5 =	vld [tilespmem:s2+$0x7E40]  }
0x7c: {  	v6 =	vld [tilespmem:s2+$0x7E50]  }
0x7d: {  	v7 =	vld [tilespmem:s2+$0x7E60]  }
0x7e: {  	v8 =	vld [tilespmem:s2+$0x7E70]  }
0x7f: {  	v9 =	vld [tilespmem:s2+$0x7E80]  }
0x80: {  	v10 =	vld [tilespmem:s2+$0x7E90]  }
0x81: {  	v11 =	vld [tilespmem:s2+$0x7EA0]  }
0x82: {  	v12 =	vld [tilespmem:s2+$0x7EB0]  }
0x83: {  	v13 =	vld [tilespmem:s2+$0x7EC0]  }
0x84: {  	v14 =	vld [tilespmem:s2+$0x7ED0]  }
0x85: {  	[tilespmem:s2+$0xB0F0] =	vst.add.f32.msk $0xffff, v0  }
0x86: {  	v0 =	vld [tilespmem:s2+$0x7EE0]  }
0x87: {  	[tilespmem:s2+$0xB000] =	vst.add.f32.msk $0xffff, v1  }
0x88: {  	[tilespmem:s2+$0xB010] =	vst.add.f32.msk $0xffff, v2  }
0x89: {  	[tilespmem:s2+$0xB020] =	vst.add.f32.msk $0xffff, v3  }
0x8a: {  	[tilespmem:s2+$0xB030] =	vst.add.f32.msk $0xffff, v4  }
0x8b: {  	[tilespmem:s2+$0xB040] =	vst.add.f32.msk $0xffff, v5  }
0x8c: {  	[tilespmem:s2+$0xB050] =	vst.add.f32.msk $0xffff, v6  }
0x8d: {  	[tilespmem:s2+$0xB060] =	vst.add.f32.msk $0xffff, v7  }
0x8e: {  	[tilespmem:s2+$0xB070] =	vst.add.f32.msk $0xffff, v8  }
0x8f: {  	[tilespmem:s2+$0xB080] =	vst.add.f32.msk $0xffff, v9  }
0x90: {  	[tilespmem:s2+$0xB090] =	vst.add.f32.msk $0xffff, v10  }
0x91: {  	[tilespmem:s2+$0xB0A0] =	vst.add.f32.msk $0xffff, v11  }
0x92: {  	[tilespmem:s2+$0xB0B0] =	vst.add.f32.msk $0xffff, v12  }
0x93: {  	[tilespmem:s2+$0xB0C0] =	vst.add.f32.msk $0xffff, v13  }
0x94: {  	s12 =	simm.s32 $0x0;
	s14 =	simm.s32 $0x400;
	[tilespmem:s2+$0xB0D0] =	vst.add.f32.msk $0xffff, v14  }
.LBB2_5:
0x95: {  	s12 =	sadd.s32 $0x4, s12;
	[tilespmem:s2+$0xB0E0] =	vst.add.f32.msk $0xffff, v0;
	s2 =	sshra.s32 s14, $0x2  }
0x96: {  	v0 =	vld [tilespmem:s2+$0x7EF0];
	p1 =	slt.u32 s12, $0x5C  }
0x97: {  	v1 =	vld [tilespmem:s2+$0x7E00]  }
0x98: {  	v2 =	vld [tilespmem:s2+$0x7E10]  }
0x99: {  	v3 =	vld [tilespmem:s2+$0x7E20]  }
0x9a: {  	v4 =	vld [tilespmem:s2+$0x7E30]  }
0x9b: {  	[tilespmem:s2+$0xB0F0] =	vst.add.f32.msk $0xffff, v0  }
0x9c: {  	v5 =	vld [tilespmem:s2+$0x7E40]  }
0x9d: {  	v6 =	vld [tilespmem:s2+$0x7E50]  }
0x9e: {  	v7 =	vld [tilespmem:s2+$0x7E60]  }
0x9f: {  	v8 =	vld [tilespmem:s2+$0x7E70]  }
0xa0: {  	v9 =	vld [tilespmem:s2+$0x7E80]  }
0xa1: {  	v10 =	vld [tilespmem:s2+$0x7E90]  }
0xa2: {  	v11 =	vld [tilespmem:s2+$0x7EA0]  }
0xa3: {  	v12 =	vld [tilespmem:s2+$0x7EB0]  }
0xa4: {  	v13 =	vld [tilespmem:s2+$0x7EC0]  }
0xa5: {  	v14 =	vld [tilespmem:s2+$0x7ED0]  }
0xa6: {  	v0 =	vld [tilespmem:s2+$0x7EE0]  }
0xa7: {  	[tilespmem:s2+$0xB000] =	vst.add.f32.msk $0xffff, v1  }
0xa8: {  	[tilespmem:s2+$0xB010] =	vst.add.f32.msk $0xffff, v2  }
0xa9: {  	[tilespmem:s2+$0xB020] =	vst.add.f32.msk $0xffff, v3  }
0xaa: {  	[tilespmem:s2+$0xB030] =	vst.add.f32.msk $0xffff, v4  }
0xab: {  	[tilespmem:s2+$0xB040] =	vst.add.f32.msk $0xffff, v5  }
0xac: {  	[tilespmem:s2+$0xB050] =	vst.add.f32.msk $0xffff, v6  }
0xad: {  	[tilespmem:s2+$0xB060] =	vst.add.f32.msk $0xffff, v7  }
0xae: {  	[tilespmem:s2+$0xB070] =	vst.add.f32.msk $0xffff, v8  }
0xaf: {  	[tilespmem:s2+$0xB080] =	vst.add.f32.msk $0xffff, v9  }
.Ltmp1:
0xb0: {  	[tilespmem:s2+$0xB090] =	vst.add.f32.msk $0xffff, v10;
	(pc) =	sbr.rel @p1 .LBB2_5-.Ltmp1, $4  }
0xb1: {  	[tilespmem:s2+$0xB0A0] =	vst.add.f32.msk $0xffff, v11  }
0xb2: {  	[tilespmem:s2+$0xB0B0] =	vst.add.f32.msk $0xffff, v12  }
0xb3: {  	[tilespmem:s2+$0xB0C0] =	vst.add.f32.msk $0xffff, v13  }
0xb4: {  	s14 =	sadd.s32 $0x400, s14;
	[tilespmem:s2+$0xB0D0] =	vst.add.f32.msk $0xffff, v14  }
0xb5: {  	[tilespmem:s2+$0xB0E0] =	vst.add.f32.msk $0xffff, v0;
	s14 =	sadd.s32 $0x680, s7;
	s12 =	simm.s32 $0xB000;
	s2 =	simm.s32 @!p0 $0xF  }
0xb6: {  	[hbm4b:s14+s21] =	stream.strided.scatter [tilespmem:s12], [sflag:$0xA], $0x1800, s22, s21, $0x38;
	[tilespmem:$0x16600] =	vst v63  }
0xb7: {  	_ =	swait.ge @!p0 [sflag:s2], $0x1A00  }
0xb8: {  	[sflag:s2] =	ssyncset.done @!p0 $0x0  }
0xb9: {  	s14 =	sadd.s32 $0x258, s8;
	[sflag:s2] =	ssyncadd.s32 @!p0 $0xFFFFE600  }
0xba: {  	[tilespmem:s25], [sflag:$0x7] =	stream.indirect.gather [hbm4b:s5+s11], $0x40, s14, s11, $0xb8;
	[tilespmem:$0x16600] =	vst v63  }
0xbb: {  	_ =	swait.ge [sflag:s26], $0x1A00  }
0xbc: {  	[sflag:s26] =	ssyncset.done $0x0  }
0xbd: {  	s2 =	simm.s32 $0x0;
	[sflag:s26] =	ssyncadd.s32 $0xFFFFE600  }
0xbe: {  	v0 =	vld [tilespmem:s2+$0x64F0]  }
0xbf: {  	v1 =	vld [tilespmem:s2+$0x6400]  }
0xc0: {  	v2 =	vld [tilespmem:s2+$0x6410]  }
0xc1: {  	v3 =	vld [tilespmem:s2+$0x6420]  }
0xc2: {  	v4 =	vld [tilespmem:s2+$0x6430]  }
0xc3: {  	v5 =	vld [tilespmem:s2+$0x6440]  }
0xc4: {  	v6 =	vld [tilespmem:s2+$0x6450]  }
0xc5: {  	v7 =	vld [tilespmem:s2+$0x6460]  }
0xc6: {  	v8 =	vld [tilespmem:s2+$0x6470]  }
0xc7: {  	v9 =	vld [tilespmem:s2+$0x6480]  }
0xc8: {  	v10 =	vld [tilespmem:s2+$0x6490]  }
0xc9: {  	v11 =	vld [tilespmem:s2+$0x64A0]  }
0xca: {  	v12 =	vld [tilespmem:s2+$0x64B0]  }
0xcb: {  	v13 =	vld [tilespmem:s2+$0x64C0]  }
0xcc: {  	v14 =	vld [tilespmem:s2+$0x64D0]  }
0xcd: {  	[tilespmem:s2+$0xCAF0] =	vst.add.f32.msk $0xffff, v0  }
0xce: {  	v0 =	vld [tilespmem:s2+$0x64E0]  }
0xcf: {  	[tilespmem:s2+$0xCA00] =	vst.add.f32.msk $0xffff, v1  }
0xd0: {  	[tilespmem:s2+$0xCA10] =	vst.add.f32.msk $0xffff, v2  }
0xd1: {  	[tilespmem:s2+$0xCA20] =	vst.add.f32.msk $0xffff, v3  }
0xd2: {  	[tilespmem:s2+$0xCA30] =	vst.add.f32.msk $0xffff, v4  }
0xd3: {  	[tilespmem:s2+$0xCA40] =	vst.add.f32.msk $0xffff, v5  }
0xd4: {  	[tilespmem:s2+$0xCA50] =	vst.add.f32.msk $0xffff, v6  }
0xd5: {  	[tilespmem:s2+$0xCA60] =	vst.add.f32.msk $0xffff, v7  }
0xd6: {  	[tilespmem:s2+$0xCA70] =	vst.add.f32.msk $0xffff, v8  }
0xd7: {  	[tilespmem:s2+$0xCA80] =	vst.add.f32.msk $0xffff, v9  }
0xd8: {  	[tilespmem:s2+$0xCA90] =	vst.add.f32.msk $0xffff, v10  }
0xd9: {  	[tilespmem:s2+$0xCAA0] =	vst.add.f32.msk $0xffff, v11  }
0xda: {  	[tilespmem:s2+$0xCAB0] =	vst.add.f32.msk $0xffff, v12  }
0xdb: {  	[tilespmem:s2+$0xCAC0] =	vst.add.f32.msk $0xffff, v13  }
0xdc: {  	s12 =	simm.s32 $0x0;
	s14 =	simm.s32 $0x400;
	[tilespmem:s2+$0xCAD0] =	vst.add.f32.msk $0xffff, v14  }
.LBB2_7:
0xdd: {  	s12 =	sadd.s32 $0x4, s12;
	[tilespmem:s2+$0xCAE0] =	vst.add.f32.msk $0xffff, v0;
	s2 =	sshra.s32 s14, $0x2  }
0xde: {  	v0 =	vld [tilespmem:s2+$0x64F0];
	p1 =	slt.u32 s12, $0x64  }
0xdf: {  	v1 =	vld [tilespmem:s2+$0x6400]  }
0xe0: {  	v2 =	vld [tilespmem:s2+$0x6410]  }
0xe1: {  	v3 =	vld [tilespmem:s2+$0x6420]  }
0xe2: {  	v4 =	vld [tilespmem:s2+$0x6430]  }
0xe3: {  	[tilespmem:s2+$0xCAF0] =	vst.add.f32.msk $0xffff, v0  }
0xe4: {  	v5 =	vld [tilespmem:s2+$0x6440]  }
0xe5: {  	v6 =	vld [tilespmem:s2+$0x6450]  }
0xe6: {  	v7 =	vld [tilespmem:s2+$0x6460]  }
0xe7: {  	v8 =	vld [tilespmem:s2+$0x6470]  }
0xe8: {  	v9 =	vld [tilespmem:s2+$0x6480]  }
0xe9: {  	v10 =	vld [tilespmem:s2+$0x6490]  }
0xea: {  	v11 =	vld [tilespmem:s2+$0x64A0]  }
0xeb: {  	v12 =	vld [tilespmem:s2+$0x64B0]  }
0xec: {  	v13 =	vld [tilespmem:s2+$0x64C0]  }
0xed: {  	v14 =	vld [tilespmem:s2+$0x64D0]  }
0xee: {  	v0 =	vld [tilespmem:s2+$0x64E0]  }
0xef: {  	[tilespmem:s2+$0xCA00] =	vst.add.f32.msk $0xffff, v1  }
0xf0: {  	[tilespmem:s2+$0xCA10] =	vst.add.f32.msk $0xffff, v2  }
0xf1: {  	[tilespmem:s2+$0xCA20] =	vst.add.f32.msk $0xffff, v3  }
0xf2: {  	[tilespmem:s2+$0xCA30] =	vst.add.f32.msk $0xffff, v4  }
0xf3: {  	[tilespmem:s2+$0xCA40] =	vst.add.f32.msk $0xffff, v5  }
0xf4: {  	[tilespmem:s2+$0xCA50] =	vst.add.f32.msk $0xffff, v6  }
0xf5: {  	[tilespmem:s2+$0xCA60] =	vst.add.f32.msk $0xffff, v7  }
0xf6: {  	[tilespmem:s2+$0xCA70] =	vst.add.f32.msk $0xffff, v8  }
0xf7: {  	[tilespmem:s2+$0xCA80] =	vst.add.f32.msk $0xffff, v9  }
.Ltmp2:
0xf8: {  	[tilespmem:s2+$0xCA90] =	vst.add.f32.msk $0xffff, v10;
	(pc) =	sbr.rel @p1 .LBB2_7-.Ltmp2, $4  }
0xf9: {  	[tilespmem:s2+$0xCAA0] =	vst.add.f32.msk $0xffff, v11  }
0xfa: {  	[tilespmem:s2+$0xCAB0] =	vst.add.f32.msk $0xffff, v12  }
0xfb: {  	[tilespmem:s2+$0xCAC0] =	vst.add.f32.msk $0xffff, v13  }
0xfc: {  	s14 =	sadd.s32 $0x400, s14;
	[tilespmem:s2+$0xCAD0] =	vst.add.f32.msk $0xffff, v14  }
0xfd: {  	[tilespmem:s2+$0xCAE0] =	vst.add.f32.msk $0xffff, v0;
	s12 =	sadd.s32 $0xC80, s7;
	s2 =	simm.s32 @!p0 $0x10  }
0xfe: {  	[hbm4b:s12+s21] =	stream.strided.scatter [tilespmem:s16], [sflag:$0xB], $0x1A00, s22, s21, $0x38;
	[tilespmem:$0x16600] =	vst v63  }
0xff: {  	_ =	swait.ge @!p0 [sflag:s2], $0x1800  }
0x100: {  	[sflag:s2] =	ssyncset.done @!p0 $0x0  }
0x101: {  	s14 =	sadd.s32 $0x2C0, s8;
	[sflag:s2] =	ssyncadd.s32 @!p0 $0xFFFFE800  }
0x102: {  	[tilespmem:s28], [sflag:$0x8] =	stream.indirect.gather [hbm4b:s5+s13], $0x40, s14, s13, $0xb8;
	[tilespmem:$0x16600] =	vst v63  }
0x103: {  	_ =	swait.ge [sflag:s29], $0x1800  }
0x104: {  	[sflag:s29] =	ssyncset.done $0x0  }
0x105: {  	s2 =	simm.s32 $0x0;
	[sflag:s29] =	ssyncadd.s32 $0xFFFFE800  }
0x106: {  	v0 =	vld [tilespmem:s2+$0x7EF0]  }
0x107: {  	v1 =	vld [tilespmem:s2+$0x7E00]  }
0x108: {  	v2 =	vld [tilespmem:s2+$0x7E10]  }
0x109: {  	v3 =	vld [tilespmem:s2+$0x7E20]  }
0x10a: {  	v4 =	vld [tilespmem:s2+$0x7E30]  }
0x10b: {  	v5 =	vld [tilespmem:s2+$0x7E40]  }
0x10c: {  	v6 =	vld [tilespmem:s2+$0x7E50]  }
0x10d: {  	v7 =	vld [tilespmem:s2+$0x7E60]  }
0x10e: {  	v8 =	vld [tilespmem:s2+$0x7E70]  }
0x10f: {  	v9 =	vld [tilespmem:s2+$0x7E80]  }
0x110: {  	v10 =	vld [tilespmem:s2+$0x7E90]  }
0x111: {  	v11 =	vld [tilespmem:s2+$0x7EA0]  }
0x112: {  	v12 =	vld [tilespmem:s2+$0x7EB0]  }
0x113: {  	v13 =	vld [tilespmem:s2+$0x7EC0]  }
0x114: {  	v14 =	vld [tilespmem:s2+$0x7ED0]  }
0x115: {  	[tilespmem:s2+$0xE4F0] =	vst.add.f32.msk $0xffff, v0  }
0x116: {  	v0 =	vld [tilespmem:s2+$0x7EE0]  }
0x117: {  	[tilespmem:s2+$0xE400] =	vst.add.f32.msk $0xffff, v1  }
0x118: {  	[tilespmem:s2+$0xE410] =	vst.add.f32.msk $0xffff, v2  }
0x119: {  	[tilespmem:s2+$0xE420] =	vst.add.f32.msk $0xffff, v3  }
0x11a: {  	[tilespmem:s2+$0xE430] =	vst.add.f32.msk $0xffff, v4  }
0x11b: {  	[tilespmem:s2+$0xE440] =	vst.add.f32.msk $0xffff, v5  }
0x11c: {  	[tilespmem:s2+$0xE450] =	vst.add.f32.msk $0xffff, v6  }
0x11d: {  	[tilespmem:s2+$0xE460] =	vst.add.f32.msk $0xffff, v7  }
0x11e: {  	[tilespmem:s2+$0xE470] =	vst.add.f32.msk $0xffff, v8  }
0x11f: {  	[tilespmem:s2+$0xE480] =	vst.add.f32.msk $0xffff, v9  }
0x120: {  	[tilespmem:s2+$0xE490] =	vst.add.f32.msk $0xffff, v10  }
0x121: {  	[tilespmem:s2+$0xE4A0] =	vst.add.f32.msk $0xffff, v11  }
0x122: {  	[tilespmem:s2+$0xE4B0] =	vst.add.f32.msk $0xffff, v12  }
0x123: {  	[tilespmem:s2+$0xE4C0] =	vst.add.f32.msk $0xffff, v13  }
0x124: {  	s8 =	simm.s32 $0x0;
	s12 =	simm.s32 $0x400;
	[tilespmem:s2+$0xE4D0] =	vst.add.f32.msk $0xffff, v14  }
.LBB2_9:
0x125: {  	s8 =	sadd.s32 $0x4, s8;
	[tilespmem:s2+$0xE4E0] =	vst.add.f32.msk $0xffff, v0;
	s2 =	sshra.s32 s12, $0x2  }
0x126: {  	v0 =	vld [tilespmem:s2+$0x7EF0];
	p0 =	slt.u32 s8, $0x5C  }
0x127: {  	v1 =	vld [tilespmem:s2+$0x7E00]  }
0x128: {  	v2 =	vld [tilespmem:s2+$0x7E10]  }
0x129: {  	v3 =	vld [tilespmem:s2+$0x7E20]  }
0x12a: {  	v4 =	vld [tilespmem:s2+$0x7E30]  }
0x12b: {  	[tilespmem:s2+$0xE4F0] =	vst.add.f32.msk $0xffff, v0  }
0x12c: {  	v5 =	vld [tilespmem:s2+$0x7E40]  }
0x12d: {  	v6 =	vld [tilespmem:s2+$0x7E50]  }
0x12e: {  	v7 =	vld [tilespmem:s2+$0x7E60]  }
0x12f: {  	v8 =	vld [tilespmem:s2+$0x7E70]  }
0x130: {  	v9 =	vld [tilespmem:s2+$0x7E80]  }
0x131: {  	v10 =	vld [tilespmem:s2+$0x7E90]  }
0x132: {  	v11 =	vld [tilespmem:s2+$0x7EA0]  }
0x133: {  	v12 =	vld [tilespmem:s2+$0x7EB0]  }
0x134: {  	v13 =	vld [tilespmem:s2+$0x7EC0]  }
0x135: {  	v14 =	vld [tilespmem:s2+$0x7ED0]  }
0x136: {  	v0 =	vld [tilespmem:s2+$0x7EE0]  }
0x137: {  	[tilespmem:s2+$0xE400] =	vst.add.f32.msk $0xffff, v1  }
0x138: {  	[tilespmem:s2+$0xE410] =	vst.add.f32.msk $0xffff, v2  }
0x139: {  	[tilespmem:s2+$0xE420] =	vst.add.f32.msk $0xffff, v3  }
0x13a: {  	[tilespmem:s2+$0xE430] =	vst.add.f32.msk $0xffff, v4  }
0x13b: {  	[tilespmem:s2+$0xE440] =	vst.add.f32.msk $0xffff, v5  }
0x13c: {  	[tilespmem:s2+$0xE450] =	vst.add.f32.msk $0xffff, v6  }
0x13d: {  	[tilespmem:s2+$0xE460] =	vst.add.f32.msk $0xffff, v7  }
0x13e: {  	[tilespmem:s2+$0xE470] =	vst.add.f32.msk $0xffff, v8  }
0x13f: {  	[tilespmem:s2+$0xE480] =	vst.add.f32.msk $0xffff, v9  }
.Ltmp3:
0x140: {  	[tilespmem:s2+$0xE490] =	vst.add.f32.msk $0xffff, v10;
	(pc) =	sbr.rel @p0 .LBB2_9-.Ltmp3, $4  }
0x141: {  	[tilespmem:s2+$0xE4A0] =	vst.add.f32.msk $0xffff, v11  }
0x142: {  	[tilespmem:s2+$0xE4B0] =	vst.add.f32.msk $0xffff, v12  }
0x143: {  	[tilespmem:s2+$0xE4C0] =	vst.add.f32.msk $0xffff, v13  }
0x144: {  	s12 =	sadd.s32 $0x400, s12;
	[tilespmem:s2+$0xE4D0] =	vst.add.f32.msk $0xffff, v14  }
0x145: {  	[tilespmem:s2+$0xE4E0] =	vst.add.f32.msk $0xffff, v0;
	s12 =	sadd.s32 $0x1300, s7;
	s14 =	sshrl.u32 s10, $0x1  }
0x146: {  	[hbm4b:s12+s21] =	stream.strided.scatter [tilespmem:s18], [sflag:$0xC], $0x1800, s22, s21, $0x38;
	[tilespmem:$0x16600] =	vst v63  }
0x147: {  	p0 =	seq.s32 s3, $0x1F;
	s2 =	sadd.s32 $0x4, s14  }
0x148: {  	_ =	swait.ge [sflag:s30], $0x1A00;
	s2 =	smul.u32 @!p0 $0x320, s2  }
0x149: {  	s12 =	simm.s32 @!p0 $0x9600;
	[sflag:s30] =	ssyncset.done $0x0  }
0x14a: {  	[sflag:s30] =	ssyncadd.s32 $0xFFFFE600;
	s8 =	sshra.s32 @!p0 s2, $0x2;
	s2 =	simm.s32 @!p0 $0x68  }
0x14b: {  	[tilespmem:s12], [sflag:$0x1] =	stream.indirect.gather @!p0 [hbm4b:s5+s2], $0x40, s8, s2, $0xb8;
	[tilespmem:$0x16600] =	vst v63  }
0x14c: {  	_ =	swait.ge [sflag:s31], $0x1A00  }
0x14d: {  	[sflag:s31] =	ssyncset.done $0x0  }
0x14e: {  	s2 =	simm.s32 $0x0;
	[sflag:s31] =	ssyncadd.s32 $0xFFFFE600  }
0x14f: {  	v0 =	vld [tilespmem:s2+$0x64F0]  }
0x150: {  	v1 =	vld [tilespmem:s2+$0x6400]  }
0x151: {  	v2 =	vld [tilespmem:s2+$0x6410]  }
0x152: {  	v3 =	vld [tilespmem:s2+$0x6420]  }
0x153: {  	v4 =	vld [tilespmem:s2+$0x6430]  }
0x154: {  	v5 =	vld [tilespmem:s2+$0x6440]  }
0x155: {  	v6 =	vld [tilespmem:s2+$0x6450]  }
0x156: {  	v7 =	vld [tilespmem:s2+$0x6460]  }
0x157: {  	v8 =	vld [tilespmem:s2+$0x6470]  }
0x158: {  	v9 =	vld [tilespmem:s2+$0x6480]  }
0x159: {  	v10 =	vld [tilespmem:s2+$0x6490]  }
0x15a: {  	v11 =	vld [tilespmem:s2+$0x64A0]  }
0x15b: {  	v12 =	vld [tilespmem:s2+$0x64B0]  }
0x15c: {  	v13 =	vld [tilespmem:s2+$0x64C0]  }
0x15d: {  	v14 =	vld [tilespmem:s2+$0x64D0]  }
0x15e: {  	[tilespmem:s2+$0xFEF0] =	vst.add.f32.msk $0xffff, v0  }
0x15f: {  	v0 =	vld [tilespmem:s2+$0x64E0]  }
0x160: {  	[tilespmem:s2+$0xFE00] =	vst.add.f32.msk $0xffff, v1  }
0x161: {  	[tilespmem:s2+$0xFE10] =	vst.add.f32.msk $0xffff, v2  }
0x162: {  	[tilespmem:s2+$0xFE20] =	vst.add.f32.msk $0xffff, v3  }
0x163: {  	[tilespmem:s2+$0xFE30] =	vst.add.f32.msk $0xffff, v4  }
0x164: {  	[tilespmem:s2+$0xFE40] =	vst.add.f32.msk $0xffff, v5  }
0x165: {  	[tilespmem:s2+$0xFE50] =	vst.add.f32.msk $0xffff, v6  }
0x166: {  	[tilespmem:s2+$0xFE60] =	vst.add.f32.msk $0xffff, v7  }
0x167: {  	[tilespmem:s2+$0xFE70] =	vst.add.f32.msk $0xffff, v8  }
0x168: {  	[tilespmem:s2+$0xFE80] =	vst.add.f32.msk $0xffff, v9  }
0x169: {  	[tilespmem:s2+$0xFE90] =	vst.add.f32.msk $0xffff, v10  }
0x16a: {  	[tilespmem:s2+$0xFEA0] =	vst.add.f32.msk $0xffff, v11  }
0x16b: {  	[tilespmem:s2+$0xFEB0] =	vst.add.f32.msk $0xffff, v12  }
0x16c: {  	[tilespmem:s2+$0xFEC0] =	vst.add.f32.msk $0xffff, v13  }
0x16d: {  	s14 =	simm.s32 $0x400;
	s12 =	simm.s32 $0x0;
	[tilespmem:s2+$0xFED0] =	vst.add.f32.msk $0xffff, v14  }
.LBB2_11:
0x16e: {  	s12 =	sadd.s32 $0x4, s12;
	[tilespmem:s2+$0xFEE0] =	vst.add.f32.msk $0xffff, v0;
	s2 =	sshra.s32 s14, $0x2  }
0x16f: {  	v0 =	vld [tilespmem:s2+$0x64F0];
	p1 =	slt.u32 s12, $0x64  }
0x170: {  	v1 =	vld [tilespmem:s2+$0x6400]  }
0x171: {  	v2 =	vld [tilespmem:s2+$0x6410]  }
0x172: {  	v3 =	vld [tilespmem:s2+$0x6420]  }
0x173: {  	v4 =	vld [tilespmem:s2+$0x6430]  }
0x174: {  	[tilespmem:s2+$0xFEF0] =	vst.add.f32.msk $0xffff, v0  }
0x175: {  	v5 =	vld [tilespmem:s2+$0x6440]  }
0x176: {  	v6 =	vld [tilespmem:s2+$0x6450]  }
0x177: {  	v7 =	vld [tilespmem:s2+$0x6460]  }
0x178: {  	v8 =	vld [tilespmem:s2+$0x6470]  }
0x179: {  	v9 =	vld [tilespmem:s2+$0x6480]  }
0x17a: {  	v10 =	vld [tilespmem:s2+$0x6490]  }
0x17b: {  	v11 =	vld [tilespmem:s2+$0x64A0]  }
0x17c: {  	v12 =	vld [tilespmem:s2+$0x64B0]  }
0x17d: {  	v13 =	vld [tilespmem:s2+$0x64C0]  }
0x17e: {  	v14 =	vld [tilespmem:s2+$0x64D0]  }
0x17f: {  	v0 =	vld [tilespmem:s2+$0x64E0]  }
0x180: {  	[tilespmem:s2+$0xFE00] =	vst.add.f32.msk $0xffff, v1  }
0x181: {  	[tilespmem:s2+$0xFE10] =	vst.add.f32.msk $0xffff, v2  }
0x182: {  	[tilespmem:s2+$0xFE20] =	vst.add.f32.msk $0xffff, v3  }
0x183: {  	[tilespmem:s2+$0xFE30] =	vst.add.f32.msk $0xffff, v4  }
0x184: {  	[tilespmem:s2+$0xFE40] =	vst.add.f32.msk $0xffff, v5  }
0x185: {  	[tilespmem:s2+$0xFE50] =	vst.add.f32.msk $0xffff, v6  }
0x186: {  	[tilespmem:s2+$0xFE60] =	vst.add.f32.msk $0xffff, v7  }
0x187: {  	[tilespmem:s2+$0xFE70] =	vst.add.f32.msk $0xffff, v8  }
0x188: {  	[tilespmem:s2+$0xFE80] =	vst.add.f32.msk $0xffff, v9  }
.Ltmp4:
0x189: {  	[tilespmem:s2+$0xFE90] =	vst.add.f32.msk $0xffff, v10;
	(pc) =	sbr.rel @p1 .LBB2_11-.Ltmp4, $4  }
0x18a: {  	[tilespmem:s2+$0xFEA0] =	vst.add.f32.msk $0xffff, v11  }
0x18b: {  	[tilespmem:s2+$0xFEB0] =	vst.add.f32.msk $0xffff, v12  }
0x18c: {  	[tilespmem:s2+$0xFEC0] =	vst.add.f32.msk $0xffff, v13  }
0x18d: {  	s14 =	sadd.s32 $0x400, s14;
	[tilespmem:s2+$0xFED0] =	vst.add.f32.msk $0xffff, v14  }
0x18e: {  	[tilespmem:s2+$0xFEE0] =	vst.add.f32.msk $0xffff, v0;
	s14 =	sadd.s32 $0x1900, s7  }
0x18f: {  	[hbm4b:s14+s21] =	stream.strided.scatter [tilespmem:s19], [sflag:$0xD], $0x1A00, s22, s21, $0x38;
	[tilespmem:$0x16600] =	vst v63  }
0x190: {  	_ =	swait.ge [sflag:s1], $0x1800  }
0x191: {  	s2 =	sadd.s32 @!p0 $0x68, s8;
	[sflag:s1] =	ssyncset.done $0x0  }
0x192: {  	s8 =	simm.s32 @!p0 $0x60;
	s12 =	simm.s32 @!p0 $0xB000;
	[sflag:s1] =	ssyncadd.s32 $0xFFFFE800  }
0x193: {  	[tilespmem:s12], [sflag:$0x2] =	stream.indirect.gather @!p0 [hbm4b:s5+s8], $0x40, s2, s8, $0xb8;
	[tilespmem:$0x16600] =	vst v63  }
0x194: {  	_ =	swait.ge [sflag:s0], $0x1800  }
0x195: {  	[sflag:s0] =	ssyncset.done $0x0  }
0x196: {  	s2 =	simm.s32 $0x0;
	[sflag:s0] =	ssyncadd.s32 $0xFFFFE800  }
0x197: {  	v0 =	vld [tilespmem:s2+$0x7EF0]  }
0x198: {  	v1 =	vld [tilespmem:s2+$0x7E00]  }
0x199: {  	v2 =	vld [tilespmem:s2+$0x7E10]  }
0x19a: {  	v3 =	vld [tilespmem:s2+$0x7E20]  }
0x19b: {  	v4 =	vld [tilespmem:s2+$0x7E30]  }
0x19c: {  	v5 =	vld [tilespmem:s2+$0x7E40]  }
0x19d: {  	v6 =	vld [tilespmem:s2+$0x7E50]  }
0x19e: {  	v7 =	vld [tilespmem:s2+$0x7E60]  }
0x19f: {  	v8 =	vld [tilespmem:s2+$0x7E70]  }
0x1a0: {  	v9 =	vld [tilespmem:s2+$0x7E80]  }
0x1a1: {  	v10 =	vld [tilespmem:s2+$0x7E90]  }
0x1a2: {  	v11 =	vld [tilespmem:s2+$0x7EA0]  }
0x1a3: {  	v12 =	vld [tilespmem:s2+$0x7EB0]  }
0x1a4: {  	v13 =	vld [tilespmem:s2+$0x7EC0]  }
0x1a5: {  	v14 =	vld [tilespmem:s2+$0x7ED0]  }
0x1a6: {  	[tilespmem:s2+$0x118F0] =	vst.add.f32.msk $0xffff, v0  }
0x1a7: {  	v0 =	vld [tilespmem:s2+$0x7EE0]  }
0x1a8: {  	[tilespmem:s2+$0x11800] =	vst.add.f32.msk $0xffff, v1  }
0x1a9: {  	[tilespmem:s2+$0x11810] =	vst.add.f32.msk $0xffff, v2  }
0x1aa: {  	[tilespmem:s2+$0x11820] =	vst.add.f32.msk $0xffff, v3  }
0x1ab: {  	[tilespmem:s2+$0x11830] =	vst.add.f32.msk $0xffff, v4  }
0x1ac: {  	[tilespmem:s2+$0x11840] =	vst.add.f32.msk $0xffff, v5  }
0x1ad: {  	[tilespmem:s2+$0x11850] =	vst.add.f32.msk $0xffff, v6  }
0x1ae: {  	[tilespmem:s2+$0x11860] =	vst.add.f32.msk $0xffff, v7  }
0x1af: {  	[tilespmem:s2+$0x11870] =	vst.add.f32.msk $0xffff, v8  }
0x1b0: {  	[tilespmem:s2+$0x11880] =	vst.add.f32.msk $0xffff, v9  }
0x1b1: {  	[tilespmem:s2+$0x11890] =	vst.add.f32.msk $0xffff, v10  }
0x1b2: {  	[tilespmem:s2+$0x118A0] =	vst.add.f32.msk $0xffff, v11  }
0x1b3: {  	[tilespmem:s2+$0x118B0] =	vst.add.f32.msk $0xffff, v12  }
0x1b4: {  	[tilespmem:s2+$0x118C0] =	vst.add.f32.msk $0xffff, v13  }
0x1b5: {  	s8 =	simm.s32 $0x0;
	s12 =	simm.s32 $0x400;
	[tilespmem:s2+$0x118D0] =	vst.add.f32.msk $0xffff, v14  }
.LBB2_13:
0x1b6: {  	s8 =	sadd.s32 $0x4, s8;
	[tilespmem:s2+$0x118E0] =	vst.add.f32.msk $0xffff, v0;
	s2 =	sshra.s32 s12, $0x2  }
0x1b7: {  	v0 =	vld [tilespmem:s2+$0x7EF0];
	p1 =	slt.u32 s8, $0x5C  }
0x1b8: {  	v1 =	vld [tilespmem:s2+$0x7E00]  }
0x1b9: {  	v2 =	vld [tilespmem:s2+$0x7E10]  }
0x1ba: {  	v3 =	vld [tilespmem:s2+$0x7E20]  }
0x1bb: {  	v4 =	vld [tilespmem:s2+$0x7E30]  }
0x1bc: {  	[tilespmem:s2+$0x118F0] =	vst.add.f32.msk $0xffff, v0  }
0x1bd: {  	v5 =	vld [tilespmem:s2+$0x7E40]  }
0x1be: {  	v6 =	vld [tilespmem:s2+$0x7E50]  }
0x1bf: {  	v7 =	vld [tilespmem:s2+$0x7E60]  }
0x1c0: {  	v8 =	vld [tilespmem:s2+$0x7E70]  }
0x1c1: {  	v9 =	vld [tilespmem:s2+$0x7E80]  }
0x1c2: {  	v10 =	vld [tilespmem:s2+$0x7E90]  }
0x1c3: {  	v11 =	vld [tilespmem:s2+$0x7EA0]  }
0x1c4: {  	v12 =	vld [tilespmem:s2+$0x7EB0]  }
0x1c5: {  	v13 =	vld [tilespmem:s2+$0x7EC0]  }
0x1c6: {  	v14 =	vld [tilespmem:s2+$0x7ED0]  }
0x1c7: {  	v0 =	vld [tilespmem:s2+$0x7EE0]  }
0x1c8: {  	[tilespmem:s2+$0x11800] =	vst.add.f32.msk $0xffff, v1  }
0x1c9: {  	[tilespmem:s2+$0x11810] =	vst.add.f32.msk $0xffff, v2  }
0x1ca: {  	[tilespmem:s2+$0x11820] =	vst.add.f32.msk $0xffff, v3  }
0x1cb: {  	[tilespmem:s2+$0x11830] =	vst.add.f32.msk $0xffff, v4  }
0x1cc: {  	[tilespmem:s2+$0x11840] =	vst.add.f32.msk $0xffff, v5  }
0x1cd: {  	[tilespmem:s2+$0x11850] =	vst.add.f32.msk $0xffff, v6  }
0x1ce: {  	[tilespmem:s2+$0x11860] =	vst.add.f32.msk $0xffff, v7  }
0x1cf: {  	[tilespmem:s2+$0x11870] =	vst.add.f32.msk $0xffff, v8  }
0x1d0: {  	[tilespmem:s2+$0x11880] =	vst.add.f32.msk $0xffff, v9  }
.Ltmp5:
0x1d1: {  	[tilespmem:s2+$0x11890] =	vst.add.f32.msk $0xffff, v10;
	(pc) =	sbr.rel @p1 .LBB2_13-.Ltmp5, $4  }
0x1d2: {  	[tilespmem:s2+$0x118A0] =	vst.add.f32.msk $0xffff, v11  }
0x1d3: {  	[tilespmem:s2+$0x118B0] =	vst.add.f32.msk $0xffff, v12  }
0x1d4: {  	[tilespmem:s2+$0x118C0] =	vst.add.f32.msk $0xffff, v13  }
0x1d5: {  	s12 =	sadd.s32 $0x400, s12;
	[tilespmem:s2+$0x118D0] =	vst.add.f32.msk $0xffff, v14  }
0x1d6: {  	[tilespmem:s2+$0x118E0] =	vst.add.f32.msk $0xffff, v0;
	s12 =	sadd.s32 $0x1F80, s7;
	s14 =	sadd.s32 $0xA, s10  }
0x1d7: {  	[hbm4b:s12+s21] =	stream.strided.scatter [tilespmem:s23], [sflag:$0xE], $0x1800, s22, s21, $0x38;
	[tilespmem:$0x16600] =	vst v63  }
0x1d8: {  	s2 =	sshrl.u32 s14, $0x1  }
0x1d9: {  	_ =	swait.ge [sflag:s9], $0x1A00;
	s2 =	smul.u32 @!p0 $0x320, s2  }
0x1da: {  	s10 =	simm.s32 @!p0 $0xCA00;
	[sflag:s9] =	ssyncset.done $0x0  }
0x1db: {  	[sflag:s9] =	ssyncadd.s32 $0xFFFFE600;
	s8 =	sshra.s32 @!p0 s2, $0x2;
	s2 =	simm.s32 @!p0 $0x68  }
0x1dc: {  	[tilespmem:s10], [sflag:$0x3] =	stream.indirect.gather @!p0 [hbm4b:s5+s2], $0x40, s8, s2, $0xb8;
	[tilespmem:$0x16600] =	vst v63  }
0x1dd: {  	_ =	swait.ge [sflag:s15], $0x1A00  }
0x1de: {  	[sflag:s15] =	ssyncset.done $0x0  }
0x1df: {  	s2 =	simm.s32 $0x0;
	[sflag:s15] =	ssyncadd.s32 $0xFFFFE600  }
0x1e0: {  	v0 =	vld [tilespmem:s2+$0x64F0]  }
0x1e1: {  	v1 =	vld [tilespmem:s2+$0x6400]  }
0x1e2: {  	v2 =	vld [tilespmem:s2+$0x6410]  }
0x1e3: {  	v3 =	vld [tilespmem:s2+$0x6420]  }
0x1e4: {  	v4 =	vld [tilespmem:s2+$0x6430]  }
0x1e5: {  	v5 =	vld [tilespmem:s2+$0x6440]  }
0x1e6: {  	v6 =	vld [tilespmem:s2+$0x6450]  }
0x1e7: {  	v7 =	vld [tilespmem:s2+$0x6460]  }
0x1e8: {  	v8 =	vld [tilespmem:s2+$0x6470]  }
0x1e9: {  	v9 =	vld [tilespmem:s2+$0x6480]  }
0x1ea: {  	v10 =	vld [tilespmem:s2+$0x6490]  }
0x1eb: {  	v11 =	vld [tilespmem:s2+$0x64A0]  }
0x1ec: {  	v12 =	vld [tilespmem:s2+$0x64B0]  }
0x1ed: {  	v13 =	vld [tilespmem:s2+$0x64C0]  }
0x1ee: {  	v14 =	vld [tilespmem:s2+$0x64D0]  }
0x1ef: {  	[tilespmem:s2+$0x132F0] =	vst.add.f32.msk $0xffff, v0  }
0x1f0: {  	v0 =	vld [tilespmem:s2+$0x64E0]  }
0x1f1: {  	[tilespmem:s2+$0x13200] =	vst.add.f32.msk $0xffff, v1  }
0x1f2: {  	[tilespmem:s2+$0x13210] =	vst.add.f32.msk $0xffff, v2  }
0x1f3: {  	[tilespmem:s2+$0x13220] =	vst.add.f32.msk $0xffff, v3  }
0x1f4: {  	[tilespmem:s2+$0x13230] =	vst.add.f32.msk $0xffff, v4  }
0x1f5: {  	[tilespmem:s2+$0x13240] =	vst.add.f32.msk $0xffff, v5  }
0x1f6: {  	[tilespmem:s2+$0x13250] =	vst.add.f32.msk $0xffff, v6  }
0x1f7: {  	[tilespmem:s2+$0x13260] =	vst.add.f32.msk $0xffff, v7  }
0x1f8: {  	[tilespmem:s2+$0x13270] =	vst.add.f32.msk $0xffff, v8  }
0x1f9: {  	[tilespmem:s2+$0x13280] =	vst.add.f32.msk $0xffff, v9  }
0x1fa: {  	[tilespmem:s2+$0x13290] =	vst.add.f32.msk $0xffff, v10  }
0x1fb: {  	[tilespmem:s2+$0x132A0] =	vst.add.f32.msk $0xffff, v11  }
0x1fc: {  	[tilespmem:s2+$0x132B0] =	vst.add.f32.msk $0xffff, v12  }
0x1fd: {  	[tilespmem:s2+$0x132C0] =	vst.add.f32.msk $0xffff, v13  }
0x1fe: {  	s12 =	simm.s32 $0x400;
	s10 =	simm.s32 $0x0;
	[tilespmem:s2+$0x132D0] =	vst.add.f32.msk $0xffff, v14  }
.LBB2_15:
0x1ff: {  	s10 =	sadd.s32 $0x4, s10;
	[tilespmem:s2+$0x132E0] =	vst.add.f32.msk $0xffff, v0;
	s2 =	sshra.s32 s12, $0x2  }
0x200: {  	v0 =	vld [tilespmem:s2+$0x64F0];
	p1 =	slt.u32 s10, $0x64  }
0x201: {  	v1 =	vld [tilespmem:s2+$0x6400]  }
0x202: {  	v2 =	vld [tilespmem:s2+$0x6410]  }
0x203: {  	v3 =	vld [tilespmem:s2+$0x6420]  }
0x204: {  	v4 =	vld [tilespmem:s2+$0x6430]  }
0x205: {  	[tilespmem:s2+$0x132F0] =	vst.add.f32.msk $0xffff, v0  }
0x206: {  	v5 =	vld [tilespmem:s2+$0x6440]  }
0x207: {  	v6 =	vld [tilespmem:s2+$0x6450]  }
0x208: {  	v7 =	vld [tilespmem:s2+$0x6460]  }
0x209: {  	v8 =	vld [tilespmem:s2+$0x6470]  }
0x20a: {  	v9 =	vld [tilespmem:s2+$0x6480]  }
0x20b: {  	v10 =	vld [tilespmem:s2+$0x6490]  }
0x20c: {  	v11 =	vld [tilespmem:s2+$0x64A0]  }
0x20d: {  	v12 =	vld [tilespmem:s2+$0x64B0]  }
0x20e: {  	v13 =	vld [tilespmem:s2+$0x64C0]  }
0x20f: {  	v14 =	vld [tilespmem:s2+$0x64D0]  }
0x210: {  	v0 =	vld [tilespmem:s2+$0x64E0]  }
0x211: {  	[tilespmem:s2+$0x13200] =	vst.add.f32.msk $0xffff, v1  }
0x212: {  	[tilespmem:s2+$0x13210] =	vst.add.f32.msk $0xffff, v2  }
0x213: {  	[tilespmem:s2+$0x13220] =	vst.add.f32.msk $0xffff, v3  }
0x214: {  	[tilespmem:s2+$0x13230] =	vst.add.f32.msk $0xffff, v4  }
0x215: {  	[tilespmem:s2+$0x13240] =	vst.add.f32.msk $0xffff, v5  }
0x216: {  	[tilespmem:s2+$0x13250] =	vst.add.f32.msk $0xffff, v6  }
0x217: {  	[tilespmem:s2+$0x13260] =	vst.add.f32.msk $0xffff, v7  }
0x218: {  	[tilespmem:s2+$0x13270] =	vst.add.f32.msk $0xffff, v8  }
0x219: {  	[tilespmem:s2+$0x13280] =	vst.add.f32.msk $0xffff, v9  }
.Ltmp6:
0x21a: {  	[tilespmem:s2+$0x13290] =	vst.add.f32.msk $0xffff, v10;
	(pc) =	sbr.rel @p1 .LBB2_15-.Ltmp6, $4  }
0x21b: {  	[tilespmem:s2+$0x132A0] =	vst.add.f32.msk $0xffff, v11  }
0x21c: {  	[tilespmem:s2+$0x132B0] =	vst.add.f32.msk $0xffff, v12  }
0x21d: {  	[tilespmem:s2+$0x132C0] =	vst.add.f32.msk $0xffff, v13  }
0x21e: {  	s12 =	sadd.s32 $0x400, s12;
	[tilespmem:s2+$0x132D0] =	vst.add.f32.msk $0xffff, v14  }
0x21f: {  	[tilespmem:s2+$0x132E0] =	vst.add.f32.msk $0xffff, v0;
	s14 =	sadd.s32 $0x2580, s7  }
0x220: {  	[hbm4b:s14+s21] =	stream.strided.scatter [tilespmem:s25], [sflag:$0xF], $0x1A00, s22, s21, $0x38;
	[tilespmem:$0x16600] =	vst v63  }
0x221: {  	_ =	swait.ge [sflag:s17], $0x1800  }
0x222: {  	s2 =	sadd.s32 @!p0 $0x68, s8;
	[sflag:s17] =	ssyncset.done $0x0  }
0x223: {  	s8 =	simm.s32 @!p0 $0x60;
	s10 =	simm.s32 @!p0 $0xE400;
	[sflag:s17] =	ssyncadd.s32 $0xFFFFE800  }
0x224: {  	[tilespmem:s10], [sflag:$0x4] =	stream.indirect.gather @!p0 [hbm4b:s5+s8], $0x40, s2, s8, $0xb8;
	[tilespmem:$0x16600] =	vst v63  }
0x225: {  	_ =	swait.ge [sflag:s6], $0x1800  }
0x226: {  	[sflag:s6] =	ssyncset.done $0x0  }
0x227: {  	s2 =	simm.s32 $0x0;
	[sflag:s6] =	ssyncadd.s32 $0xFFFFE800  }
0x228: {  	v0 =	vld [tilespmem:s2+$0x7EF0]  }
0x229: {  	v1 =	vld [tilespmem:s2+$0x7E00]  }
0x22a: {  	v2 =	vld [tilespmem:s2+$0x7E10]  }
0x22b: {  	v3 =	vld [tilespmem:s2+$0x7E20]  }
0x22c: {  	v4 =	vld [tilespmem:s2+$0x7E30]  }
0x22d: {  	v5 =	vld [tilespmem:s2+$0x7E40]  }
0x22e: {  	v6 =	vld [tilespmem:s2+$0x7E50]  }
0x22f: {  	v7 =	vld [tilespmem:s2+$0x7E60]  }
0x230: {  	v8 =	vld [tilespmem:s2+$0x7E70]  }
0x231: {  	v9 =	vld [tilespmem:s2+$0x7E80]  }
0x232: {  	v10 =	vld [tilespmem:s2+$0x7E90]  }
0x233: {  	v11 =	vld [tilespmem:s2+$0x7EA0]  }
0x234: {  	v12 =	vld [tilespmem:s2+$0x7EB0]  }
0x235: {  	v13 =	vld [tilespmem:s2+$0x7EC0]  }
0x236: {  	v14 =	vld [tilespmem:s2+$0x7ED0]  }
0x237: {  	[tilespmem:s2+$0x14CF0] =	vst.add.f32.msk $0xffff, v0  }
0x238: {  	v0 =	vld [tilespmem:s2+$0x7EE0]  }
0x239: {  	[tilespmem:s2+$0x14C00] =	vst.add.f32.msk $0xffff, v1  }
0x23a: {  	[tilespmem:s2+$0x14C10] =	vst.add.f32.msk $0xffff, v2  }
0x23b: {  	[tilespmem:s2+$0x14C20] =	vst.add.f32.msk $0xffff, v3  }
0x23c: {  	[tilespmem:s2+$0x14C30] =	vst.add.f32.msk $0xffff, v4  }
0x23d: {  	[tilespmem:s2+$0x14C40] =	vst.add.f32.msk $0xffff, v5  }
0x23e: {  	[tilespmem:s2+$0x14C50] =	vst.add.f32.msk $0xffff, v6  }
0x23f: {  	[tilespmem:s2+$0x14C60] =	vst.add.f32.msk $0xffff, v7  }
0x240: {  	[tilespmem:s2+$0x14C70] =	vst.add.f32.msk $0xffff, v8  }
0x241: {  	[tilespmem:s2+$0x14C80] =	vst.add.f32.msk $0xffff, v9  }
0x242: {  	[tilespmem:s2+$0x14C90] =	vst.add.f32.msk $0xffff, v10  }
0x243: {  	[tilespmem:s2+$0x14CA0] =	vst.add.f32.msk $0xffff, v11  }
0x244: {  	[tilespmem:s2+$0x14CB0] =	vst.add.f32.msk $0xffff, v12  }
0x245: {  	[tilespmem:s2+$0x14CC0] =	vst.add.f32.msk $0xffff, v13  }
0x246: {  	s8 =	simm.s32 $0x0;
	s10 =	simm.s32 $0x400;
	[tilespmem:s2+$0x14CD0] =	vst.add.f32.msk $0xffff, v14  }
.LBB2_17:
0x247: {  	s8 =	sadd.s32 $0x4, s8;
	[tilespmem:s2+$0x14CE0] =	vst.add.f32.msk $0xffff, v0;
	s2 =	sshra.s32 s10, $0x2  }
0x248: {  	v0 =	vld [tilespmem:s2+$0x7EF0];
	p0 =	slt.u32 s8, $0x5C  }
0x249: {  	v1 =	vld [tilespmem:s2+$0x7E00]  }
0x24a: {  	v2 =	vld [tilespmem:s2+$0x7E10]  }
0x24b: {  	v3 =	vld [tilespmem:s2+$0x7E20]  }
0x24c: {  	v4 =	vld [tilespmem:s2+$0x7E30]  }
0x24d: {  	[tilespmem:s2+$0x14CF0] =	vst.add.f32.msk $0xffff, v0  }
0x24e: {  	v5 =	vld [tilespmem:s2+$0x7E40]  }
0x24f: {  	v6 =	vld [tilespmem:s2+$0x7E50]  }
0x250: {  	v7 =	vld [tilespmem:s2+$0x7E60]  }
0x251: {  	v8 =	vld [tilespmem:s2+$0x7E70]  }
0x252: {  	v9 =	vld [tilespmem:s2+$0x7E80]  }
0x253: {  	v10 =	vld [tilespmem:s2+$0x7E90]  }
0x254: {  	v11 =	vld [tilespmem:s2+$0x7EA0]  }
0x255: {  	v12 =	vld [tilespmem:s2+$0x7EB0]  }
0x256: {  	v13 =	vld [tilespmem:s2+$0x7EC0]  }
0x257: {  	v14 =	vld [tilespmem:s2+$0x7ED0]  }
0x258: {  	v0 =	vld [tilespmem:s2+$0x7EE0]  }
0x259: {  	[tilespmem:s2+$0x14C00] =	vst.add.f32.msk $0xffff, v1  }
0x25a: {  	[tilespmem:s2+$0x14C10] =	vst.add.f32.msk $0xffff, v2  }
0x25b: {  	[tilespmem:s2+$0x14C20] =	vst.add.f32.msk $0xffff, v3  }
0x25c: {  	[tilespmem:s2+$0x14C30] =	vst.add.f32.msk $0xffff, v4  }
0x25d: {  	[tilespmem:s2+$0x14C40] =	vst.add.f32.msk $0xffff, v5  }
0x25e: {  	[tilespmem:s2+$0x14C50] =	vst.add.f32.msk $0xffff, v6  }
0x25f: {  	[tilespmem:s2+$0x14C60] =	vst.add.f32.msk $0xffff, v7  }
0x260: {  	[tilespmem:s2+$0x14C70] =	vst.add.f32.msk $0xffff, v8  }
0x261: {  	[tilespmem:s2+$0x14C80] =	vst.add.f32.msk $0xffff, v9  }
.Ltmp7:
0x262: {  	[tilespmem:s2+$0x14C90] =	vst.add.f32.msk $0xffff, v10;
	(pc) =	sbr.rel @p0 .LBB2_17-.Ltmp7, $4  }
0x263: {  	[tilespmem:s2+$0x14CA0] =	vst.add.f32.msk $0xffff, v11  }
0x264: {  	[tilespmem:s2+$0x14CB0] =	vst.add.f32.msk $0xffff, v12  }
0x265: {  	[tilespmem:s2+$0x14CC0] =	vst.add.f32.msk $0xffff, v13  }
0x266: {  	s10 =	sadd.s32 $0x400, s10;
	[tilespmem:s2+$0x14CD0] =	vst.add.f32.msk $0xffff, v14  }
0x267: {  	s3 =	sadd.s32 $0x1, s3  }
0x268: {  	p0 =	sne.s32 s3, $0x20  }
.Ltmp8:
0x269: {  	_ = 	snop;
	(pc) =	sbr.rel @p0 .LBB2_2-.Ltmp8, $3  }
0x26a: {  	_ =	sdelay $0x1  }
0x26b: {  	[tilespmem:s2+$0x14CE0] =	vst.add.f32.msk $0xffff, v0;
	s14 =	sadd.s32 $0x2C00, s7  }
0x26c: {  	[hbm4b:s14+s21] =	stream.strided.scatter [tilespmem:s28], [sflag:$0x10], $0x1800, s22, s21, $0x38;
	[tilespmem:$0x16600] =	vst v63  }
0x26d: {  	s2 =	simm.s32 $0xD  }
0x26e: {  	_ =	swait.ge [sflag:s2], $0x1A00  }
0x26f: {  	[sflag:s2] =	ssyncset.done $0x0  }
0x270: {  	s10 =	simm.s32 $0xE;
	[sflag:s2] =	ssyncadd.s32 $0xFFFFE600  }
0x271: {  	_ =	swait.ge [sflag:s10], $0x1800  }
0x272: {  	[sflag:s10] =	ssyncset.done $0x0  }
0x273: {  	s12 =	simm.s32 $0xF;
	[sflag:s10] =	ssyncadd.s32 $0xFFFFE800  }
0x274: {  	_ =	swait.ge [sflag:s12], $0x1A00  }
0x275: {  	[sflag:s12] =	ssyncset.done $0x0  }
0x276: {  	s3 =	simm.s32 $0x10;
	[sflag:s12] =	ssyncadd.s32 $0xFFFFE600  }
0x277: {  	_ =	swait.ge [sflag:s3], $0x1800  }
0x278: {  	s7 =	rddreg [dreg:$0x6]  }
0x279: {  	s14 =	rddreg [dreg:$0x5];
	s7 =	sadd.s32 $0x1, s7  }
0x27a: {  	p0 =	sne.s32 s7, s14  }
.Ltmp9:
0x27b: {  	_ = 	snop;
	(pc) =	sbr.rel @p0 .LBB2_1-.Ltmp9, $3  }
0x27c: {  	_ =	sdelay $0x1  }
0x27d: {  	[sflag:s3] =	ssyncset.done $0x0  }
0x27e: {  	[sflag:s3] =	ssyncadd.s32 $0xFFFFE800  }
0x27f: {  	_ =	sfence.sel $0x180000  }
0x280: {  	[bflag:$0x0] =	sbarrier.arrive $0xFFFF  }
0x281: {  	_ =	strace $0x90000047  }
0x282: {  	s0 =	stileid.u32;
	[bflag:$0x2] =	sbarrier.arrive $0xFFFF  }
0x283: {  	p0 =	sne.s32 s0, $0x0;
	s0 =	rddreg [dreg:$0x2]  }
0x284: {  	s0 =	sadd.s32 @!p0 $0x100000, s0  }
0x285: {  	[sflag:s0] =	ssyncadd.tile.s32 @!p0 $0x1;
	_ =	shalt  }
.Lfunc_end2:
_tile_overlayer_lowered:
.L_overlay_start_2:
0x286: {  	(tag) =	ssettag $0x2  }
0x287: {  	s0 =	rddreg [dreg:$0x0];
	s2 =	stileid.u32  }
0x288: {  	s1 =	rddreg [dreg:$0x1];
	p0 =	sne.s32 s2, $0x0  }
0x289: {  	s3 =	rddreg [dreg:$0x2];
	[bflag:$0x3] =	sbarrier.arrive $0xFFFF;
	s2 =	simm.s32 @!p0 $0x1C11  }
0x28a: {  	[timem:s3], [sflag:s2] =	dma.local @!p0 [hbm:s0], s1  }
0x28b: {  	s0 =	simm.s32 @!p0 $0x11  }
0x28c: {  	_ =	swait.ge @!p0 [sflag:s0], s1  }
0x28d: {  	s1 =	ssub.s32 @!p0 $0x0, s1;
	[sflag:s0] =	ssyncset.done @!p0 $0x0  }
0x28e: {  	[sflag:s0] =	ssyncadd.s32 @!p0 s1  }
0x28f: {  	[bflag:$0x3] =	sbarrier.arrive $0xFFFF  }
0x290: {  	_ =	shalt  }

</sc_bundles>
